<compile_context>
chip_gen: v7x
topology: tpu7x:2x2x1
jax: 0.10.2.dev20260603
libtpu: 0.0.44.dev20260713+nightly
codegen_flags: <defaults>
</compile_context>

<pallas_src>
import functools

import jax
import jax.numpy as jnp
from jax import lax
from jax.experimental import pallas as pl
from jax.experimental.pallas import tpu as pltpu
from jax.experimental.pallas import tpu_sc as plsc

N_NODE = 10000
N_EDGE = 160000
D = 128

NC, NS = 2, 16
NW = NC * NS
CHUNK = 128
N_CHUNKS = N_EDGE // CHUNK
CPW = (N_CHUNKS + NW - 1) // NW
CPW_LAST = N_CHUNKS - (NW - 1) * CPW
N_CHUNKS_PAD = NW * CPW
DEPTH = 2
GROUPS = CPW // DEPTH

NG_FULL = N_NODE // CHUNK
NG_TAIL = N_NODE - NG_FULL * CHUNK
NG_ITERS = (NG_FULL + NW - 1) // NW

H_SLC = 640
A_SLC = 640
A_SUB = CHUNK

_mesh = plsc.VectorSubcoreMesh(core_axis_name="c", subcore_axis_name="s")


def _worker_id():
  cid = lax.axis_index("c")
  sid = lax.axis_index("s")
  return cid, sid, sid * NC + cid


@functools.partial(
    pl.kernel,
    out_type=(
        jax.ShapeDtypeStruct((N_NODE, D), jnp.float32),
        jax.ShapeDtypeStruct((NC * N_NODE,), jnp.float32),
        jax.ShapeDtypeStruct((NC * N_NODE,), jnp.float32),
    ),
    mesh=_mesh,
    scratch_types=(
        tuple(pltpu.VMEM((CHUNK,), jnp.int32) for _ in range(NG_ITERS + 1)),
        pltpu.VMEM((CPW, CHUNK), jnp.int32),
        pltpu.VMEM((CPW, CHUNK), jnp.int32),
        tuple(pltpu.VMEM((CHUNK, D), jnp.float32) for _ in range(NG_ITERS + 1)),
        pltpu.VMEM((CHUNK,), jnp.float32),
        pltpu.VMEM((H_SLC,), jnp.float32),
        pltpu.VMEM_SHARED((N_NODE,), jnp.float32),
        pltpu.VMEM_SHARED((N_NODE,), jnp.float32),
        tuple(pltpu.SemaphoreType.DMA for _ in range(NG_ITERS + 1)),
    ),
)
def _sc_nodes_and_cp(emb_hbm, xpid_hbm, rdst_hbm, pdst_hbm, ones_hbm, zh_hbm,
                     xp_hbm, cp_hbm, cr_hbm,
                     idxs, ridx, didx, rows, ones_v, hbuf, cp_acc, cr_acc,
                     sems):
  cid, sid, wid = _worker_id()
  nch = jnp.where(wid == NW - 1, CPW_LAST, CPW)
  pltpu.sync_copy(ones_hbm, ones_v)
  hbase = jnp.minimum(sid * H_SLC, N_NODE - H_SLC)

  for c in range(NG_ITERS):
    g = c * NW + wid

    @pl.when(g < NG_FULL)
    def _(c=c, g=g):
      pltpu.sync_copy(xpid_hbm.at[pl.ds(g * CHUNK, CHUNK)], idxs[c])
      pltpu.make_async_copy(emb_hbm.at[idxs[c]], rows[c], sems[c]).start()

  tail = pl.ds(0, NG_TAIL)

  @pl.when(wid == 0)
  def _():
    pltpu.sync_copy(xpid_hbm.at[pl.ds(NG_FULL * CHUNK, NG_TAIL)],
                    idxs[NG_ITERS].at[tail])
    pltpu.make_async_copy(emb_hbm.at[idxs[NG_ITERS].at[tail]],
                          rows[NG_ITERS].at[tail], sems[NG_ITERS]).start()

  pltpu.sync_copy(rdst_hbm.at[pl.ds(wid * CPW, CPW), :], ridx)
  pltpu.sync_copy(pdst_hbm.at[pl.ds(wid * CPW, CPW), :], didx)

  pltpu.sync_copy(zh_hbm, hbuf)
  pltpu.sync_copy(hbuf, cp_acc.at[pl.ds(hbase, H_SLC)])
  pltpu.sync_copy(hbuf, cr_acc.at[pl.ds(hbase, H_SLC)])

  for c in range(NG_ITERS):
    g = c * NW + wid

    @pl.when(g < NG_FULL)
    def _(c=c, g=g):
      pltpu.make_async_copy(emb_hbm.at[idxs[c]], rows[c], sems[c]).wait()
      pltpu.sync_copy(rows[c], xp_hbm.at[pl.ds(g * CHUNK, CHUNK), :])

  @pl.when(wid == 0)
  def _():
    pltpu.make_async_copy(emb_hbm.at[idxs[NG_ITERS].at[tail]],
                          rows[NG_ITERS].at[tail], sems[NG_ITERS]).wait()
    pltpu.sync_copy(rows[NG_ITERS].at[tail],
                    xp_hbm.at[pl.ds(NG_FULL * CHUNK, NG_TAIL), :])

  plsc.subcore_barrier()

  def body(q, carry):
    descs = []
    for t in range(2):
      j = q * 2 + t
      d0 = pltpu.make_async_copy(ones_v, cp_acc.at[ridx.at[j]], sems[2 * t])
      d1 = pltpu.make_async_copy(ones_v, cr_acc.at[didx.at[j]],
                                 sems[2 * t + 1])
      descs.append((j, d0))
      descs.append((j, d1))

      @pl.when(j < nch)
      def _(d0=d0, d1=d1):
        d0.start(add=True)
        d1.start(add=True)

    for (j, d) in descs:
      @pl.when(j < nch)
      def _(d=d):
        d.wait()

    return carry

  lax.fori_loop(0, CPW // 2, body, 0)
  plsc.subcore_barrier()

  pltpu.sync_copy(cp_acc.at[pl.ds(hbase, H_SLC)], hbuf)
  pltpu.sync_copy(hbuf, cp_hbm.at[pl.ds(cid * N_NODE + hbase, H_SLC)])
  pltpu.sync_copy(cr_acc.at[pl.ds(hbase, H_SLC)], hbuf)
  pltpu.sync_copy(hbuf, cr_hbm.at[pl.ds(cid * N_NODE + hbase, H_SLC)])


def _make_seg_sum(with_hist):
  out_type = [jax.ShapeDtypeStruct((NC * N_NODE, D), jnp.float32)]
  if with_hist:
    out_type.append(jax.ShapeDtypeStruct((NC * N_NODE,), jnp.float32))

  @functools.partial(
      pl.kernel,
      out_type=tuple(out_type),
      mesh=_mesh,
      scratch_types=(
          pltpu.VMEM((CPW, CHUNK), jnp.int32),
          pltpu.VMEM((CPW, CHUNK), jnp.int32),
          tuple(pltpu.VMEM((CHUNK, D), jnp.float32) for _ in range(DEPTH)),
          pltpu.VMEM_SHARED((N_NODE, D), jnp.float32),
          tuple(pltpu.SemaphoreType.DMA for _ in range(DEPTH)),
      ),
  )
  def seg_sum(table_hbm, src_hbm, dst_hbm, ones_hbm, zrows_hbm, zh_hbm,
              *rest):
    (s_hbm, isrc, idst, rows, acc, sems) = rest
    cid, sid, wid = _worker_id()
    nch = jnp.where(wid == NW - 1, CPW_LAST, CPW)
    pltpu.sync_copy(src_hbm.at[pl.ds(wid * CPW, CPW), :], isrc)
    pltpu.sync_copy(dst_hbm.at[pl.ds(wid * CPW, CPW), :], idst)
    abase = jnp.minimum(sid * A_SLC, N_NODE - A_SLC)

    pltpu.sync_copy(zrows_hbm, rows[0])
    for k in range(A_SLC // A_SUB):
      pltpu.sync_copy(rows[0], acc.at[pl.ds(abase + k * A_SUB, A_SUB), :])

    plsc.subcore_barrier()

    def body(q, carry):
      descs = []
      for t in range(DEPTH):
        j = q * DEPTH + t
        d = pltpu.make_async_copy(table_hbm.at[isrc.at[j]], rows[t], sems[t])
        descs.append((j, d))

        @pl.when(j < nch)
        def _(d=d):
          d.start()

      for t, (j, d) in enumerate(descs):
        @pl.when(j < nch)
        def _(t=t, j=j, d=d):
          d.wait()
          pltpu.sync_copy(rows[t], acc.at[idst.at[j]], add=True)

      return carry

    lax.fori_loop(0, GROUPS, body, 0)
    plsc.subcore_barrier()

    for k in range(A_SLC // A_SUB):
      pltpu.sync_copy(acc.at[pl.ds(abase + k * A_SUB, A_SUB), :], rows[0])
      pltpu.sync_copy(
          rows[0], s_hbm.at[pl.ds(cid * N_NODE + abase + k * A_SUB, A_SUB), :])

  return seg_sum


_seg_sum = _make_seg_sum(False)



BLK = 1000
_P = lax.Precision.HIGHEST


def _l2norm(o):
  n = jnp.sqrt(jnp.sum(o * o, axis=-1, keepdims=True))
  return o / jnp.maximum(n, 1e-12)


def _tc_new_p_body(xp, cpa, cpb, er, wl0rp, bl0rp, wr0rp, br0rp, out_p):
  cp = cpa[...] + cpb[...]
  rowp = jnp.dot(er[...], wl0rp[...], precision=_P,
                 preferred_element_type=jnp.float32)
  o_p = (jnp.where(cp > 0.0, 1.0, 0.0) * rowp
         + jnp.dot(xp[...], wr0rp[...], precision=_P,
                   preferred_element_type=jnp.float32)
         + bl0rp[...] + br0rp[...])
  out_p[...] = jax.nn.relu(_l2norm(o_p))


def _tc_new_r_body(s0a, s0b, cra, crb, er, wl0pr, bl0pr, wr0pr, br0pr,
                   out_r):
  c = cra[...] + crb[...]
  mean = (s0a[...] + s0b[...]) / jnp.maximum(c, 1.0)
  row0 = (jnp.dot(er[...], wr0pr[...], precision=_P,
                  preferred_element_type=jnp.float32)
          + bl0pr[...] + br0pr[...])
  o_r = jnp.dot(mean, wl0pr[...], precision=_P,
                preferred_element_type=jnp.float32) + row0
  out_r[...] = jax.nn.relu(_l2norm(o_r))


def _tc_layer1_body(s1a, s1b, cra, crb, nr,
                    wl1pr, bl1pr, wr1pr, br1pr, wout, bout, out):
  c = cra[...] + crb[...]
  mean = (s1a[...] + s1b[...]) / jnp.maximum(c, 1.0)
  o = (jnp.dot(mean, wl1pr[...], precision=_P,
               preferred_element_type=jnp.float32) + bl1pr[...]
       + jnp.dot(nr[...], wr1pr[...], precision=_P,
                 preferred_element_type=jnp.float32) + br1pr[...])
  t = jax.nn.relu(_l2norm(o))
  out[...] = jnp.dot(t, wout[...], precision=_P,
                     preferred_element_type=jnp.float32) + bout[...]


def _rows_spec(width=D):
  return pl.BlockSpec((BLK, width), lambda i: (i, 0))


def _full_spec(shape):
  return pl.BlockSpec(shape, lambda i: tuple(0 for _ in shape))


def kernel(x_protein, x_reaction, edge_index_p2r, edge_index_r2p,
           emb_protein, emb_reaction,
           Wl0pr, bl0pr, Wr0pr, br0pr, Wl0rp, bl0rp, Wr0rp, br0rp,
           Wl1pr, bl1pr, Wr1pr, br1pr, Wl1rp, bl1rp, Wr1rp, br1rp,
           W_out, b_out):
  f32 = jnp.float32
  xpid = x_protein[:, 0].astype(jnp.int32)

  def _chunked(ix):
    ix = ix.astype(jnp.int32).reshape(N_CHUNKS, CHUNK)
    return jnp.pad(ix, ((0, N_CHUNKS_PAD - N_CHUNKS), (0, 0)))

  src2 = _chunked(edge_index_p2r[0])
  dst2 = _chunked(edge_index_p2r[1])
  rdst2 = _chunked(edge_index_r2p[1])
  ones_c = jnp.ones((CHUNK,), f32)
  zrows = jnp.zeros((CHUNK, D), f32)
  zh = jnp.zeros((H_SLC,), f32)

  xp, cp_part, cr_part = _sc_nodes_and_cp(emb_protein.astype(f32), xpid,
                                          rdst2, dst2, ones_c, zh)
  (s0_part,) = _seg_sum(xp, src2, dst2, ones_c, zrows, zh)

  er = emb_reaction.astype(f32).reshape(1, D)
  row = lambda b: b.reshape(1, D)
  cp_a = cp_part[:N_NODE].reshape(N_NODE, 1)
  cp_b = cp_part[N_NODE:].reshape(N_NODE, 1)
  cr_a = cr_part[:N_NODE].reshape(N_NODE, 1)
  cr_b = cr_part[N_NODE:].reshape(N_NODE, 1)
  s0_a, s0_b = s0_part[:N_NODE], s0_part[N_NODE:]

  grid = (N_NODE // BLK,)
  new_p = pl.pallas_call(
      _tc_new_p_body,
      grid=grid,
      in_specs=[
          _rows_spec(), _rows_spec(1), _rows_spec(1),
          _full_spec((1, D)),
          _full_spec((D, D)), _full_spec((1, D)),
          _full_spec((D, D)), _full_spec((1, D)),
      ],
      out_specs=_rows_spec(),
      out_shape=jax.ShapeDtypeStruct((N_NODE, D), f32),
  )(xp, cp_a, cp_b, er, Wl0rp, row(bl0rp), Wr0rp, row(br0rp))

  (s1_part,) = _seg_sum(new_p, src2, dst2, ones_c, zrows, zh)
  s1_a, s1_b = s1_part[:N_NODE], s1_part[N_NODE:]

  new_r = pl.pallas_call(
      _tc_new_r_body,
      grid=grid,
      in_specs=[
          _rows_spec(), _rows_spec(), _rows_spec(1), _rows_spec(1),
          _full_spec((1, D)),
          _full_spec((D, D)), _full_spec((1, D)),
          _full_spec((D, D)), _full_spec((1, D)),
      ],
      out_specs=_rows_spec(),
      out_shape=jax.ShapeDtypeStruct((N_NODE, D), f32),
  )(s0_a, s0_b, cr_a, cr_b, er, Wl0pr, row(bl0pr), Wr0pr, row(br0pr))

  out = pl.pallas_call(
      _tc_layer1_body,
      grid=grid,
      in_specs=[
          _rows_spec(), _rows_spec(), _rows_spec(1), _rows_spec(1),
          _rows_spec(),
          _full_spec((D, D)), _full_spec((1, D)),
          _full_spec((D, D)), _full_spec((1, D)),
          _full_spec((D, D)), _full_spec((1, D)),
      ],
      out_specs=_rows_spec(),
      out_shape=jax.ShapeDtypeStruct((N_NODE, D), f32),
  )(s1_a, s1_b, cr_a, cr_b, new_r,
    Wl1pr, row(bl1pr), Wr1pr, row(br1pr), W_out, row(b_out))

  return out

# --- scband reference (transcript-rebuilt; emitter-appended) ---
"""Pipeline reference for scband-hetero-gnn-37726992728705 (READ-ONLY COPY).

The authoritative reference and input builder live on the scoring server;
editing this copy changes nothing except your own understanding.
"""

import jax, jax.numpy as jnp
import numpy as np

N_P = 10000
N_R = 10000
E = 160000
D = 128
HID = 128
OUT = 128


def _sage(x_src, x_dst, ei, Wl, bl, Wr, br, num_dst):
    # PyG SAGEConv with mean aggregation and normalize=True
    src = ei[0]
    dst = ei[1]
    msgs = jnp.take(x_src, src, axis=0)
    s = jax.ops.segment_sum(msgs, dst, num_segments=num_dst)
    cnt = jax.ops.segment_sum(jnp.ones((ei.shape[1],), dtype=x_src.dtype), dst, num_segments=num_dst)
    mean = s / jnp.clip(cnt, 1.0)[:, None]
    out = mean @ Wl + bl + x_dst @ Wr + br
    nrm = jnp.sqrt(jnp.sum(out * out, axis=-1, keepdims=True))
    return out / jnp.maximum(nrm, 1e-12)


def setup_inputs(seed: int = 0):
    key = jax.random.key(seed)
    ks = jax.random.split(key, 32)
    inp = {}
    inp['x_protein'] = jax.random.randint(ks[0], (N_P, 1), 0, N_P)
    inp['x_reaction'] = jax.random.randint(ks[1], (N_R, 1), 0, N_R)
    inp['edge_index_p2r'] = jax.random.randint(ks[2], (2, E), 0, N_P)
    inp['edge_index_r2p'] = jax.random.randint(ks[3], (2, E), 0, N_R)
    # pretrained protein embedding table and learned 1-row reaction embedding
    inp['emb_protein'] = jax.random.normal(ks[4], (N_P, D), dtype=jnp.float32) * 0.02
    inp['emb_reaction'] = jax.random.normal(ks[5], (1, D), dtype=jnp.float32) * 0.02
    k = 6
    for layer in (0, 1):
        din = D if layer == 0 else HID
        for et in ('pr', 'rp'):
            inp['Wl%d%s' % (layer, et)] = jax.random.normal(ks[k], (din, HID), dtype=jnp.float32) / np.sqrt(din); k += 1
            inp['bl%d%s' % (layer, et)] = jnp.zeros((HID,), dtype=jnp.float32)
            inp['Wr%d%s' % (layer, et)] = jax.random.normal(ks[k], (din, HID), dtype=jnp.float32) / np.sqrt(din); k += 1
            inp['br%d%s' % (layer, et)] = jnp.zeros((HID,), dtype=jnp.float32)
    inp['W_out'] = jax.random.normal(ks[k], (HID, OUT), dtype=jnp.float32) / np.sqrt(HID); k += 1
    inp['b_out'] = jnp.zeros((OUT,), dtype=jnp.float32)
    return inp


def reference(x_protein, x_reaction, edge_index_p2r, edge_index_r2p, emb_protein, emb_reaction,
              Wl0pr, bl0pr, Wr0pr, br0pr, Wl0rp, bl0rp, Wr0rp, br0rp,
              Wl1pr, bl1pr, Wr1pr, br1pr, Wl1rp, bl1rp, Wr1rp, br1rp,
              W_out, b_out):
    # PartialFixedEmbedding: protein uses pretrained table lookup; reaction uses index-0 shared embedding
    xp = jnp.take(emb_protein, x_protein[:, 0], axis=0)
    xr = jnp.take(emb_reaction, jnp.zeros_like(x_reaction[:, 0]), axis=0)
    # HeteroConv layer 0 (aggr='sum'; one edge type per dst here) + relu
    new_r = jax.nn.relu(_sage(xp, xr, edge_index_p2r, Wl0pr, bl0pr, Wr0pr, br0pr, N_R))
    new_p = jax.nn.relu(_sage(xr, xp, edge_index_r2p, Wl0rp, bl0rp, Wr0rp, br0rp, N_P))
    xp, xr = new_p, new_r
    # HeteroConv layer 1 + relu
    new_r = jax.nn.relu(_sage(xp, xr, edge_index_p2r, Wl1pr, bl1pr, Wr1pr, br1pr, N_R))
    new_p = jax.nn.relu(_sage(xr, xp, edge_index_r2p, Wl1rp, bl1rp, Wr1rp, br1rp, N_P))
    xp, xr = new_p, new_r
    # lin_reaction on reaction nodes
    return xr @ W_out + b_out

if __name__ == "__main__":
    import jax
    _d = setup_inputs()
    print(jax.jit(kernel)(*tuple(_d.values())))

</pallas_src>

<mosaic_0001>
#map = affine_map<(d0, d1) -> (0, 0)>
#map1 = affine_map<(d0, d1) -> (0)>
module attributes {stable_mosaic.version = 14 : i64} {
  func.func @seg_sum(%arg0: i32, %arg1: i32, %arg2: memref<10000x128xf32, #tpu.memory_space<hbm>>, %arg3: memref<1280x128xi32, #tpu.memory_space<hbm>>, %arg4: memref<1280x128xi32, #tpu.memory_space<hbm>>, %arg5: memref<128xf32, #tpu.memory_space<hbm>>, %arg6: memref<128x128xf32, #tpu.memory_space<hbm>>, %arg7: memref<640xf32, #tpu.memory_space<hbm>>, %arg8: memref<20000x128xf32, #tpu.memory_space<hbm>>, %arg9: memref<40x128xi32, #tpu.memory_space<vmem>>, %arg10: memref<40x128xi32, #tpu.memory_space<vmem>>, %arg11: memref<128x128xf32, #tpu.memory_space<vmem>>, %arg12: memref<128x128xf32, #tpu.memory_space<vmem>>, %arg13: memref<10000x128xf32, #tpu.memory_space<vmem_shared>>, %arg14: memref<!tpu.dma_semaphore, #tpu.memory_space<semaphore_mem>>, %arg15: memref<!tpu.dma_semaphore, #tpu.memory_space<semaphore_mem>>) attributes {dimension_semantics = [#tpu.dimension_semantics<core_parallel>, #tpu.dimension_semantics<subcore_parallel>], iteration_bounds = array<i64: 2, 16>, scalar_prefetch = 0 : i64, scratch_operands = 7 : i64, tpu.core_type = #tpu.core_type<sc_vector_subcore>, window_params = [{transform_indices = #map}, {transform_indices = #map}, {transform_indices = #map}, {transform_indices = #map1}, {transform_indices = #map}, {transform_indices = #map1}, {transform_indices = #map}]} {
    %mul3A = arith.constant 2 : i32
    %mul3A_0 = arith.muli %arg1, %mul3A : i32
    %add3A = arith.addi %mul3A_0, %arg0 : i32
    %eq3A = arith.constant 31 : i32
    %eq3A_1 = arith.cmpi eq, %add3A, %eq3A : i32
    %jit3A = arith.constant 10 : i32
    %jit3A_2 = arith.constant 40 : i32
    %select_n3A = arith.select %eq3A_1, %jit3A, %jit3A_2 : i32
    %mul3A_3 = arith.constant 40 : i32
    %mul3A_4 = arith.muli %add3A, %mul3A_3 : i32
    "tpu.region"() ({
      %run_scoped3A = tpu.sem_alloc : memref<!tpu.dma_semaphore, #tpu.memory_space<semaphore_mem>>
      %dma_start3A = arith.constant 0 : i32
      %dma_start3A_61 = tpu.memref_slice %arg3[%mul3A_4, %dma_start3A] : memref<1280x128xi32, #tpu.memory_space<hbm>> -> memref<40x128xi32, #tpu.memory_space<hbm>>
      %dma_start3A_62 = arith.constant 0 : i32
      %dma_start3A_63 = tpu.memref_slice %arg3[%mul3A_4, %dma_start3A_62] : memref<1280x128xi32, #tpu.memory_space<hbm>> -> memref<40x128xi32, #tpu.memory_space<hbm>>
      tpu.enqueue_dma source(%dma_start3A_63 : memref<40x128xi32, #tpu.memory_space<hbm>>) target(%arg9 : memref<40x128xi32, #tpu.memory_space<vmem>>) target_semaphore(%run_scoped3A : memref<!tpu.dma_semaphore, #tpu.memory_space<semaphore_mem>>)
      %dma_wait3A = arith.constant 0 : i32
      %dma_wait3A_64 = tpu.memref_slice %arg3[%mul3A_4, %dma_wait3A] : memref<1280x128xi32, #tpu.memory_space<hbm>> -> memref<40x128xi32, #tpu.memory_space<hbm>>
      %dma_wait3A_65 = arith.constant 0 : i32
      %dma_wait3A_66 = tpu.memref_slice %arg3[%mul3A_4, %dma_wait3A_65] : memref<1280x128xi32, #tpu.memory_space<hbm>> -> memref<40x128xi32, #tpu.memory_space<hbm>>
      tpu.wait_dma2 semaphore(%run_scoped3A : memref<!tpu.dma_semaphore, #tpu.memory_space<semaphore_mem>>) src(%dma_wait3A_66 : memref<40x128xi32, #tpu.memory_space<hbm>>) dst(%arg9 : memref<40x128xi32, #tpu.memory_space<vmem>>)
      tpu.yield
    }) : () -> ()
    %mul3A_5 = arith.constant 40 : i32
    %mul3A_6 = arith.muli %add3A, %mul3A_5 : i32
    "tpu.region"() ({
      %run_scoped3A = tpu.sem_alloc : memref<!tpu.dma_semaphore, #tpu.memory_space<semaphore_mem>>
      %dma_start3A = arith.constant 0 : i32
      %dma_start3A_61 = tpu.memref_slice %arg4[%mul3A_6, %dma_start3A] : memref<1280x128xi32, #tpu.memory_space<hbm>> -> memref<40x128xi32, #tpu.memory_space<hbm>>
      %dma_start3A_62 = arith.constant 0 : i32
      %dma_start3A_63 = tpu.memref_slice %arg4[%mul3A_6, %dma_start3A_62] : memref<1280x128xi32, #tpu.memory_space<hbm>> -> memref<40x128xi32, #tpu.memory_space<hbm>>
      tpu.enqueue_dma source(%dma_start3A_63 : memref<40x128xi32, #tpu.memory_space<hbm>>) target(%arg10 : memref<40x128xi32, #tpu.memory_space<vmem>>) target_semaphore(%run_scoped3A : memref<!tpu.dma_semaphore, #tpu.memory_space<semaphore_mem>>)
      %dma_wait3A = arith.constant 0 : i32
      %dma_wait3A_64 = tpu.memref_slice %arg4[%mul3A_6, %dma_wait3A] : memref<1280x128xi32, #tpu.memory_space<hbm>> -> memref<40x128xi32, #tpu.memory_space<hbm>>
      %dma_wait3A_65 = arith.constant 0 : i32
      %dma_wait3A_66 = tpu.memref_slice %arg4[%mul3A_6, %dma_wait3A_65] : memref<1280x128xi32, #tpu.memory_space<hbm>> -> memref<40x128xi32, #tpu.memory_space<hbm>>
      tpu.wait_dma2 semaphore(%run_scoped3A : memref<!tpu.dma_semaphore, #tpu.memory_space<semaphore_mem>>) src(%dma_wait3A_66 : memref<40x128xi32, #tpu.memory_space<hbm>>) dst(%arg10 : memref<40x128xi32, #tpu.memory_space<vmem>>)
      tpu.yield
    }) : () -> ()
    %mul3A_7 = arith.constant 640 : i32
    %mul3A_8 = arith.muli %arg1, %mul3A_7 : i32
    %min3A = arith.constant 9360 : i32
    %min3A_9 = arith.minsi %mul3A_8, %min3A : i32
    "tpu.region"() ({
      %run_scoped3A = tpu.sem_alloc : memref<!tpu.dma_semaphore, #tpu.memory_space<semaphore_mem>>
      tpu.enqueue_dma source(%arg6 : memref<128x128xf32, #tpu.memory_space<hbm>>) target(%arg11 : memref<128x128xf32, #tpu.memory_space<vmem>>) target_semaphore(%run_scoped3A : memref<!tpu.dma_semaphore, #tpu.memory_space<semaphore_mem>>)
      tpu.wait_dma2 semaphore(%run_scoped3A : memref<!tpu.dma_semaphore, #tpu.memory_space<semaphore_mem>>) src(%arg6 : memref<128x128xf32, #tpu.memory_space<hbm>>) dst(%arg11 : memref<128x128xf32, #tpu.memory_space<vmem>>)
      tpu.yield
    }) : () -> ()
    %add3A_10 = arith.constant 0 : i32
    %add3A_11 = arith.addi %min3A_9, %add3A_10 : i32
    "tpu.region"() ({
      %run_scoped3A = tpu.sem_alloc : memref<!tpu.dma_semaphore, #tpu.memory_space<semaphore_mem>>
      %dma_start3A = arith.constant 0 : i32
      %dma_start3A_61 = tpu.memref_slice %arg13[%add3A_11, %dma_start3A] : memref<10000x128xf32, #tpu.memory_space<vmem_shared>> -> memref<128x128xf32, #tpu.memory_space<vmem_shared>>
      %dma_start3A_62 = arith.constant 0 : i32
      %dma_start3A_63 = tpu.memref_slice %arg13[%add3A_11, %dma_start3A_62] : memref<10000x128xf32, #tpu.memory_space<vmem_shared>> -> memref<128x128xf32, #tpu.memory_space<vmem_shared>>
      tpu.enqueue_dma source(%arg11 : memref<128x128xf32, #tpu.memory_space<vmem>>) target(%dma_start3A_63 : memref<128x128xf32, #tpu.memory_space<vmem_shared>>) target_semaphore(%run_scoped3A : memref<!tpu.dma_semaphore, #tpu.memory_space<semaphore_mem>>)
      %dma_wait3A = arith.constant 0 : i32
      %dma_wait3A_64 = tpu.memref_slice %arg13[%add3A_11, %dma_wait3A] : memref<10000x128xf32, #tpu.memory_space<vmem_shared>> -> memref<128x128xf32, #tpu.memory_space<vmem_shared>>
      %dma_wait3A_65 = arith.constant 0 : i32
      %dma_wait3A_66 = tpu.memref_slice %arg13[%add3A_11, %dma_wait3A_65] : memref<10000x128xf32, #tpu.memory_space<vmem_shared>> -> memref<128x128xf32, #tpu.memory_space<vmem_shared>>
      tpu.wait_dma2 semaphore(%run_scoped3A : memref<!tpu.dma_semaphore, #tpu.memory_space<semaphore_mem>>) src(%arg11 : memref<128x128xf32, #tpu.memory_space<vmem>>) dst(%dma_wait3A_66 : memref<128x128xf32, #tpu.memory_space<vmem_shared>>)
      tpu.yield
    }) : () -> ()
    %add3A_12 = arith.constant 128 : i32
    %add3A_13 = arith.addi %min3A_9, %add3A_12 : i32
    "tpu.region"() ({
      %run_scoped3A = tpu.sem_alloc : memref<!tpu.dma_semaphore, #tpu.memory_space<semaphore_mem>>
      %dma_start3A = arith.constant 0 : i32
      %dma_start3A_61 = tpu.memref_slice %arg13[%add3A_13, %dma_start3A] : memref<10000x128xf32, #tpu.memory_space<vmem_shared>> -> memref<128x128xf32, #tpu.memory_space<vmem_shared>>
      %dma_start3A_62 = arith.constant 0 : i32
      %dma_start3A_63 = tpu.memref_slice %arg13[%add3A_13, %dma_start3A_62] : memref<10000x128xf32, #tpu.memory_space<vmem_shared>> -> memref<128x128xf32, #tpu.memory_space<vmem_shared>>
      tpu.enqueue_dma source(%arg11 : memref<128x128xf32, #tpu.memory_space<vmem>>) target(%dma_start3A_63 : memref<128x128xf32, #tpu.memory_space<vmem_shared>>) target_semaphore(%run_scoped3A : memref<!tpu.dma_semaphore, #tpu.memory_space<semaphore_mem>>)
      %dma_wait3A = arith.constant 0 : i32
      %dma_wait3A_64 = tpu.memref_slice %arg13[%add3A_13, %dma_wait3A] : memref<10000x128xf32, #tpu.memory_space<vmem_shared>> -> memref<128x128xf32, #tpu.memory_space<vmem_shared>>
      %dma_wait3A_65 = arith.constant 0 : i32
      %dma_wait3A_66 = tpu.memref_slice %arg13[%add3A_13, %dma_wait3A_65] : memref<10000x128xf32, #tpu.memory_space<vmem_shared>> -> memref<128x128xf32, #tpu.memory_space<vmem_shared>>
      tpu.wait_dma2 semaphore(%run_scoped3A : memref<!tpu.dma_semaphore, #tpu.memory_space<semaphore_mem>>) src(%arg11 : memref<128x128xf32, #tpu.memory_space<vmem>>) dst(%dma_wait3A_66 : memref<128x128xf32, #tpu.memory_space<vmem_shared>>)
      tpu.yield
    }) : () -> ()
    %add3A_14 = arith.constant 256 : i32
    %add3A_15 = arith.addi %min3A_9, %add3A_14 : i32
    "tpu.region"() ({
      %run_scoped3A = tpu.sem_alloc : memref<!tpu.dma_semaphore, #tpu.memory_space<semaphore_mem>>
      %dma_start3A = arith.constant 0 : i32
      %dma_start3A_61 = tpu.memref_slice %arg13[%add3A_15, %dma_start3A] : memref<10000x128xf32, #tpu.memory_space<vmem_shared>> -> memref<128x128xf32, #tpu.memory_space<vmem_shared>>
      %dma_start3A_62 = arith.constant 0 : i32
      %dma_start3A_63 = tpu.memref_slice %arg13[%add3A_15, %dma_start3A_62] : memref<10000x128xf32, #tpu.memory_space<vmem_shared>> -> memref<128x128xf32, #tpu.memory_space<vmem_shared>>
      tpu.enqueue_dma source(%arg11 : memref<128x128xf32, #tpu.memory_space<vmem>>) target(%dma_start3A_63 : memref<128x128xf32, #tpu.memory_space<vmem_shared>>) target_semaphore(%run_scoped3A : memref<!tpu.dma_semaphore, #tpu.memory_space<semaphore_mem>>)
      %dma_wait3A = arith.constant 0 : i32
      %dma_wait3A_64 = tpu.memref_slice %arg13[%add3A_15, %dma_wait3A] : memref<10000x128xf32, #tpu.memory_space<vmem_shared>> -> memref<128x128xf32, #tpu.memory_space<vmem_shared>>
      %dma_wait3A_65 = arith.constant 0 : i32
      %dma_wait3A_66 = tpu.memref_slice %arg13[%add3A_15, %dma_wait3A_65] : memref<10000x128xf32, #tpu.memory_space<vmem_shared>> -> memref<128x128xf32, #tpu.memory_space<vmem_shared>>
      tpu.wait_dma2 semaphore(%run_scoped3A : memref<!tpu.dma_semaphore, #tpu.memory_space<semaphore_mem>>) src(%arg11 : memref<128x128xf32, #tpu.memory_space<vmem>>) dst(%dma_wait3A_66 : memref<128x128xf32, #tpu.memory_space<vmem_shared>>)
      tpu.yield
    }) : () -> ()
    %add3A_16 = arith.constant 384 : i32
    %add3A_17 = arith.addi %min3A_9, %add3A_16 : i32
    "tpu.region"() ({
      %run_scoped3A = tpu.sem_alloc : memref<!tpu.dma_semaphore, #tpu.memory_space<semaphore_mem>>
      %dma_start3A = arith.constant 0 : i32
      %dma_start3A_61 = tpu.memref_slice %arg13[%add3A_17, %dma_start3A] : memref<10000x128xf32, #tpu.memory_space<vmem_shared>> -> memref<128x128xf32, #tpu.memory_space<vmem_shared>>
      %dma_start3A_62 = arith.constant 0 : i32
      %dma_start3A_63 = tpu.memref_slice %arg13[%add3A_17, %dma_start3A_62] : memref<10000x128xf32, #tpu.memory_space<vmem_shared>> -> memref<128x128xf32, #tpu.memory_space<vmem_shared>>
      tpu.enqueue_dma source(%arg11 : memref<128x128xf32, #tpu.memory_space<vmem>>) target(%dma_start3A_63 : memref<128x128xf32, #tpu.memory_space<vmem_shared>>) target_semaphore(%run_scoped3A : memref<!tpu.dma_semaphore, #tpu.memory_space<semaphore_mem>>)
      %dma_wait3A = arith.constant 0 : i32
      %dma_wait3A_64 = tpu.memref_slice %arg13[%add3A_17, %dma_wait3A] : memref<10000x128xf32, #tpu.memory_space<vmem_shared>> -> memref<128x128xf32, #tpu.memory_space<vmem_shared>>
      %dma_wait3A_65 = arith.constant 0 : i32
      %dma_wait3A_66 = tpu.memref_slice %arg13[%add3A_17, %dma_wait3A_65] : memref<10000x128xf32, #tpu.memory_space<vmem_shared>> -> memref<128x128xf32, #tpu.memory_space<vmem_shared>>
      tpu.wait_dma2 semaphore(%run_scoped3A : memref<!tpu.dma_semaphore, #tpu.memory_space<semaphore_mem>>) src(%arg11 : memref<128x128xf32, #tpu.memory_space<vmem>>) dst(%dma_wait3A_66 : memref<128x128xf32, #tpu.memory_space<vmem_shared>>)
      tpu.yield
    }) : () -> ()
    %add3A_18 = arith.constant 512 : i32
    %add3A_19 = arith.addi %min3A_9, %add3A_18 : i32
    "tpu.region"() ({
      %run_scoped3A = tpu.sem_alloc : memref<!tpu.dma_semaphore, #tpu.memory_space<semaphore_mem>>
      %dma_start3A = arith.constant 0 : i32
      %dma_start3A_61 = tpu.memref_slice %arg13[%add3A_19, %dma_start3A] : memref<10000x128xf32, #tpu.memory_space<vmem_shared>> -> memref<128x128xf32, #tpu.memory_space<vmem_shared>>
      %dma_start3A_62 = arith.constant 0 : i32
      %dma_start3A_63 = tpu.memref_slice %arg13[%add3A_19, %dma_start3A_62] : memref<10000x128xf32, #tpu.memory_space<vmem_shared>> -> memref<128x128xf32, #tpu.memory_space<vmem_shared>>
      tpu.enqueue_dma source(%arg11 : memref<128x128xf32, #tpu.memory_space<vmem>>) target(%dma_start3A_63 : memref<128x128xf32, #tpu.memory_space<vmem_shared>>) target_semaphore(%run_scoped3A : memref<!tpu.dma_semaphore, #tpu.memory_space<semaphore_mem>>)
      %dma_wait3A = arith.constant 0 : i32
      %dma_wait3A_64 = tpu.memref_slice %arg13[%add3A_19, %dma_wait3A] : memref<10000x128xf32, #tpu.memory_space<vmem_shared>> -> memref<128x128xf32, #tpu.memory_space<vmem_shared>>
      %dma_wait3A_65 = arith.constant 0 : i32
      %dma_wait3A_66 = tpu.memref_slice %arg13[%add3A_19, %dma_wait3A_65] : memref<10000x128xf32, #tpu.memory_space<vmem_shared>> -> memref<128x128xf32, #tpu.memory_space<vmem_shared>>
      tpu.wait_dma2 semaphore(%run_scoped3A : memref<!tpu.dma_semaphore, #tpu.memory_space<semaphore_mem>>) src(%arg11 : memref<128x128xf32, #tpu.memory_space<vmem>>) dst(%dma_wait3A_66 : memref<128x128xf32, #tpu.memory_space<vmem_shared>>)
      tpu.yield
    }) : () -> ()
    %barrier3A = arith.constant 0 : index
    tpu.barrier barrier_id(%barrier3A)
    %scan3A = arith.constant 0 : i32
    %scan3A_20 = arith.constant 0 : i32
    %scan3A_21 = arith.constant 20 : i32
    %scan3A_22 = arith.addi %scan3A_20, %scan3A_21 : i32
    %scan3A_23 = arith.constant 1 : i32
    scf.for %scan3A_61 = %scan3A_20 to %scan3A_22 step %scan3A_23  : i32 {
      %mul3A_62 = arith.constant 2 : i32
      %mul3A_63 = arith.muli %scan3A_61, %mul3A_62 : i32
      %add3A_64 = arith.constant 0 : i32
      %add3A_65 = arith.addi %mul3A_63, %add3A_64 : i32
      %lt3A = arith.cmpi slt, %add3A_65, %select_n3A : i32
      %convert_element_type3A = arith.extui %lt3A : i1 to i32
      %cond3A = arith.constant 0 : i32
      %cond3A_66 = arith.cmpi ne, %convert_element_type3A, %cond3A : i32
      scf.if %cond3A_66 {
        %dma_start3A = arith.constant 0 : i32
        %dma_start3A_83 = tpu.memref_slice %arg9[%add3A_65, %dma_start3A] : memref<40x128xi32, #tpu.memory_space<vmem>> -> memref<1x128xi32, #tpu.memory_space<vmem>>
        %dma_start3A_84 = tpu.memref_squeeze %dma_start3A_83 : memref<1x128xi32, #tpu.memory_space<vmem>> -> memref<128xi32, #tpu.memory_space<vmem>>
        %dma_start3A_85 = arith.constant 0 : i32
        %dma_start3A_86 = arith.constant 0 : i32
        %dma_start3A_87 = tpu.memref_slice %arg2[%dma_start3A_85, %dma_start3A_86] : memref<10000x128xf32, #tpu.memory_space<hbm>> -> memref<10000x128xf32, #tpu.memory_space<hbm>>
        tpu.enqueue_indirect_dma source(%dma_start3A_87 : memref<10000x128xf32, #tpu.memory_space<hbm>>) target(%arg11 : memref<128x128xf32, #tpu.memory_space<vmem>>) offsets(%dma_start3A_84 : memref<128xi32, #tpu.memory_space<vmem>>) semaphore(%arg14 : memref<!tpu.dma_semaphore, #tpu.memory_space<semaphore_mem>>)
      } else {
      }
      %mul3A_67 = arith.constant 2 : i32
      %mul3A_68 = arith.muli %scan3A_61, %mul3A_67 : i32
      %add3A_69 = arith.constant 1 : i32
      %add3A_70 = arith.addi %mul3A_68, %add3A_69 : i32
      %lt3A_71 = arith.cmpi slt, %add3A_70, %select_n3A : i32
      %convert_element_type3A_72 = arith.extui %lt3A_71 : i1 to i32
      %cond3A_73 = arith.constant 0 : i32
      %cond3A_74 = arith.cmpi ne, %convert_element_type3A_72, %cond3A_73 : i32
      scf.if %cond3A_74 {
        %dma_start3A = arith.constant 0 : i32
        %dma_start3A_83 = tpu.memref_slice %arg9[%add3A_70, %dma_start3A] : memref<40x128xi32, #tpu.memory_space<vmem>> -> memref<1x128xi32, #tpu.memory_space<vmem>>
        %dma_start3A_84 = tpu.memref_squeeze %dma_start3A_83 : memref<1x128xi32, #tpu.memory_space<vmem>> -> memref<128xi32, #tpu.memory_space<vmem>>
        %dma_start3A_85 = arith.constant 0 : i32
        %dma_start3A_86 = arith.constant 0 : i32
        %dma_start3A_87 = tpu.memref_slice %arg2[%dma_start3A_85, %dma_start3A_86] : memref<10000x128xf32, #tpu.memory_space<hbm>> -> memref<10000x128xf32, #tpu.memory_space<hbm>>
        tpu.enqueue_indirect_dma source(%dma_start3A_87 : memref<10000x128xf32, #tpu.memory_space<hbm>>) target(%arg12 : memref<128x128xf32, #tpu.memory_space<vmem>>) offsets(%dma_start3A_84 : memref<128xi32, #tpu.memory_space<vmem>>) semaphore(%arg15 : memref<!tpu.dma_semaphore, #tpu.memory_space<semaphore_mem>>)
      } else {
      }
      %lt3A_75 = arith.cmpi slt, %add3A_65, %select_n3A : i32
      %convert_element_type3A_76 = arith.extui %lt3A_75 : i1 to i32
      %cond3A_77 = arith.constant 0 : i32
      %cond3A_78 = arith.cmpi ne, %convert_element_type3A_76, %cond3A_77 : i32
      scf.if %cond3A_78 {
        %dma_wait3A = arith.constant 0 : i32
        %dma_wait3A_83 = tpu.memref_slice %arg9[%add3A_65, %dma_wait3A] : memref<40x128xi32, #tpu.memory_space<vmem>> -> memref<1x128xi32, #tpu.memory_space<vmem>>
        %dma_wait3A_84 = tpu.memref_squeeze %dma_wait3A_83 : memref<1x128xi32, #tpu.memory_space<vmem>> -> memref<128xi32, #tpu.memory_space<vmem>>
        %dma_wait3A_85 = arith.constant 0 : i32
        %dma_wait3A_86 = arith.constant 0 : i32
        %dma_wait3A_87 = tpu.memref_slice %arg2[%dma_wait3A_85, %dma_wait3A_86] : memref<10000x128xf32, #tpu.memory_space<hbm>> -> memref<10000x128xf32, #tpu.memory_space<hbm>>
        tpu.wait_indirect_dma semaphore(%arg14 : memref<!tpu.dma_semaphore, #tpu.memory_space<semaphore_mem>>) src(%dma_wait3A_87 : memref<10000x128xf32, #tpu.memory_space<hbm>>) dst(%arg11 : memref<128x128xf32, #tpu.memory_space<vmem>>)
        "tpu.region"() ({
          %run_scoped3A = tpu.sem_alloc : memref<!tpu.dma_semaphore, #tpu.memory_space<semaphore_mem>>
          %dma_start3A = arith.constant 0 : i32
          %dma_start3A_88 = tpu.memref_slice %arg10[%add3A_65, %dma_start3A] : memref<40x128xi32, #tpu.memory_space<vmem>> -> memref<1x128xi32, #tpu.memory_space<vmem>>
          %dma_start3A_89 = tpu.memref_squeeze %dma_start3A_88 : memref<1x128xi32, #tpu.memory_space<vmem>> -> memref<128xi32, #tpu.memory_space<vmem>>
          %dma_start3A_90 = arith.constant 0 : i32
          %dma_start3A_91 = arith.constant 0 : i32
          %dma_start3A_92 = tpu.memref_slice %arg13[%dma_start3A_90, %dma_start3A_91] : memref<10000x128xf32, #tpu.memory_space<vmem_shared>> -> memref<10000x128xf32, #tpu.memory_space<vmem_shared>>
          tpu.enqueue_indirect_dma source(%arg11 : memref<128x128xf32, #tpu.memory_space<vmem>>) target(%dma_start3A_92 : memref<10000x128xf32, #tpu.memory_space<vmem_shared>>) offsets(%dma_start3A_89 : memref<128xi32, #tpu.memory_space<vmem>>) semaphore(%run_scoped3A : memref<!tpu.dma_semaphore, #tpu.memory_space<semaphore_mem>>) {add = true}
          %dma_wait3A_93 = arith.constant 0 : i32
          %dma_wait3A_94 = tpu.memref_slice %arg10[%add3A_65, %dma_wait3A_93] : memref<40x128xi32, #tpu.memory_space<vmem>> -> memref<1x128xi32, #tpu.memory_space<vmem>>
          %dma_wait3A_95 = tpu.memref_squeeze %dma_wait3A_94 : memref<1x128xi32, #tpu.memory_space<vmem>> -> memref<128xi32, #tpu.memory_space<vmem>>
          %dma_wait3A_96 = arith.constant 0 : i32
          %dma_wait3A_97 = arith.constant 0 : i32
          %dma_wait3A_98 = tpu.memref_slice %arg13[%dma_wait3A_96, %dma_wait3A_97] : memref<10000x128xf32, #tpu.memory_space<vmem_shared>> -> memref<10000x128xf32, #tpu.memory_space<vmem_shared>>
          tpu.wait_indirect_dma semaphore(%run_scoped3A : memref<!tpu.dma_semaphore, #tpu.memory_space<semaphore_mem>>) src(%arg11 : memref<128x128xf32, #tpu.memory_space<vmem>>) dst(%dma_wait3A_98 : memref<10000x128xf32, #tpu.memory_space<vmem_shared>>)
          tpu.yield
        }) : () -> ()
      } else {
      }
      %lt3A_79 = arith.cmpi slt, %add3A_70, %select_n3A : i32
      %convert_element_type3A_80 = arith.extui %lt3A_79 : i1 to i32
      %cond3A_81 = arith.constant 0 : i32
      %cond3A_82 = arith.cmpi ne, %convert_element_type3A_80, %cond3A_81 : i32
      scf.if %cond3A_82 {
        %dma_wait3A = arith.constant 0 : i32
        %dma_wait3A_83 = tpu.memref_slice %arg9[%add3A_70, %dma_wait3A] : memref<40x128xi32, #tpu.memory_space<vmem>> -> memref<1x128xi32, #tpu.memory_space<vmem>>
        %dma_wait3A_84 = tpu.memref_squeeze %dma_wait3A_83 : memref<1x128xi32, #tpu.memory_space<vmem>> -> memref<128xi32, #tpu.memory_space<vmem>>
        %dma_wait3A_85 = arith.constant 0 : i32
        %dma_wait3A_86 = arith.constant 0 : i32
        %dma_wait3A_87 = tpu.memref_slice %arg2[%dma_wait3A_85, %dma_wait3A_86] : memref<10000x128xf32, #tpu.memory_space<hbm>> -> memref<10000x128xf32, #tpu.memory_space<hbm>>
        tpu.wait_indirect_dma semaphore(%arg15 : memref<!tpu.dma_semaphore, #tpu.memory_space<semaphore_mem>>) src(%dma_wait3A_87 : memref<10000x128xf32, #tpu.memory_space<hbm>>) dst(%arg12 : memref<128x128xf32, #tpu.memory_space<vmem>>)
        "tpu.region"() ({
          %run_scoped3A = tpu.sem_alloc : memref<!tpu.dma_semaphore, #tpu.memory_space<semaphore_mem>>
          %dma_start3A = arith.constant 0 : i32
          %dma_start3A_88 = tpu.memref_slice %arg10[%add3A_70, %dma_start3A] : memref<40x128xi32, #tpu.memory_space<vmem>> -> memref<1x128xi32, #tpu.memory_space<vmem>>
          %dma_start3A_89 = tpu.memref_squeeze %dma_start3A_88 : memref<1x128xi32, #tpu.memory_space<vmem>> -> memref<128xi32, #tpu.memory_space<vmem>>
          %dma_start3A_90 = arith.constant 0 : i32
          %dma_start3A_91 = arith.constant 0 : i32
          %dma_start3A_92 = tpu.memref_slice %arg13[%dma_start3A_90, %dma_start3A_91] : memref<10000x128xf32, #tpu.memory_space<vmem_shared>> -> memref<10000x128xf32, #tpu.memory_space<vmem_shared>>
          tpu.enqueue_indirect_dma source(%arg12 : memref<128x128xf32, #tpu.memory_space<vmem>>) target(%dma_start3A_92 : memref<10000x128xf32, #tpu.memory_space<vmem_shared>>) offsets(%dma_start3A_89 : memref<128xi32, #tpu.memory_space<vmem>>) semaphore(%run_scoped3A : memref<!tpu.dma_semaphore, #tpu.memory_space<semaphore_mem>>) {add = true}
          %dma_wait3A_93 = arith.constant 0 : i32
          %dma_wait3A_94 = tpu.memref_slice %arg10[%add3A_70, %dma_wait3A_93] : memref<40x128xi32, #tpu.memory_space<vmem>> -> memref<1x128xi32, #tpu.memory_space<vmem>>
          %dma_wait3A_95 = tpu.memref_squeeze %dma_wait3A_94 : memref<1x128xi32, #tpu.memory_space<vmem>> -> memref<128xi32, #tpu.memory_space<vmem>>
          %dma_wait3A_96 = arith.constant 0 : i32
          %dma_wait3A_97 = arith.constant 0 : i32
          %dma_wait3A_98 = tpu.memref_slice %arg13[%dma_wait3A_96, %dma_wait3A_97] : memref<10000x128xf32, #tpu.memory_space<vmem_shared>> -> memref<10000x128xf32, #tpu.memory_space<vmem_shared>>
          tpu.wait_indirect_dma semaphore(%run_scoped3A : memref<!tpu.dma_semaphore, #tpu.memory_space<semaphore_mem>>) src(%arg12 : memref<128x128xf32, #tpu.memory_space<vmem>>) dst(%dma_wait3A_98 : memref<10000x128xf32, #tpu.memory_space<vmem_shared>>)
          tpu.yield
        }) : () -> ()
      } else {
      }
    }
    %scan3A_24 = arith.constant 20 : i32
    %barrier3A_25 = arith.constant 0 : index
    tpu.barrier barrier_id(%barrier3A_25)
    %add3A_26 = arith.constant 0 : i32
    %add3A_27 = arith.addi %min3A_9, %add3A_26 : i32
    "tpu.region"() ({
      %run_scoped3A = tpu.sem_alloc : memref<!tpu.dma_semaphore, #tpu.memory_space<semaphore_mem>>
      %dma_start3A = arith.constant 0 : i32
      %dma_start3A_61 = tpu.memref_slice %arg13[%add3A_27, %dma_start3A] : memref<10000x128xf32, #tpu.memory_space<vmem_shared>> -> memref<128x128xf32, #tpu.memory_space<vmem_shared>>
      %dma_start3A_62 = arith.constant 0 : i32
      %dma_start3A_63 = tpu.memref_slice %arg13[%add3A_27, %dma_start3A_62] : memref<10000x128xf32, #tpu.memory_space<vmem_shared>> -> memref<128x128xf32, #tpu.memory_space<vmem_shared>>
      tpu.enqueue_dma source(%dma_start3A_63 : memref<128x128xf32, #tpu.memory_space<vmem_shared>>) target(%arg11 : memref<128x128xf32, #tpu.memory_space<vmem>>) target_semaphore(%run_scoped3A : memref<!tpu.dma_semaphore, #tpu.memory_space<semaphore_mem>>)
      %dma_wait3A = arith.constant 0 : i32
      %dma_wait3A_64 = tpu.memref_slice %arg13[%add3A_27, %dma_wait3A] : memref<10000x128xf32, #tpu.memory_space<vmem_shared>> -> memref<128x128xf32, #tpu.memory_space<vmem_shared>>
      %dma_wait3A_65 = arith.constant 0 : i32
      %dma_wait3A_66 = tpu.memref_slice %arg13[%add3A_27, %dma_wait3A_65] : memref<10000x128xf32, #tpu.memory_space<vmem_shared>> -> memref<128x128xf32, #tpu.memory_space<vmem_shared>>
      tpu.wait_dma2 semaphore(%run_scoped3A : memref<!tpu.dma_semaphore, #tpu.memory_space<semaphore_mem>>) src(%dma_wait3A_66 : memref<128x128xf32, #tpu.memory_space<vmem_shared>>) dst(%arg11 : memref<128x128xf32, #tpu.memory_space<vmem>>)
      tpu.yield
    }) : () -> ()
    %mul3A_28 = arith.constant 10000 : i32
    %mul3A_29 = arith.muli %arg0, %mul3A_28 : i32
    %add3A_30 = arith.addi %mul3A_29, %min3A_9 : i32
    %add3A_31 = arith.constant 0 : i32
    %add3A_32 = arith.addi %add3A_30, %add3A_31 : i32
    "tpu.region"() ({
      %run_scoped3A = tpu.sem_alloc : memref<!tpu.dma_semaphore, #tpu.memory_space<semaphore_mem>>
      %dma_start3A = arith.constant 0 : i32
      %dma_start3A_61 = tpu.memref_slice %arg8[%add3A_32, %dma_start3A] : memref<20000x128xf32, #tpu.memory_space<hbm>> -> memref<128x128xf32, #tpu.memory_space<hbm>>
      %dma_start3A_62 = arith.constant 0 : i32
      %dma_start3A_63 = tpu.memref_slice %arg8[%add3A_32, %dma_start3A_62] : memref<20000x128xf32, #tpu.memory_space<hbm>> -> memref<128x128xf32, #tpu.memory_space<hbm>>
      tpu.enqueue_dma source(%arg11 : memref<128x128xf32, #tpu.memory_space<vmem>>) target(%dma_start3A_63 : memref<128x128xf32, #tpu.memory_space<hbm>>) target_semaphore(%run_scoped3A : memref<!tpu.dma_semaphore, #tpu.memory_space<semaphore_mem>>)
      %dma_wait3A = arith.constant 0 : i32
      %dma_wait3A_64 = tpu.memref_slice %arg8[%add3A_32, %dma_wait3A] : memref<20000x128xf32, #tpu.memory_space<hbm>> -> memref<128x128xf32, #tpu.memory_space<hbm>>
      %dma_wait3A_65 = arith.constant 0 : i32
      %dma_wait3A_66 = tpu.memref_slice %arg8[%add3A_32, %dma_wait3A_65] : memref<20000x128xf32, #tpu.memory_space<hbm>> -> memref<128x128xf32, #tpu.memory_space<hbm>>
      tpu.wait_dma2 semaphore(%run_scoped3A : memref<!tpu.dma_semaphore, #tpu.memory_space<semaphore_mem>>) src(%arg11 : memref<128x128xf32, #tpu.memory_space<vmem>>) dst(%dma_wait3A_66 : memref<128x128xf32, #tpu.memory_space<hbm>>)
      tpu.yield
    }) : () -> ()
    %add3A_33 = arith.constant 128 : i32
    %add3A_34 = arith.addi %min3A_9, %add3A_33 : i32
    "tpu.region"() ({
      %run_scoped3A = tpu.sem_alloc : memref<!tpu.dma_semaphore, #tpu.memory_space<semaphore_mem>>
      %dma_start3A = arith.constant 0 : i32
      %dma_start3A_61 = tpu.memref_slice %arg13[%add3A_34, %dma_start3A] : memref<10000x128xf32, #tpu.memory_space<vmem_shared>> -> memref<128x128xf32, #tpu.memory_space<vmem_shared>>
      %dma_start3A_62 = arith.constant 0 : i32
      %dma_start3A_63 = tpu.memref_slice %arg13[%add3A_34, %dma_start3A_62] : memref<10000x128xf32, #tpu.memory_space<vmem_shared>> -> memref<128x128xf32, #tpu.memory_space<vmem_shared>>
      tpu.enqueue_dma source(%dma_start3A_63 : memref<128x128xf32, #tpu.memory_space<vmem_shared>>) target(%arg11 : memref<128x128xf32, #tpu.memory_space<vmem>>) target_semaphore(%run_scoped3A : memref<!tpu.dma_semaphore, #tpu.memory_space<semaphore_mem>>)
      %dma_wait3A = arith.constant 0 : i32
      %dma_wait3A_64 = tpu.memref_slice %arg13[%add3A_34, %dma_wait3A] : memref<10000x128xf32, #tpu.memory_space<vmem_shared>> -> memref<128x128xf32, #tpu.memory_space<vmem_shared>>
      %dma_wait3A_65 = arith.constant 0 : i32
      %dma_wait3A_66 = tpu.memref_slice %arg13[%add3A_34, %dma_wait3A_65] : memref<10000x128xf32, #tpu.memory_space<vmem_shared>> -> memref<128x128xf32, #tpu.memory_space<vmem_shared>>
      tpu.wait_dma2 semaphore(%run_scoped3A : memref<!tpu.dma_semaphore, #tpu.memory_space<semaphore_mem>>) src(%dma_wait3A_66 : memref<128x128xf32, #tpu.memory_space<vmem_shared>>) dst(%arg11 : memref<128x128xf32, #tpu.memory_space<vmem>>)
      tpu.yield
    }) : () -> ()
    %mul3A_35 = arith.constant 10000 : i32
    %mul3A_36 = arith.muli %arg0, %mul3A_35 : i32
    %add3A_37 = arith.addi %mul3A_36, %min3A_9 : i32
    %add3A_38 = arith.constant 128 : i32
    %add3A_39 = arith.addi %add3A_37, %add3A_38 : i32
    "tpu.region"() ({
      %run_scoped3A = tpu.sem_alloc : memref<!tpu.dma_semaphore, #tpu.memory_space<semaphore_mem>>
      %dma_start3A = arith.constant 0 : i32
      %dma_start3A_61 = tpu.memref_slice %arg8[%add3A_39, %dma_start3A] : memref<20000x128xf32, #tpu.memory_space<hbm>> -> memref<128x128xf32, #tpu.memory_space<hbm>>
      %dma_start3A_62 = arith.constant 0 : i32
      %dma_start3A_63 = tpu.memref_slice %arg8[%add3A_39, %dma_start3A_62] : memref<20000x128xf32, #tpu.memory_space<hbm>> -> memref<128x128xf32, #tpu.memory_space<hbm>>
      tpu.enqueue_dma source(%arg11 : memref<128x128xf32, #tpu.memory_space<vmem>>) target(%dma_start3A_63 : memref<128x128xf32, #tpu.memory_space<hbm>>) target_semaphore(%run_scoped3A : memref<!tpu.dma_semaphore, #tpu.memory_space<semaphore_mem>>)
      %dma_wait3A = arith.constant 0 : i32
      %dma_wait3A_64 = tpu.memref_slice %arg8[%add3A_39, %dma_wait3A] : memref<20000x128xf32, #tpu.memory_space<hbm>> -> memref<128x128xf32, #tpu.memory_space<hbm>>
      %dma_wait3A_65 = arith.constant 0 : i32
      %dma_wait3A_66 = tpu.memref_slice %arg8[%add3A_39, %dma_wait3A_65] : memref<20000x128xf32, #tpu.memory_space<hbm>> -> memref<128x128xf32, #tpu.memory_space<hbm>>
      tpu.wait_dma2 semaphore(%run_scoped3A : memref<!tpu.dma_semaphore, #tpu.memory_space<semaphore_mem>>) src(%arg11 : memref<128x128xf32, #tpu.memory_space<vmem>>) dst(%dma_wait3A_66 : memref<128x128xf32, #tpu.memory_space<hbm>>)
      tpu.yield
    }) : () -> ()
    %add3A_40 = arith.constant 256 : i32
    %add3A_41 = arith.addi %min3A_9, %add3A_40 : i32
    "tpu.region"() ({
      %run_scoped3A = tpu.sem_alloc : memref<!tpu.dma_semaphore, #tpu.memory_space<semaphore_mem>>
      %dma_start3A = arith.constant 0 : i32
      %dma_start3A_61 = tpu.memref_slice %arg13[%add3A_41, %dma_start3A] : memref<10000x128xf32, #tpu.memory_space<vmem_shared>> -> memref<128x128xf32, #tpu.memory_space<vmem_shared>>
      %dma_start3A_62 = arith.constant 0 : i32
      %dma_start3A_63 = tpu.memref_slice %arg13[%add3A_41, %dma_start3A_62] : memref<10000x128xf32, #tpu.memory_space<vmem_shared>> -> memref<128x128xf32, #tpu.memory_space<vmem_shared>>
      tpu.enqueue_dma source(%dma_start3A_63 : memref<128x128xf32, #tpu.memory_space<vmem_shared>>) target(%arg11 : memref<128x128xf32, #tpu.memory_space<vmem>>) target_semaphore(%run_scoped3A : memref<!tpu.dma_semaphore, #tpu.memory_space<semaphore_mem>>)
      %dma_wait3A = arith.constant 0 : i32
      %dma_wait3A_64 = tpu.memref_slice %arg13[%add3A_41, %dma_wait3A] : memref<10000x128xf32, #tpu.memory_space<vmem_shared>> -> memref<128x128xf32, #tpu.memory_space<vmem_shared>>
      %dma_wait3A_65 = arith.constant 0 : i32
      %dma_wait3A_66 = tpu.memref_slice %arg13[%add3A_41, %dma_wait3A_65] : memref<10000x128xf32, #tpu.memory_space<vmem_shared>> -> memref<128x128xf32, #tpu.memory_space<vmem_shared>>
      tpu.wait_dma2 semaphore(%run_scoped3A : memref<!tpu.dma_semaphore, #tpu.memory_space<semaphore_mem>>) src(%dma_wait3A_66 : memref<128x128xf32, #tpu.memory_space<vmem_shared>>) dst(%arg11 : memref<128x128xf32, #tpu.memory_space<vmem>>)
      tpu.yield
    }) : () -> ()
    %mul3A_42 = arith.constant 10000 : i32
    %mul3A_43 = arith.muli %arg0, %mul3A_42 : i32
    %add3A_44 = arith.addi %mul3A_43, %min3A_9 : i32
    %add3A_45 = arith.constant 256 : i32
    %add3A_46 = arith.addi %add3A_44, %add3A_45 : i32
    "tpu.region"() ({
      %run_scoped3A = tpu.sem_alloc : memref<!tpu.dma_semaphore, #tpu.memory_space<semaphore_mem>>
      %dma_start3A = arith.constant 0 : i32
      %dma_start3A_61 = tpu.memref_slice %arg8[%add3A_46, %dma_start3A] : memref<20000x128xf32, #tpu.memory_space<hbm>> -> memref<128x128xf32, #tpu.memory_space<hbm>>
      %dma_start3A_62 = arith.constant 0 : i32
      %dma_start3A_63 = tpu.memref_slice %arg8[%add3A_46, %dma_start3A_62] : memref<20000x128xf32, #tpu.memory_space<hbm>> -> memref<128x128xf32, #tpu.memory_space<hbm>>
      tpu.enqueue_dma source(%arg11 : memref<128x128xf32, #tpu.memory_space<vmem>>) target(%dma_start3A_63 : memref<128x128xf32, #tpu.memory_space<hbm>>) target_semaphore(%run_scoped3A : memref<!tpu.dma_semaphore, #tpu.memory_space<semaphore_mem>>)
      %dma_wait3A = arith.constant 0 : i32
      %dma_wait3A_64 = tpu.memref_slice %arg8[%add3A_46, %dma_wait3A] : memref<20000x128xf32, #tpu.memory_space<hbm>> -> memref<128x128xf32, #tpu.memory_space<hbm>>
      %dma_wait3A_65 = arith.constant 0 : i32
      %dma_wait3A_66 = tpu.memref_slice %arg8[%add3A_46, %dma_wait3A_65] : memref<20000x128xf32, #tpu.memory_space<hbm>> -> memref<128x128xf32, #tpu.memory_space<hbm>>
      tpu.wait_dma2 semaphore(%run_scoped3A : memref<!tpu.dma_semaphore, #tpu.memory_space<semaphore_mem>>) src(%arg11 : memref<128x128xf32, #tpu.memory_space<vmem>>) dst(%dma_wait3A_66 : memref<128x128xf32, #tpu.memory_space<hbm>>)
      tpu.yield
    }) : () -> ()
    %add3A_47 = arith.constant 384 : i32
    %add3A_48 = arith.addi %min3A_9, %add3A_47 : i32
    "tpu.region"() ({
      %run_scoped3A = tpu.sem_alloc : memref<!tpu.dma_semaphore, #tpu.memory_space<semaphore_mem>>
      %dma_start3A = arith.constant 0 : i32
      %dma_start3A_61 = tpu.memref_slice %arg13[%add3A_48, %dma_start3A] : memref<10000x128xf32, #tpu.memory_space<vmem_shared>> -> memref<128x128xf32, #tpu.memory_space<vmem_shared>>
      %dma_start3A_62 = arith.constant 0 : i32
      %dma_start3A_63 = tpu.memref_slice %arg13[%add3A_48, %dma_start3A_62] : memref<10000x128xf32, #tpu.memory_space<vmem_shared>> -> memref<128x128xf32, #tpu.memory_space<vmem_shared>>
      tpu.enqueue_dma source(%dma_start3A_63 : memref<128x128xf32, #tpu.memory_space<vmem_shared>>) target(%arg11 : memref<128x128xf32, #tpu.memory_space<vmem>>) target_semaphore(%run_scoped3A : memref<!tpu.dma_semaphore, #tpu.memory_space<semaphore_mem>>)
      %dma_wait3A = arith.constant 0 : i32
      %dma_wait3A_64 = tpu.memref_slice %arg13[%add3A_48, %dma_wait3A] : memref<10000x128xf32, #tpu.memory_space<vmem_shared>> -> memref<128x128xf32, #tpu.memory_space<vmem_shared>>
      %dma_wait3A_65 = arith.constant 0 : i32
      %dma_wait3A_66 = tpu.memref_slice %arg13[%add3A_48, %dma_wait3A_65] : memref<10000x128xf32, #tpu.memory_space<vmem_shared>> -> memref<128x128xf32, #tpu.memory_space<vmem_shared>>
      tpu.wait_dma2 semaphore(%run_scoped3A : memref<!tpu.dma_semaphore, #tpu.memory_space<semaphore_mem>>) src(%dma_wait3A_66 : memref<128x128xf32, #tpu.memory_space<vmem_shared>>) dst(%arg11 : memref<128x128xf32, #tpu.memory_space<vmem>>)
      tpu.yield
    }) : () -> ()
    %mul3A_49 = arith.constant 10000 : i32
    %mul3A_50 = arith.muli %arg0, %mul3A_49 : i32
    %add3A_51 = arith.addi %mul3A_50, %min3A_9 : i32
    %add3A_52 = arith.constant 384 : i32
    %add3A_53 = arith.addi %add3A_51, %add3A_52 : i32
    "tpu.region"() ({
      %run_scoped3A = tpu.sem_alloc : memref<!tpu.dma_semaphore, #tpu.memory_space<semaphore_mem>>
      %dma_start3A = arith.constant 0 : i32
      %dma_start3A_61 = tpu.memref_slice %arg8[%add3A_53, %dma_start3A] : memref<20000x128xf32, #tpu.memory_space<hbm>> -> memref<128x128xf32, #tpu.memory_space<hbm>>
      %dma_start3A_62 = arith.constant 0 : i32
      %dma_start3A_63 = tpu.memref_slice %arg8[%add3A_53, %dma_start3A_62] : memref<20000x128xf32, #tpu.memory_space<hbm>> -> memref<128x128xf32, #tpu.memory_space<hbm>>
      tpu.enqueue_dma source(%arg11 : memref<128x128xf32, #tpu.memory_space<vmem>>) target(%dma_start3A_63 : memref<128x128xf32, #tpu.memory_space<hbm>>) target_semaphore(%run_scoped3A : memref<!tpu.dma_semaphore, #tpu.memory_space<semaphore_mem>>)
      %dma_wait3A = arith.constant 0 : i32
      %dma_wait3A_64 = tpu.memref_slice %arg8[%add3A_53, %dma_wait3A] : memref<20000x128xf32, #tpu.memory_space<hbm>> -> memref<128x128xf32, #tpu.memory_space<hbm>>
      %dma_wait3A_65 = arith.constant 0 : i32
      %dma_wait3A_66 = tpu.memref_slice %arg8[%add3A_53, %dma_wait3A_65] : memref<20000x128xf32, #tpu.memory_space<hbm>> -> memref<128x128xf32, #tpu.memory_space<hbm>>
      tpu.wait_dma2 semaphore(%run_scoped3A : memref<!tpu.dma_semaphore, #tpu.memory_space<semaphore_mem>>) src(%arg11 : memref<128x128xf32, #tpu.memory_space<vmem>>) dst(%dma_wait3A_66 : memref<128x128xf32, #tpu.memory_space<hbm>>)
      tpu.yield
    }) : () -> ()
    %add3A_54 = arith.constant 512 : i32
    %add3A_55 = arith.addi %min3A_9, %add3A_54 : i32
    "tpu.region"() ({
      %run_scoped3A = tpu.sem_alloc : memref<!tpu.dma_semaphore, #tpu.memory_space<semaphore_mem>>
      %dma_start3A = arith.constant 0 : i32
      %dma_start3A_61 = tpu.memref_slice %arg13[%add3A_55, %dma_start3A] : memref<10000x128xf32, #tpu.memory_space<vmem_shared>> -> memref<128x128xf32, #tpu.memory_space<vmem_shared>>
      %dma_start3A_62 = arith.constant 0 : i32
      %dma_start3A_63 = tpu.memref_slice %arg13[%add3A_55, %dma_start3A_62] : memref<10000x128xf32, #tpu.memory_space<vmem_shared>> -> memref<128x128xf32, #tpu.memory_space<vmem_shared>>
      tpu.enqueue_dma source(%dma_start3A_63 : memref<128x128xf32, #tpu.memory_space<vmem_shared>>) target(%arg11 : memref<128x128xf32, #tpu.memory_space<vmem>>) target_semaphore(%run_scoped3A : memref<!tpu.dma_semaphore, #tpu.memory_space<semaphore_mem>>)
      %dma_wait3A = arith.constant 0 : i32
      %dma_wait3A_64 = tpu.memref_slice %arg13[%add3A_55, %dma_wait3A] : memref<10000x128xf32, #tpu.memory_space<vmem_shared>> -> memref<128x128xf32, #tpu.memory_space<vmem_shared>>
      %dma_wait3A_65 = arith.constant 0 : i32
      %dma_wait3A_66 = tpu.memref_slice %arg13[%add3A_55, %dma_wait3A_65] : memref<10000x128xf32, #tpu.memory_space<vmem_shared>> -> memref<128x128xf32, #tpu.memory_space<vmem_shared>>
      tpu.wait_dma2 semaphore(%run_scoped3A : memref<!tpu.dma_semaphore, #tpu.memory_space<semaphore_mem>>) src(%dma_wait3A_66 : memref<128x128xf32, #tpu.memory_space<vmem_shared>>) dst(%arg11 : memref<128x128xf32, #tpu.memory_space<vmem>>)
      tpu.yield
    }) : () -> ()
    %mul3A_56 = arith.constant 10000 : i32
    %mul3A_57 = arith.muli %arg0, %mul3A_56 : i32
    %add3A_58 = arith.addi %mul3A_57, %min3A_9 : i32
    %add3A_59 = arith.constant 512 : i32
    %add3A_60 = arith.addi %add3A_58, %add3A_59 : i32
    "tpu.region"() ({
      %run_scoped3A = tpu.sem_alloc : memref<!tpu.dma_semaphore, #tpu.memory_space<semaphore_mem>>
      %dma_start3A = arith.constant 0 : i32
      %dma_start3A_61 = tpu.memref_slice %arg8[%add3A_60, %dma_start3A] : memref<20000x128xf32, #tpu.memory_space<hbm>> -> memref<128x128xf32, #tpu.memory_space<hbm>>
      %dma_start3A_62 = arith.constant 0 : i32
      %dma_start3A_63 = tpu.memref_slice %arg8[%add3A_60, %dma_start3A_62] : memref<20000x128xf32, #tpu.memory_space<hbm>> -> memref<128x128xf32, #tpu.memory_space<hbm>>
      tpu.enqueue_dma source(%arg11 : memref<128x128xf32, #tpu.memory_space<vmem>>) target(%dma_start3A_63 : memref<128x128xf32, #tpu.memory_space<hbm>>) target_semaphore(%run_scoped3A : memref<!tpu.dma_semaphore, #tpu.memory_space<semaphore_mem>>)
      %dma_wait3A = arith.constant 0 : i32
      %dma_wait3A_64 = tpu.memref_slice %arg8[%add3A_60, %dma_wait3A] : memref<20000x128xf32, #tpu.memory_space<hbm>> -> memref<128x128xf32, #tpu.memory_space<hbm>>
      %dma_wait3A_65 = arith.constant 0 : i32
      %dma_wait3A_66 = tpu.memref_slice %arg8[%add3A_60, %dma_wait3A_65] : memref<20000x128xf32, #tpu.memory_space<hbm>> -> memref<128x128xf32, #tpu.memory_space<hbm>>
      tpu.wait_dma2 semaphore(%run_scoped3A : memref<!tpu.dma_semaphore, #tpu.memory_space<semaphore_mem>>) src(%arg11 : memref<128x128xf32, #tpu.memory_space<vmem>>) dst(%dma_wait3A_66 : memref<128x128xf32, #tpu.memory_space<hbm>>)
      tpu.yield
    }) : () -> ()
    return
  }
}

#map = affine_map<(d0, d1) -> (0, 0)>
#map1 = affine_map<(d0, d1) -> (0)>
module attributes {stable_mosaic.version = 14 : i64} {
  func.func @seg_sum(%arg0: i32, %arg1: i32, %arg2: memref<10000x128xf32, #tpu.memory_space<hbm>>, %arg3: memref<1280x128xi32, #tpu.memory_space<hbm>>, %arg4: memref<1280x128xi32, #tpu.memory_space<hbm>>, %arg5: memref<128xf32, #tpu.memory_space<hbm>>, %arg6: memref<128x128xf32, #tpu.memory_space<hbm>>, %arg7: memref<640xf32, #tpu.memory_space<hbm>>, %arg8: memref<20000x128xf32, #tpu.memory_space<hbm>>, %arg9: memref<40x128xi32, #tpu.memory_space<vmem>>, %arg10: memref<40x128xi32, #tpu.memory_space<vmem>>, %arg11: memref<128x128xf32, #tpu.memory_space<vmem>>, %arg12: memref<128x128xf32, #tpu.memory_space<vmem>>, %arg13: memref<10000x128xf32, #tpu.memory_space<vmem_shared>>, %arg14: memref<!tpu.dma_semaphore, #tpu.memory_space<semaphore_mem>>, %arg15: memref<!tpu.dma_semaphore, #tpu.memory_space<semaphore_mem>>) attributes {dimension_semantics = [#tpu.dimension_semantics<core_parallel>, #tpu.dimension_semantics<subcore_parallel>], iteration_bounds = array<i64: 2, 16>, scalar_prefetch = 0 : i64, scratch_operands = 7 : i64, tpu.core_type = #tpu.core_type<sc_vector_subcore>, window_params = [{transform_indices = #map}, {transform_indices = #map}, {transform_indices = #map}, {transform_indices = #map1}, {transform_indices = #map}, {transform_indices = #map1}, {transform_indices = #map}]} {
    %mul3A = arith.constant 2 : i32
    %mul3A_0 = arith.muli %arg1, %mul3A : i32
    %add3A = arith.addi %mul3A_0, %arg0 : i32
    %eq3A = arith.constant 31 : i32
    %eq3A_1 = arith.cmpi eq, %add3A, %eq3A : i32
    %jit3A = arith.constant 10 : i32
    %jit3A_2 = arith.constant 40 : i32
    %select_n3A = arith.select %eq3A_1, %jit3A, %jit3A_2 : i32
    %mul3A_3 = arith.constant 40 : i32
    %mul3A_4 = arith.muli %add3A, %mul3A_3 : i32
    "tpu.region"() ({
      %run_scoped3A = tpu.sem_alloc : memref<!tpu.dma_semaphore, #tpu.memory_space<semaphore_mem>>
      %dma_start3A = arith.constant 0 : i32
      %dma_start3A_61 = tpu.memref_slice %arg3[%mul3A_4, %dma_start3A] : memref<1280x128xi32, #tpu.memory_space<hbm>> -> memref<40x128xi32, #tpu.memory_space<hbm>>
      %dma_start3A_62 = arith.constant 0 : i32
      %dma_start3A_63 = tpu.memref_slice %arg3[%mul3A_4, %dma_start3A_62] : memref<1280x128xi32, #tpu.memory_space<hbm>> -> memref<40x128xi32, #tpu.memory_space<hbm>>
      tpu.enqueue_dma source(%dma_start3A_63 : memref<40x128xi32, #tpu.memory_space<hbm>>) target(%arg9 : memref<40x128xi32, #tpu.memory_space<vmem>>) target_semaphore(%run_scoped3A : memref<!tpu.dma_semaphore, #tpu.memory_space<semaphore_mem>>)
      %dma_wait3A = arith.constant 0 : i32
      %dma_wait3A_64 = tpu.memref_slice %arg3[%mul3A_4, %dma_wait3A] : memref<1280x128xi32, #tpu.memory_space<hbm>> -> memref<40x128xi32, #tpu.memory_space<hbm>>
      %dma_wait3A_65 = arith.constant 0 : i32
      %dma_wait3A_66 = tpu.memref_slice %arg3[%mul3A_4, %dma_wait3A_65] : memref<1280x128xi32, #tpu.memory_space<hbm>> -> memref<40x128xi32, #tpu.memory_space<hbm>>
      tpu.wait_dma2 semaphore(%run_scoped3A : memref<!tpu.dma_semaphore, #tpu.memory_space<semaphore_mem>>) src(%dma_wait3A_66 : memref<40x128xi32, #tpu.memory_space<hbm>>) dst(%arg9 : memref<40x128xi32, #tpu.memory_space<vmem>>)
      tpu.yield
    }) : () -> ()
    %mul3A_5 = arith.constant 40 : i32
    %mul3A_6 = arith.muli %add3A, %mul3A_5 : i32
    "tpu.region"() ({
      %run_scoped3A = tpu.sem_alloc : memref<!tpu.dma_semaphore, #tpu.memory_space<semaphore_mem>>
      %dma_start3A = arith.constant 0 : i32
      %dma_start3A_61 = tpu.memref_slice %arg4[%mul3A_6, %dma_start3A] : memref<1280x128xi32, #tpu.memory_space<hbm>> -> memref<40x128xi32, #tpu.memory_space<hbm>>
      %dma_start3A_62 = arith.constant 0 : i32
      %dma_start3A_63 = tpu.memref_slice %arg4[%mul3A_6, %dma_start3A_62] : memref<1280x128xi32, #tpu.memory_space<hbm>> -> memref<40x128xi32, #tpu.memory_space<hbm>>
      tpu.enqueue_dma source(%dma_start3A_63 : memref<40x128xi32, #tpu.memory_space<hbm>>) target(%arg10 : memref<40x128xi32, #tpu.memory_space<vmem>>) target_semaphore(%run_scoped3A : memref<!tpu.dma_semaphore, #tpu.memory_space<semaphore_mem>>)
      %dma_wait3A = arith.constant 0 : i32
      %dma_wait3A_64 = tpu.memref_slice %arg4[%mul3A_6, %dma_wait3A] : memref<1280x128xi32, #tpu.memory_space<hbm>> -> memref<40x128xi32, #tpu.memory_space<hbm>>
      %dma_wait3A_65 = arith.constant 0 : i32
      %dma_wait3A_66 = tpu.memref_slice %arg4[%mul3A_6, %dma_wait3A_65] : memref<1280x128xi32, #tpu.memory_space<hbm>> -> memref<40x128xi32, #tpu.memory_space<hbm>>
      tpu.wait_dma2 semaphore(%run_scoped3A : memref<!tpu.dma_semaphore, #tpu.memory_space<semaphore_mem>>) src(%dma_wait3A_66 : memref<40x128xi32, #tpu.memory_space<hbm>>) dst(%arg10 : memref<40x128xi32, #tpu.memory_space<vmem>>)
      tpu.yield
    }) : () -> ()
    %mul3A_7 = arith.constant 640 : i32
    %mul3A_8 = arith.muli %arg1, %mul3A_7 : i32
    %min3A = arith.constant 9360 : i32
    %min3A_9 = arith.minsi %mul3A_8, %min3A : i32
    "tpu.region"() ({
      %run_scoped3A = tpu.sem_alloc : memref<!tpu.dma_semaphore, #tpu.memory_space<semaphore_mem>>
      tpu.enqueue_dma source(%arg6 : memref<128x128xf32, #tpu.memory_space<hbm>>) target(%arg11 : memref<128x128xf32, #tpu.memory_space<vmem>>) target_semaphore(%run_scoped3A : memref<!tpu.dma_semaphore, #tpu.memory_space<semaphore_mem>>)
      tpu.wait_dma2 semaphore(%run_scoped3A : memref<!tpu.dma_semaphore, #tpu.memory_space<semaphore_mem>>) src(%arg6 : memref<128x128xf32, #tpu.memory_space<hbm>>) dst(%arg11 : memref<128x128xf32, #tpu.memory_space<vmem>>)
      tpu.yield
    }) : () -> ()
    %add3A_10 = arith.constant 0 : i32
    %add3A_11 = arith.addi %min3A_9, %add3A_10 : i32
    "tpu.region"() ({
      %run_scoped3A = tpu.sem_alloc : memref<!tpu.dma_semaphore, #tpu.memory_space<semaphore_mem>>
      %dma_start3A = arith.constant 0 : i32
      %dma_start3A_61 = tpu.memref_slice %arg13[%add3A_11, %dma_start3A] : memref<10000x128xf32, #tpu.memory_space<vmem_shared>> -> memref<128x128xf32, #tpu.memory_space<vmem_shared>>
      %dma_start3A_62 = arith.constant 0 : i32
      %dma_start3A_63 = tpu.memref_slice %arg13[%add3A_11, %dma_start3A_62] : memref<10000x128xf32, #tpu.memory_space<vmem_shared>> -> memref<128x128xf32, #tpu.memory_space<vmem_shared>>
      tpu.enqueue_dma source(%arg11 : memref<128x128xf32, #tpu.memory_space<vmem>>) target(%dma_start3A_63 : memref<128x128xf32, #tpu.memory_space<vmem_shared>>) target_semaphore(%run_scoped3A : memref<!tpu.dma_semaphore, #tpu.memory_space<semaphore_mem>>)
      %dma_wait3A = arith.constant 0 : i32
      %dma_wait3A_64 = tpu.memref_slice %arg13[%add3A_11, %dma_wait3A] : memref<10000x128xf32, #tpu.memory_space<vmem_shared>> -> memref<128x128xf32, #tpu.memory_space<vmem_shared>>
      %dma_wait3A_65 = arith.constant 0 : i32
      %dma_wait3A_66 = tpu.memref_slice %arg13[%add3A_11, %dma_wait3A_65] : memref<10000x128xf32, #tpu.memory_space<vmem_shared>> -> memref<128x128xf32, #tpu.memory_space<vmem_shared>>
      tpu.wait_dma2 semaphore(%run_scoped3A : memref<!tpu.dma_semaphore, #tpu.memory_space<semaphore_mem>>) src(%arg11 : memref<128x128xf32, #tpu.memory_space<vmem>>) dst(%dma_wait3A_66 : memref<128x128xf32, #tpu.memory_space<vmem_shared>>)
      tpu.yield
    }) : () -> ()
    %add3A_12 = arith.constant 128 : i32
    %add3A_13 = arith.addi %min3A_9, %add3A_12 : i32
    "tpu.region"() ({
      %run_scoped3A = tpu.sem_alloc : memref<!tpu.dma_semaphore, #tpu.memory_space<semaphore_mem>>
      %dma_start3A = arith.constant 0 : i32
      %dma_start3A_61 = tpu.memref_slice %arg13[%add3A_13, %dma_start3A] : memref<10000x128xf32, #tpu.memory_space<vmem_shared>> -> memref<128x128xf32, #tpu.memory_space<vmem_shared>>
      %dma_start3A_62 = arith.constant 0 : i32
      %dma_start3A_63 = tpu.memref_slice %arg13[%add3A_13, %dma_start3A_62] : memref<10000x128xf32, #tpu.memory_space<vmem_shared>> -> memref<128x128xf32, #tpu.memory_space<vmem_shared>>
      tpu.enqueue_dma source(%arg11 : memref<128x128xf32, #tpu.memory_space<vmem>>) target(%dma_start3A_63 : memref<128x128xf32, #tpu.memory_space<vmem_shared>>) target_semaphore(%run_scoped3A : memref<!tpu.dma_semaphore, #tpu.memory_space<semaphore_mem>>)
      %dma_wait3A = arith.constant 0 : i32
      %dma_wait3A_64 = tpu.memref_slice %arg13[%add3A_13, %dma_wait3A] : memref<10000x128xf32, #tpu.memory_space<vmem_shared>> -> memref<128x128xf32, #tpu.memory_space<vmem_shared>>
      %dma_wait3A_65 = arith.constant 0 : i32
      %dma_wait3A_66 = tpu.memref_slice %arg13[%add3A_13, %dma_wait3A_65] : memref<10000x128xf32, #tpu.memory_space<vmem_shared>> -> memref<128x128xf32, #tpu.memory_space<vmem_shared>>
      tpu.wait_dma2 semaphore(%run_scoped3A : memref<!tpu.dma_semaphore, #tpu.memory_space<semaphore_mem>>) src(%arg11 : memref<128x128xf32, #tpu.memory_space<vmem>>) dst(%dma_wait3A_66 : memref<128x128xf32, #tpu.memory_space<vmem_shared>>)
      tpu.yield
    }) : () -> ()
    %add3A_14 = arith.constant 256 : i32
    %add3A_15 = arith.addi %min3A_9, %add3A_14 : i32
    "tpu.region"() ({
      %run_scoped3A = tpu.sem_alloc : memref<!tpu.dma_semaphore, #tpu.memory_space<semaphore_mem>>
      %dma_start3A = arith.constant 0 : i32
      %dma_start3A_61 = tpu.memref_slice %arg13[%add3A_15, %dma_start3A] : memref<10000x128xf32, #tpu.memory_space<vmem_shared>> -> memref<128x128xf32, #tpu.memory_space<vmem_shared>>
      %dma_start3A_62 = arith.constant 0 : i32
      %dma_start3A_63 = tpu.memref_slice %arg13[%add3A_15, %dma_start3A_62] : memref<10000x128xf32, #tpu.memory_space<vmem_shared>> -> memref<128x128xf32, #tpu.memory_space<vmem_shared>>
      tpu.enqueue_dma source(%arg11 : memref<128x128xf32, #tpu.memory_space<vmem>>) target(%dma_start3A_63 : memref<128x128xf32, #tpu.memory_space<vmem_shared>>) target_semaphore(%run_scoped3A : memref<!tpu.dma_semaphore, #tpu.memory_space<semaphore_mem>>)
      %dma_wait3A = arith.constant 0 : i32
      %dma_wait3A_64 = tpu.memref_slice %arg13[%add3A_15, %dma_wait3A] : memref<10000x128xf32, #tpu.memory_space<vmem_shared>> -> memref<128x128xf32, #tpu.memory_space<vmem_shared>>
      %dma_wait3A_65 = arith.constant 0 : i32
      %dma_wait3A_66 = tpu.memref_slice %arg13[%add3A_15, %dma_wait3A_65] : memref<10000x128xf32, #tpu.memory_space<vmem_shared>> -> memref<128x128xf32, #tpu.memory_space<vmem_shared>>
      tpu.wait_dma2 semaphore(%run_scoped3A : memref<!tpu.dma_semaphore, #tpu.memory_space<semaphore_mem>>) src(%arg11 : memref<128x128xf32, #tpu.memory_space<vmem>>) dst(%dma_wait3A_66 : memref<128x128xf32, #tpu.memory_space<vmem_shared>>)
      tpu.yield
    }) : () -> ()
    %add3A_16 = arith.constant 384 : i32
    %add3A_17 = arith.addi %min3A_9, %add3A_16 : i32
    "tpu.region"() ({
      %run_scoped3A = tpu.sem_alloc : memref<!tpu.dma_semaphore, #tpu.memory_space<semaphore_mem>>
      %dma_start3A = arith.constant 0 : i32
      %dma_start3A_61 = tpu.memref_slice %arg13[%add3A_17, %dma_start3A] : memref<10000x128xf32, #tpu.memory_space<vmem_shared>> -> memref<128x128xf32, #tpu.memory_space<vmem_shared>>
      %dma_start3A_62 = arith.constant 0 : i32
      %dma_start3A_63 = tpu.memref_slice %arg13[%add3A_17, %dma_start3A_62] : memref<10000x128xf32, #tpu.memory_space<vmem_shared>> -> memref<128x128xf32, #tpu.memory_space<vmem_shared>>
      tpu.enqueue_dma source(%arg11 : memref<128x128xf32, #tpu.memory_space<vmem>>) target(%dma_start3A_63 : memref<128x128xf32, #tpu.memory_space<vmem_shared>>) target_semaphore(%run_scoped3A : memref<!tpu.dma_semaphore, #tpu.memory_space<semaphore_mem>>)
      %dma_wait3A = arith.constant 0 : i32
      %dma_wait3A_64 = tpu.memref_slice %arg13[%add3A_17, %dma_wait3A] : memref<10000x128xf32, #tpu.memory_space<vmem_shared>> -> memref<128x128xf32, #tpu.memory_space<vmem_shared>>
      %dma_wait3A_65 = arith.constant 0 : i32
      %dma_wait3A_66 = tpu.memref_slice %arg13[%add3A_17, %dma_wait3A_65] : memref<10000x128xf32, #tpu.memory_space<vmem_shared>> -> memref<128x128xf32, #tpu.memory_space<vmem_shared>>
      tpu.wait_dma2 semaphore(%run_scoped3A : memref<!tpu.dma_semaphore, #tpu.memory_space<semaphore_mem>>) src(%arg11 : memref<128x128xf32, #tpu.memory_space<vmem>>) dst(%dma_wait3A_66 : memref<128x128xf32, #tpu.memory_space<vmem_shared>>)
      tpu.yield
    }) : () -> ()
    %add3A_18 = arith.constant 512 : i32
    %add3A_19 = arith.addi %min3A_9, %add3A_18 : i32
    "tpu.region"() ({
      %run_scoped3A = tpu.sem_alloc : memref<!tpu.dma_semaphore, #tpu.memory_space<semaphore_mem>>
      %dma_start3A = arith.constant 0 : i32
      %dma_start3A_61 = tpu.memref_slice %arg13[%add3A_19, %dma_start3A] : memref<10000x128xf32, #tpu.memory_space<vmem_shared>> -> memref<128x128xf32, #tpu.memory_space<vmem_shared>>
      %dma_start3A_62 = arith.constant 0 : i32
      %dma_start3A_63 = tpu.memref_slice %arg13[%add3A_19, %dma_start3A_62] : memref<10000x128xf32, #tpu.memory_space<vmem_shared>> -> memref<128x128xf32, #tpu.memory_space<vmem_shared>>
      tpu.enqueue_dma source(%arg11 : memref<128x128xf32, #tpu.memory_space<vmem>>) target(%dma_start3A_63 : memref<128x128xf32, #tpu.memory_space<vmem_shared>>) target_semaphore(%run_scoped3A : memref<!tpu.dma_semaphore, #tpu.memory_space<semaphore_mem>>)
      %dma_wait3A = arith.constant 0 : i32
      %dma_wait3A_64 = tpu.memref_slice %arg13[%add3A_19, %dma_wait3A] : memref<10000x128xf32, #tpu.memory_space<vmem_shared>> -> memref<128x128xf32, #tpu.memory_space<vmem_shared>>
      %dma_wait3A_65 = arith.constant 0 : i32
      %dma_wait3A_66 = tpu.memref_slice %arg13[%add3A_19, %dma_wait3A_65] : memref<10000x128xf32, #tpu.memory_space<vmem_shared>> -> memref<128x128xf32, #tpu.memory_space<vmem_shared>>
      tpu.wait_dma2 semaphore(%run_scoped3A : memref<!tpu.dma_semaphore, #tpu.memory_space<semaphore_mem>>) src(%arg11 : memref<128x128xf32, #tpu.memory_space<vmem>>) dst(%dma_wait3A_66 : memref<128x128xf32, #tpu.memory_space<vmem_shared>>)
      tpu.yield
    }) : () -> ()
    %barrier3A = arith.constant 0 : index
    tpu.barrier barrier_id(%barrier3A)
    %scan3A = arith.constant 0 : i32
    %scan3A_20 = arith.constant 0 : i32
    %scan3A_21 = arith.constant 20 : i32
    %scan3A_22 = arith.addi %scan3A_20, %scan3A_21 : i32
    %scan3A_23 = arith.constant 1 : i32
    scf.for %scan3A_61 = %scan3A_20 to %scan3A_22 step %scan3A_23  : i32 {
      %mul3A_62 = arith.constant 2 : i32
      %mul3A_63 = arith.muli %scan3A_61, %mul3A_62 : i32
      %add3A_64 = arith.constant 0 : i32
      %add3A_65 = arith.addi %mul3A_63, %add3A_64 : i32
      %lt3A = arith.cmpi slt, %add3A_65, %select_n3A : i32
      %convert_element_type3A = arith.extui %lt3A : i1 to i32
      %cond3A = arith.constant 0 : i32
      %cond3A_66 = arith.cmpi ne, %convert_element_type3A, %cond3A : i32
      scf.if %cond3A_66 {
        %dma_start3A = arith.constant 0 : i32
        %dma_start3A_83 = tpu.memref_slice %arg9[%add3A_65, %dma_start3A] : memref<40x128xi32, #tpu.memory_space<vmem>> -> memref<1x128xi32, #tpu.memory_space<vmem>>
        %dma_start3A_84 = tpu.memref_squeeze %dma_start3A_83 : memref<1x128xi32, #tpu.memory_space<vmem>> -> memref<128xi32, #tpu.memory_space<vmem>>
        %dma_start3A_85 = arith.constant 0 : i32
        %dma_start3A_86 = arith.constant 0 : i32
        %dma_start3A_87 = tpu.memref_slice %arg2[%dma_start3A_85, %dma_start3A_86] : memref<10000x128xf32, #tpu.memory_space<hbm>> -> memref<10000x128xf32, #tpu.memory_space<hbm>>
        tpu.enqueue_indirect_dma source(%dma_start3A_87 : memref<10000x128xf32, #tpu.memory_space<hbm>>) target(%arg11 : memref<128x128xf32, #tpu.memory_space<vmem>>) offsets(%dma_start3A_84 : memref<128xi32, #tpu.memory_space<vmem>>) semaphore(%arg14 : memref<!tpu.dma_semaphore, #tpu.memory_space<semaphore_mem>>)
      } else {
      }
      %mul3A_67 = arith.constant 2 : i32
      %mul3A_68 = arith.muli %scan3A_61, %mul3A_67 : i32
      %add3A_69 = arith.constant 1 : i32
      %add3A_70 = arith.addi %mul3A_68, %add3A_69 : i32
      %lt3A_71 = arith.cmpi slt, %add3A_70, %select_n3A : i32
      %convert_element_type3A_72 = arith.extui %lt3A_71 : i1 to i32
      %cond3A_73 = arith.constant 0 : i32
      %cond3A_74 = arith.cmpi ne, %convert_element_type3A_72, %cond3A_73 : i32
      scf.if %cond3A_74 {
        %dma_start3A = arith.constant 0 : i32
        %dma_start3A_83 = tpu.memref_slice %arg9[%add3A_70, %dma_start3A] : memref<40x128xi32, #tpu.memory_space<vmem>> -> memref<1x128xi32, #tpu.memory_space<vmem>>
        %dma_start3A_84 = tpu.memref_squeeze %dma_start3A_83 : memref<1x128xi32, #tpu.memory_space<vmem>> -> memref<128xi32, #tpu.memory_space<vmem>>
        %dma_start3A_85 = arith.constant 0 : i32
        %dma_start3A_86 = arith.constant 0 : i32
        %dma_start3A_87 = tpu.memref_slice %arg2[%dma_start3A_85, %dma_start3A_86] : memref<10000x128xf32, #tpu.memory_space<hbm>> -> memref<10000x128xf32, #tpu.memory_space<hbm>>
        tpu.enqueue_indirect_dma source(%dma_start3A_87 : memref<10000x128xf32, #tpu.memory_space<hbm>>) target(%arg12 : memref<128x128xf32, #tpu.memory_space<vmem>>) offsets(%dma_start3A_84 : memref<128xi32, #tpu.memory_space<vmem>>) semaphore(%arg15 : memref<!tpu.dma_semaphore, #tpu.memory_space<semaphore_mem>>)
      } else {
      }
      %lt3A_75 = arith.cmpi slt, %add3A_65, %select_n3A : i32
      %convert_element_type3A_76 = arith.extui %lt3A_75 : i1 to i32
      %cond3A_77 = arith.constant 0 : i32
      %cond3A_78 = arith.cmpi ne, %convert_element_type3A_76, %cond3A_77 : i32
      scf.if %cond3A_78 {
        %dma_wait3A = arith.constant 0 : i32
        %dma_wait3A_83 = tpu.memref_slice %arg9[%add3A_65, %dma_wait3A] : memref<40x128xi32, #tpu.memory_space<vmem>> -> memref<1x128xi32, #tpu.memory_space<vmem>>
        %dma_wait3A_84 = tpu.memref_squeeze %dma_wait3A_83 : memref<1x128xi32, #tpu.memory_space<vmem>> -> memref<128xi32, #tpu.memory_space<vmem>>
        %dma_wait3A_85 = arith.constant 0 : i32
        %dma_wait3A_86 = arith.constant 0 : i32
        %dma_wait3A_87 = tpu.memref_slice %arg2[%dma_wait3A_85, %dma_wait3A_86] : memref<10000x128xf32, #tpu.memory_space<hbm>> -> memref<10000x128xf32, #tpu.memory_space<hbm>>
        tpu.wait_indirect_dma semaphore(%arg14 : memref<!tpu.dma_semaphore, #tpu.memory_space<semaphore_mem>>) src(%dma_wait3A_87 : memref<10000x128xf32, #tpu.memory_space<hbm>>) dst(%arg11 : memref<128x128xf32, #tpu.memory_space<vmem>>)
        "tpu.region"() ({
          %run_scoped3A = tpu.sem_alloc : memref<!tpu.dma_semaphore, #tpu.memory_space<semaphore_mem>>
          %dma_start3A = arith.constant 0 : i32
          %dma_start3A_88 = tpu.memref_slice %arg10[%add3A_65, %dma_start3A] : memref<40x128xi32, #tpu.memory_space<vmem>> -> memref<1x128xi32, #tpu.memory_space<vmem>>
          %dma_start3A_89 = tpu.memref_squeeze %dma_start3A_88 : memref<1x128xi32, #tpu.memory_space<vmem>> -> memref<128xi32, #tpu.memory_space<vmem>>
          %dma_start3A_90 = arith.constant 0 : i32
          %dma_start3A_91 = arith.constant 0 : i32
          %dma_start3A_92 = tpu.memref_slice %arg13[%dma_start3A_90, %dma_start3A_91] : memref<10000x128xf32, #tpu.memory_space<vmem_shared>> -> memref<10000x128xf32, #tpu.memory_space<vmem_shared>>
          tpu.enqueue_indirect_dma source(%arg11 : memref<128x128xf32, #tpu.memory_space<vmem>>) target(%dma_start3A_92 : memref<10000x128xf32, #tpu.memory_space<vmem_shared>>) offsets(%dma_start3A_89 : memref<128xi32, #tpu.memory_space<vmem>>) semaphore(%run_scoped3A : memref<!tpu.dma_semaphore, #tpu.memory_space<semaphore_mem>>) {add = true}
          %dma_wait3A_93 = arith.constant 0 : i32
          %dma_wait3A_94 = tpu.memref_slice %arg10[%add3A_65, %dma_wait3A_93] : memref<40x128xi32, #tpu.memory_space<vmem>> -> memref<1x128xi32, #tpu.memory_space<vmem>>
          %dma_wait3A_95 = tpu.memref_squeeze %dma_wait3A_94 : memref<1x128xi32, #tpu.memory_space<vmem>> -> memref<128xi32, #tpu.memory_space<vmem>>
          %dma_wait3A_96 = arith.constant 0 : i32
          %dma_wait3A_97 = arith.constant 0 : i32
          %dma_wait3A_98 = tpu.memref_slice %arg13[%dma_wait3A_96, %dma_wait3A_97] : memref<10000x128xf32, #tpu.memory_space<vmem_shared>> -> memref<10000x128xf32, #tpu.memory_space<vmem_shared>>
          tpu.wait_indirect_dma semaphore(%run_scoped3A : memref<!tpu.dma_semaphore, #tpu.memory_space<semaphore_mem>>) src(%arg11 : memref<128x128xf32, #tpu.memory_space<vmem>>) dst(%dma_wait3A_98 : memref<10000x128xf32, #tpu.memory_space<vmem_shared>>)
          tpu.yield
        }) : () -> ()
      } else {
      }
      %lt3A_79 = arith.cmpi slt, %add3A_70, %select_n3A : i32
      %convert_element_type3A_80 = arith.extui %lt3A_79 : i1 to i32
      %cond3A_81 = arith.constant 0 : i32
      %cond3A_82 = arith.cmpi ne, %convert_element_type3A_80, %cond3A_81 : i32
      scf.if %cond3A_82 {
        %dma_wait3A = arith.constant 0 : i32
        %dma_wait3A_83 = tpu.memref_slice %arg9[%add3A_70, %dma_wait3A] : memref<40x128xi32, #tpu.memory_space<vmem>> -> memref<1x128xi32, #tpu.memory_space<vmem>>
        %dma_wait3A_84 = tpu.memref_squeeze %dma_wait3A_83 : memref<1x128xi32, #tpu.memory_space<vmem>> -> memref<128xi32, #tpu.memory_space<vmem>>
        %dma_wait3A_85 = arith.constant 0 : i32
        %dma_wait3A_86 = arith.constant 0 : i32
        %dma_wait3A_87 = tpu.memref_slice %arg2[%dma_wait3A_85, %dma_wait3A_86] : memref<10000x128xf32, #tpu.memory_space<hbm>> -> memref<10000x128xf32, #tpu.memory_space<hbm>>
        tpu.wait_indirect_dma semaphore(%arg15 : memref<!tpu.dma_semaphore, #tpu.memory_space<semaphore_mem>>) src(%dma_wait3A_87 : memref<10000x128xf32, #tpu.memory_space<hbm>>) dst(%arg12 : memref<128x128xf32, #tpu.memory_space<vmem>>)
        "tpu.region"() ({
          %run_scoped3A = tpu.sem_alloc : memref<!tpu.dma_semaphore, #tpu.memory_space<semaphore_mem>>
          %dma_start3A = arith.constant 0 : i32
          %dma_start3A_88 = tpu.memref_slice %arg10[%add3A_70, %dma_start3A] : memref<40x128xi32, #tpu.memory_space<vmem>> -> memref<1x128xi32, #tpu.memory_space<vmem>>
          %dma_start3A_89 = tpu.memref_squeeze %dma_start3A_88 : memref<1x128xi32, #tpu.memory_space<vmem>> -> memref<128xi32, #tpu.memory_space<vmem>>
          %dma_start3A_90 = arith.constant 0 : i32
          %dma_start3A_91 = arith.constant 0 : i32
          %dma_start3A_92 = tpu.memref_slice %arg13[%dma_start3A_90, %dma_start3A_91] : memref<10000x128xf32, #tpu.memory_space<vmem_shared>> -> memref<10000x128xf32, #tpu.memory_space<vmem_shared>>
          tpu.enqueue_indirect_dma source(%arg12 : memref<128x128xf32, #tpu.memory_space<vmem>>) target(%dma_start3A_92 : memref<10000x128xf32, #tpu.memory_space<vmem_shared>>) offsets(%dma_start3A_89 : memref<128xi32, #tpu.memory_space<vmem>>) semaphore(%run_scoped3A : memref<!tpu.dma_semaphore, #tpu.memory_space<semaphore_mem>>) {add = true}
          %dma_wait3A_93 = arith.constant 0 : i32
          %dma_wait3A_94 = tpu.memref_slice %arg10[%add3A_70, %dma_wait3A_93] : memref<40x128xi32, #tpu.memory_space<vmem>> -> memref<1x128xi32, #tpu.memory_space<vmem>>
          %dma_wait3A_95 = tpu.memref_squeeze %dma_wait3A_94 : memref<1x128xi32, #tpu.memory_space<vmem>> -> memref<128xi32, #tpu.memory_space<vmem>>
          %dma_wait3A_96 = arith.constant 0 : i32
          %dma_wait3A_97 = arith.constant 0 : i32
          %dma_wait3A_98 = tpu.memref_slice %arg13[%dma_wait3A_96, %dma_wait3A_97] : memref<10000x128xf32, #tpu.memory_space<vmem_shared>> -> memref<10000x128xf32, #tpu.memory_space<vmem_shared>>
          tpu.wait_indirect_dma semaphore(%run_scoped3A : memref<!tpu.dma_semaphore, #tpu.memory_space<semaphore_mem>>) src(%arg12 : memref<128x128xf32, #tpu.memory_space<vmem>>) dst(%dma_wait3A_98 : memref<10000x128xf32, #tpu.memory_space<vmem_shared>>)
          tpu.yield
        }) : () -> ()
      } else {
      }
    }
    %scan3A_24 = arith.constant 20 : i32
    %barrier3A_25 = arith.constant 0 : index
    tpu.barrier barrier_id(%barrier3A_25)
    %add3A_26 = arith.constant 0 : i32
    %add3A_27 = arith.addi %min3A_9, %add3A_26 : i32
    "tpu.region"() ({
      %run_scoped3A = tpu.sem_alloc : memref<!tpu.dma_semaphore, #tpu.memory_space<semaphore_mem>>
      %dma_start3A = arith.constant 0 : i32
      %dma_start3A_61 = tpu.memref_slice %arg13[%add3A_27, %dma_start3A] : memref<10000x128xf32, #tpu.memory_space<vmem_shared>> -> memref<128x128xf32, #tpu.memory_space<vmem_shared>>
      %dma_start3A_62 = arith.constant 0 : i32
      %dma_start3A_63 = tpu.memref_slice %arg13[%add3A_27, %dma_start3A_62] : memref<10000x128xf32, #tpu.memory_space<vmem_shared>> -> memref<128x128xf32, #tpu.memory_space<vmem_shared>>
      tpu.enqueue_dma source(%dma_start3A_63 : memref<128x128xf32, #tpu.memory_space<vmem_shared>>) target(%arg11 : memref<128x128xf32, #tpu.memory_space<vmem>>) target_semaphore(%run_scoped3A : memref<!tpu.dma_semaphore, #tpu.memory_space<semaphore_mem>>)
      %dma_wait3A = arith.constant 0 : i32
      %dma_wait3A_64 = tpu.memref_slice %arg13[%add3A_27, %dma_wait3A] : memref<10000x128xf32, #tpu.memory_space<vmem_shared>> -> memref<128x128xf32, #tpu.memory_space<vmem_shared>>
      %dma_wait3A_65 = arith.constant 0 : i32
      %dma_wait3A_66 = tpu.memref_slice %arg13[%add3A_27, %dma_wait3A_65] : memref<10000x128xf32, #tpu.memory_space<vmem_shared>> -> memref<128x128xf32, #tpu.memory_space<vmem_shared>>
      tpu.wait_dma2 semaphore(%run_scoped3A : memref<!tpu.dma_semaphore, #tpu.memory_space<semaphore_mem>>) src(%dma_wait3A_66 : memref<128x128xf32, #tpu.memory_space<vmem_shared>>) dst(%arg11 : memref<128x128xf32, #tpu.memory_space<vmem>>)
      tpu.yield
    }) : () -> ()
    %mul3A_28 = arith.constant 10000 : i32
    %mul3A_29 = arith.muli %arg0, %mul3A_28 : i32
    %add3A_30 = arith.addi %mul3A_29, %min3A_9 : i32
    %add3A_31 = arith.constant 0 : i32
    %add3A_32 = arith.addi %add3A_30, %add3A_31 : i32
    "tpu.region"() ({
      %run_scoped3A = tpu.sem_alloc : memref<!tpu.dma_semaphore, #tpu.memory_space<semaphore_mem>>
      %dma_start3A = arith.constant 0 : i32
      %dma_start3A_61 = tpu.memref_slice %arg8[%add3A_32, %dma_start3A] : memref<20000x128xf32, #tpu.memory_space<hbm>> -> memref<128x128xf32, #tpu.memory_space<hbm>>
      %dma_start3A_62 = arith.constant 0 : i32
      %dma_start3A_63 = tpu.memref_slice %arg8[%add3A_32, %dma_start3A_62] : memref<20000x128xf32, #tpu.memory_space<hbm>> -> memref<128x128xf32, #tpu.memory_space<hbm>>
      tpu.enqueue_dma source(%arg11 : memref<128x128xf32, #tpu.memory_space<vmem>>) target(%dma_start3A_63 : memref<128x128xf32, #tpu.memory_space<hbm>>) target_semaphore(%run_scoped3A : memref<!tpu.dma_semaphore, #tpu.memory_space<semaphore_mem>>)
      %dma_wait3A = arith.constant 0 : i32
      %dma_wait3A_64 = tpu.memref_slice %arg8[%add3A_32, %dma_wait3A] : memref<20000x128xf32, #tpu.memory_space<hbm>> -> memref<128x128xf32, #tpu.memory_space<hbm>>
      %dma_wait3A_65 = arith.constant 0 : i32
      %dma_wait3A_66 = tpu.memref_slice %arg8[%add3A_32, %dma_wait3A_65] : memref<20000x128xf32, #tpu.memory_space<hbm>> -> memref<128x128xf32, #tpu.memory_space<hbm>>
      tpu.wait_dma2 semaphore(%run_scoped3A : memref<!tpu.dma_semaphore, #tpu.memory_space<semaphore_mem>>) src(%arg11 : memref<128x128xf32, #tpu.memory_space<vmem>>) dst(%dma_wait3A_66 : memref<128x128xf32, #tpu.memory_space<hbm>>)
      tpu.yield
    }) : () -> ()
    %add3A_33 = arith.constant 128 : i32
    %add3A_34 = arith.addi %min3A_9, %add3A_33 : i32
    "tpu.region"() ({
      %run_scoped3A = tpu.sem_alloc : memref<!tpu.dma_semaphore, #tpu.memory_space<semaphore_mem>>
      %dma_start3A = arith.constant 0 : i32
      %dma_start3A_61 = tpu.memref_slice %arg13[%add3A_34, %dma_start3A] : memref<10000x128xf32, #tpu.memory_space<vmem_shared>> -> memref<128x128xf32, #tpu.memory_space<vmem_shared>>
      %dma_start3A_62 = arith.constant 0 : i32
      %dma_start3A_63 = tpu.memref_slice %arg13[%add3A_34, %dma_start3A_62] : memref<10000x128xf32, #tpu.memory_space<vmem_shared>> -> memref<128x128xf32, #tpu.memory_space<vmem_shared>>
      tpu.enqueue_dma source(%dma_start3A_63 : memref<128x128xf32, #tpu.memory_space<vmem_shared>>) target(%arg11 : memref<128x128xf32, #tpu.memory_space<vmem>>) target_semaphore(%run_scoped3A : memref<!tpu.dma_semaphore, #tpu.memory_space<semaphore_mem>>)
      %dma_wait3A = arith.constant 0 : i32
      %dma_wait3A_64 = tpu.memref_slice %arg13[%add3A_34, %dma_wait3A] : memref<10000x128xf32, #tpu.memory_space<vmem_shared>> -> memref<128x128xf32, #tpu.memory_space<vmem_shared>>
      %dma_wait3A_65 = arith.constant 0 : i32
      %dma_wait3A_66 = tpu.memref_slice %arg13[%add3A_34, %dma_wait3A_65] : memref<10000x128xf32, #tpu.memory_space<vmem_shared>> -> memref<128x128xf32, #tpu.memory_space<vmem_shared>>
      tpu.wait_dma2 semaphore(%run_scoped3A : memref<!tpu.dma_semaphore, #tpu.memory_space<semaphore_mem>>) src(%dma_wait3A_66 : memref<128x128xf32, #tpu.memory_space<vmem_shared>>) dst(%arg11 : memref<128x128xf32, #tpu.memory_space<vmem>>)
      tpu.yield
    }) : () -> ()
    %mul3A_35 = arith.constant 10000 : i32
    %mul3A_36 = arith.muli %arg0, %mul3A_35 : i32
    %add3A_37 = arith.addi %mul3A_36, %min3A_9 : i32
    %add3A_38 = arith.constant 128 : i32
    %add3A_39 = arith.addi %add3A_37, %add3A_38 : i32
    "tpu.region"() ({
      %run_scoped3A = tpu.sem_alloc : memref<!tpu.dma_semaphore, #tpu.memory_space<semaphore_mem>>
      %dma_start3A = arith.constant 0 : i32
      %dma_start3A_61 = tpu.memref_slice %arg8[%add3A_39, %dma_start3A] : memref<20000x128xf32, #tpu.memory_space<hbm>> -> memref<128x128xf32, #tpu.memory_space<hbm>>
      %dma_start3A_62 = arith.constant 0 : i32
      %dma_start3A_63 = tpu.memref_slice %arg8[%add3A_39, %dma_start3A_62] : memref<20000x128xf32, #tpu.memory_space<hbm>> -> memref<128x128xf32, #tpu.memory_space<hbm>>
      tpu.enqueue_dma source(%arg11 : memref<128x128xf32, #tpu.memory_space<vmem>>) target(%dma_start3A_63 : memref<128x128xf32, #tpu.memory_space<hbm>>) target_semaphore(%run_scoped3A : memref<!tpu.dma_semaphore, #tpu.memory_space<semaphore_mem>>)
      %dma_wait3A = arith.constant 0 : i32
      %dma_wait3A_64 = tpu.memref_slice %arg8[%add3A_39, %dma_wait3A] : memref<20000x128xf32, #tpu.memory_space<hbm>> -> memref<128x128xf32, #tpu.memory_space<hbm>>
      %dma_wait3A_65 = arith.constant 0 : i32
      %dma_wait3A_66 = tpu.memref_slice %arg8[%add3A_39, %dma_wait3A_65] : memref<20000x128xf32, #tpu.memory_space<hbm>> -> memref<128x128xf32, #tpu.memory_space<hbm>>
      tpu.wait_dma2 semaphore(%run_scoped3A : memref<!tpu.dma_semaphore, #tpu.memory_space<semaphore_mem>>) src(%arg11 : memref<128x128xf32, #tpu.memory_space<vmem>>) dst(%dma_wait3A_66 : memref<128x128xf32, #tpu.memory_space<hbm>>)
      tpu.yield
    }) : () -> ()
    %add3A_40 = arith.constant 256 : i32
    %add3A_41 = arith.addi %min3A_9, %add3A_40 : i32
    "tpu.region"() ({
      %run_scoped3A = tpu.sem_alloc : memref<!tpu.dma_semaphore, #tpu.memory_space<semaphore_mem>>
      %dma_start3A = arith.constant 0 : i32
      %dma_start3A_61 = tpu.memref_slice %arg13[%add3A_41, %dma_start3A] : memref<10000x128xf32, #tpu.memory_space<vmem_shared>> -> memref<128x128xf32, #tpu.memory_space<vmem_shared>>
      %dma_start3A_62 = arith.constant 0 : i32
      %dma_start3A_63 = tpu.memref_slice %arg13[%add3A_41, %dma_start3A_62] : memref<10000x128xf32, #tpu.memory_space<vmem_shared>> -> memref<128x128xf32, #tpu.memory_space<vmem_shared>>
      tpu.enqueue_dma source(%dma_start3A_63 : memref<128x128xf32, #tpu.memory_space<vmem_shared>>) target(%arg11 : memref<128x128xf32, #tpu.memory_space<vmem>>) target_semaphore(%run_scoped3A : memref<!tpu.dma_semaphore, #tpu.memory_space<semaphore_mem>>)
      %dma_wait3A = arith.constant 0 : i32
      %dma_wait3A_64 = tpu.memref_slice %arg13[%add3A_41, %dma_wait3A] : memref<10000x128xf32, #tpu.memory_space<vmem_shared>> -> memref<128x128xf32, #tpu.memory_space<vmem_shared>>
      %dma_wait3A_65 = arith.constant 0 : i32
      %dma_wait3A_66 = tpu.memref_slice %arg13[%add3A_41, %dma_wait3A_65] : memref<10000x128xf32, #tpu.memory_space<vmem_shared>> -> memref<128x128xf32, #tpu.memory_space<vmem_shared>>
      tpu.wait_dma2 semaphore(%run_scoped3A : memref<!tpu.dma_semaphore, #tpu.memory_space<semaphore_mem>>) src(%dma_wait3A_66 : memref<128x128xf32, #tpu.memory_space<vmem_shared>>) dst(%arg11 : memref<128x128xf32, #tpu.memory_space<vmem>>)
      tpu.yield
    }) : () -> ()
    %mul3A_42 = arith.constant 10000 : i32
    %mul3A_43 = arith.muli %arg0, %mul3A_42 : i32
    %add3A_44 = arith.addi %mul3A_43, %min3A_9 : i32
    %add3A_45 = arith.constant 256 : i32
    %add3A_46 = arith.addi %add3A_44, %add3A_45 : i32
    "tpu.region"() ({
      %run_scoped3A = tpu.sem_alloc : memref<!tpu.dma_semaphore, #tpu.memory_space<semaphore_mem>>
      %dma_start3A = arith.constant 0 : i32
      %dma_start3A_61 = tpu.memref_slice %arg8[%add3A_46, %dma_start3A] : memref<20000x128xf32, #tpu.memory_space<hbm>> -> memref<128x128xf32, #tpu.memory_space<hbm>>
      %dma_start3A_62 = arith.constant 0 : i32
      %dma_start3A_63 = tpu.memref_slice %arg8[%add3A_46, %dma_start3A_62] : memref<20000x128xf32, #tpu.memory_space<hbm>> -> memref<128x128xf32, #tpu.memory_space<hbm>>
      tpu.enqueue_dma source(%arg11 : memref<128x128xf32, #tpu.memory_space<vmem>>) target(%dma_start3A_63 : memref<128x128xf32, #tpu.memory_space<hbm>>) target_semaphore(%run_scoped3A : memref<!tpu.dma_semaphore, #tpu.memory_space<semaphore_mem>>)
      %dma_wait3A = arith.constant 0 : i32
      %dma_wait3A_64 = tpu.memref_slice %arg8[%add3A_46, %dma_wait3A] : memref<20000x128xf32, #tpu.memory_space<hbm>> -> memref<128x128xf32, #tpu.memory_space<hbm>>
      %dma_wait3A_65 = arith.constant 0 : i32
      %dma_wait3A_66 = tpu.memref_slice %arg8[%add3A_46, %dma_wait3A_65] : memref<20000x128xf32, #tpu.memory_space<hbm>> -> memref<128x128xf32, #tpu.memory_space<hbm>>
      tpu.wait_dma2 semaphore(%run_scoped3A : memref<!tpu.dma_semaphore, #tpu.memory_space<semaphore_mem>>) src(%arg11 : memref<128x128xf32, #tpu.memory_space<vmem>>) dst(%dma_wait3A_66 : memref<128x128xf32, #tpu.memory_space<hbm>>)
      tpu.yield
    }) : () -> ()
    %add3A_47 = arith.constant 384 : i32
    %add3A_48 = arith.addi %min3A_9, %add3A_47 : i32
    "tpu.region"() ({
      %run_scoped3A = tpu.sem_alloc : memref<!tpu.dma_semaphore, #tpu.memory_space<semaphore_mem>>
      %dma_start3A = arith.constant 0 : i32
      %dma_start3A_61 = tpu.memref_slice %arg13[%add3A_48, %dma_start3A] : memref<10000x128xf32, #tpu.memory_space<vmem_shared>> -> memref<128x128xf32, #tpu.memory_space<vmem_shared>>
      %dma_start3A_62 = arith.constant 0 : i32
      %dma_start3A_63 = tpu.memref_slice %arg13[%add3A_48, %dma_start3A_62] : memref<10000x128xf32, #tpu.memory_space<vmem_shared>> -> memref<128x128xf32, #tpu.memory_space<vmem_shared>>
      tpu.enqueue_dma source(%dma_start3A_63 : memref<128x128xf32, #tpu.memory_space<vmem_shared>>) target(%arg11 : memref<128x128xf32, #tpu.memory_space<vmem>>) target_semaphore(%run_scoped3A : memref<!tpu.dma_semaphore, #tpu.memory_space<semaphore_mem>>)
      %dma_wait3A = arith.constant 0 : i32
      %dma_wait3A_64 = tpu.memref_slice %arg13[%add3A_48, %dma_wait3A] : memref<10000x128xf32, #tpu.memory_space<vmem_shared>> -> memref<128x128xf32, #tpu.memory_space<vmem_shared>>
      %dma_wait3A_65 = arith.constant 0 : i32
      %dma_wait3A_66 = tpu.memref_slice %arg13[%add3A_48, %dma_wait3A_65] : memref<10000x128xf32, #tpu.memory_space<vmem_shared>> -> memref<128x128xf32, #tpu.memory_space<vmem_shared>>
      tpu.wait_dma2 semaphore(%run_scoped3A : memref<!tpu.dma_semaphore, #tpu.memory_space<semaphore_mem>>) src(%dma_wait3A_66 : memref<128x128xf32, #tpu.memory_space<vmem_shared>>) dst(%arg11 : memref<128x128xf32, #tpu.memory_space<vmem>>)
      tpu.yield
    }) : () -> ()
    %mul3A_49 = arith.constant 10000 : i32
    %mul3A_50 = arith.muli %arg0, %mul3A_49 : i32
    %add3A_51 = arith.addi %mul3A_50, %min3A_9 : i32
    %add3A_52 = arith.constant 384 : i32
    %add3A_53 = arith.addi %add3A_51, %add3A_52 : i32
    "tpu.region"() ({
      %run_scoped3A = tpu.sem_alloc : memref<!tpu.dma_semaphore, #tpu.memory_space<semaphore_mem>>
      %dma_start3A = arith.constant 0 : i32
      %dma_start3A_61 = tpu.memref_slice %arg8[%add3A_53, %dma_start3A] : memref<20000x128xf32, #tpu.memory_space<hbm>> -> memref<128x128xf32, #tpu.memory_space<hbm>>
      %dma_start3A_62 = arith.constant 0 : i32
      %dma_start3A_63 = tpu.memref_slice %arg8[%add3A_53, %dma_start3A_62] : memref<20000x128xf32, #tpu.memory_space<hbm>> -> memref<128x128xf32, #tpu.memory_space<hbm>>
      tpu.enqueue_dma source(%arg11 : memref<128x128xf32, #tpu.memory_space<vmem>>) target(%dma_start3A_63 : memref<128x128xf32, #tpu.memory_space<hbm>>) target_semaphore(%run_scoped3A : memref<!tpu.dma_semaphore, #tpu.memory_space<semaphore_mem>>)
      %dma_wait3A = arith.constant 0 : i32
      %dma_wait3A_64 = tpu.memref_slice %arg8[%add3A_53, %dma_wait3A] : memref<20000x128xf32, #tpu.memory_space<hbm>> -> memref<128x128xf32, #tpu.memory_space<hbm>>
      %dma_wait3A_65 = arith.constant 0 : i32
      %dma_wait3A_66 = tpu.memref_slice %arg8[%add3A_53, %dma_wait3A_65] : memref<20000x128xf32, #tpu.memory_space<hbm>> -> memref<128x128xf32, #tpu.memory_space<hbm>>
      tpu.wait_dma2 semaphore(%run_scoped3A : memref<!tpu.dma_semaphore, #tpu.memory_space<semaphore_mem>>) src(%arg11 : memref<128x128xf32, #tpu.memory_space<vmem>>) dst(%dma_wait3A_66 : memref<128x128xf32, #tpu.memory_space<hbm>>)
      tpu.yield
    }) : () -> ()
    %add3A_54 = arith.constant 512 : i32
    %add3A_55 = arith.addi %min3A_9, %add3A_54 : i32
    "tpu.region"() ({
      %run_scoped3A = tpu.sem_alloc : memref<!tpu.dma_semaphore, #tpu.memory_space<semaphore_mem>>
      %dma_start3A = arith.constant 0 : i32
      %dma_start3A_61 = tpu.memref_slice %arg13[%add3A_55, %dma_start3A] : memref<10000x128xf32, #tpu.memory_space<vmem_shared>> -> memref<128x128xf32, #tpu.memory_space<vmem_shared>>
      %dma_start3A_62 = arith.constant 0 : i32
      %dma_start3A_63 = tpu.memref_slice %arg13[%add3A_55, %dma_start3A_62] : memref<10000x128xf32, #tpu.memory_space<vmem_shared>> -> memref<128x128xf32, #tpu.memory_space<vmem_shared>>
      tpu.enqueue_dma source(%dma_start3A_63 : memref<128x128xf32, #tpu.memory_space<vmem_shared>>) target(%arg11 : memref<128x128xf32, #tpu.memory_space<vmem>>) target_semaphore(%run_scoped3A : memref<!tpu.dma_semaphore, #tpu.memory_space<semaphore_mem>>)
      %dma_wait3A = arith.constant 0 : i32
      %dma_wait3A_64 = tpu.memref_slice %arg13[%add3A_55, %dma_wait3A] : memref<10000x128xf32, #tpu.memory_space<vmem_shared>> -> memref<128x128xf32, #tpu.memory_space<vmem_shared>>
      %dma_wait3A_65 = arith.constant 0 : i32
      %dma_wait3A_66 = tpu.memref_slice %arg13[%add3A_55, %dma_wait3A_65] : memref<10000x128xf32, #tpu.memory_space<vmem_shared>> -> memref<128x128xf32, #tpu.memory_space<vmem_shared>>
      tpu.wait_dma2 semaphore(%run_scoped3A : memref<!tpu.dma_semaphore, #tpu.memory_space<semaphore_mem>>) src(%dma_wait3A_66 : memref<128x128xf32, #tpu.memory_space<vmem_shared>>) dst(%arg11 : memref<128x128xf32, #tpu.memory_space<vmem>>)
      tpu.yield
    }) : () -> ()
    %mul3A_56 = arith.constant 10000 : i32
    %mul3A_57 = arith.muli %arg0, %mul3A_56 : i32
    %add3A_58 = arith.addi %mul3A_57, %min3A_9 : i32
    %add3A_59 = arith.constant 512 : i32
    %add3A_60 = arith.addi %add3A_58, %add3A_59 : i32
    "tpu.region"() ({
      %run_scoped3A = tpu.sem_alloc : memref<!tpu.dma_semaphore, #tpu.memory_space<semaphore_mem>>
      %dma_start3A = arith.constant 0 : i32
      %dma_start3A_61 = tpu.memref_slice %arg8[%add3A_60, %dma_start3A] : memref<20000x128xf32, #tpu.memory_space<hbm>> -> memref<128x128xf32, #tpu.memory_space<hbm>>
      %dma_start3A_62 = arith.constant 0 : i32
      %dma_start3A_63 = tpu.memref_slice %arg8[%add3A_60, %dma_start3A_62] : memref<20000x128xf32, #tpu.memory_space<hbm>> -> memref<128x128xf32, #tpu.memory_space<hbm>>
      tpu.enqueue_dma source(%arg11 : memref<128x128xf32, #tpu.memory_space<vmem>>) target(%dma_start3A_63 : memref<128x128xf32, #tpu.memory_space<hbm>>) target_semaphore(%run_scoped3A : memref<!tpu.dma_semaphore, #tpu.memory_space<semaphore_mem>>)
      %dma_wait3A = arith.constant 0 : i32
      %dma_wait3A_64 = tpu.memref_slice %arg8[%add3A_60, %dma_wait3A] : memref<20000x128xf32, #tpu.memory_space<hbm>> -> memref<128x128xf32, #tpu.memory_space<hbm>>
      %dma_wait3A_65 = arith.constant 0 : i32
      %dma_wait3A_66 = tpu.memref_slice %arg8[%add3A_60, %dma_wait3A_65] : memref<20000x128xf32, #tpu.memory_space<hbm>> -> memref<128x128xf32, #tpu.memory_space<hbm>>
      tpu.wait_dma2 semaphore(%run_scoped3A : memref<!tpu.dma_semaphore, #tpu.memory_space<semaphore_mem>>) src(%arg11 : memref<128x128xf32, #tpu.memory_space<vmem>>) dst(%dma_wait3A_66 : memref<128x128xf32, #tpu.memory_space<hbm>>)
      tpu.yield
    }) : () -> ()
    return
  }
}

#map = affine_map<(d0, d1) -> (0, 0)>
#map1 = affine_map<(d0, d1) -> (0)>
module attributes {stable_mosaic.version = 14 : i64} {
  func.func @_sc_nodes_and_cp(%arg0: i32, %arg1: i32, %arg2: memref<10000x128xf32, #tpu.memory_space<hbm>>, %arg3: memref<10000xi32, #tpu.memory_space<hbm>>, %arg4: memref<1280x128xi32, #tpu.memory_space<hbm>>, %arg5: memref<1280x128xi32, #tpu.memory_space<hbm>>, %arg6: memref<128xf32, #tpu.memory_space<hbm>>, %arg7: memref<640xf32, #tpu.memory_space<hbm>>, %arg8: memref<10000x128xf32, #tpu.memory_space<hbm>>, %arg9: memref<20000xf32, #tpu.memory_space<hbm>>, %arg10: memref<20000xf32, #tpu.memory_space<hbm>>, %arg11: memref<128xi32, #tpu.memory_space<vmem>>, %arg12: memref<128xi32, #tpu.memory_space<vmem>>, %arg13: memref<128xi32, #tpu.memory_space<vmem>>, %arg14: memref<128xi32, #tpu.memory_space<vmem>>, %arg15: memref<40x128xi32, #tpu.memory_space<vmem>>, %arg16: memref<40x128xi32, #tpu.memory_space<vmem>>, %arg17: memref<128x128xf32, #tpu.memory_space<vmem>>, %arg18: memref<128x128xf32, #tpu.memory_space<vmem>>, %arg19: memref<128x128xf32, #tpu.memory_space<vmem>>, %arg20: memref<128x128xf32, #tpu.memory_space<vmem>>, %arg21: memref<128xf32, #tpu.memory_space<vmem>>, %arg22: memref<640xf32, #tpu.memory_space<vmem>>, %arg23: memref<10000xf32, #tpu.memory_space<vmem_shared>>, %arg24: memref<10000xf32, #tpu.memory_space<vmem_shared>>, %arg25: memref<!tpu.dma_semaphore, #tpu.memory_space<semaphore_mem>>, %arg26: memref<!tpu.dma_semaphore, #tpu.memory_space<semaphore_mem>>, %arg27: memref<!tpu.dma_semaphore, #tpu.memory_space<semaphore_mem>>, %arg28: memref<!tpu.dma_semaphore, #tpu.memory_space<semaphore_mem>>) attributes {dimension_semantics = [#tpu.dimension_semantics<core_parallel>, #tpu.dimension_semantics<subcore_parallel>], iteration_bounds = array<i64: 2, 16>, scalar_prefetch = 0 : i64, scratch_operands = 18 : i64, tpu.core_type = #tpu.core_type<sc_vector_subcore>, window_params = [{transform_indices = #map}, {transform_indices = #map1}, {transform_indices = #map}, {transform_indices = #map}, {transform_indices = #map1}, {transform_indices = #map1}, {transform_indices = #map}, {transform_indices = #map1}, {transform_indices = #map1}]} {
    %mul3A = arith.constant 2 : i32
    %mul3A_0 = arith.muli %arg1, %mul3A : i32
    %add3A = arith.addi %mul3A_0, %arg0 : i32
    %eq3A = arith.constant 31 : i32
    %eq3A_1 = arith.cmpi eq, %add3A, %eq3A : i32
    %jit3A = arith.constant 10 : i32
    %jit3A_2 = arith.constant 40 : i32
    %select_n3A = arith.select %eq3A_1, %jit3A, %jit3A_2 : i32
    "tpu.region"() ({
      %run_scoped3A = tpu.sem_alloc : memref<!tpu.dma_semaphore, #tpu.memory_space<semaphore_mem>>
      tpu.enqueue_dma source(%arg6 : memref<128xf32, #tpu.memory_space<hbm>>) target(%arg21 : memref<128xf32, #tpu.memory_space<vmem>>) target_semaphore(%run_scoped3A : memref<!tpu.dma_semaphore, #tpu.memory_space<semaphore_mem>>)
      tpu.wait_dma2 semaphore(%run_scoped3A : memref<!tpu.dma_semaphore, #tpu.memory_space<semaphore_mem>>) src(%arg6 : memref<128xf32, #tpu.memory_space<hbm>>) dst(%arg21 : memref<128xf32, #tpu.memory_space<vmem>>)
      tpu.yield
    }) : () -> ()
    %mul3A_3 = arith.constant 640 : i32
    %mul3A_4 = arith.muli %arg1, %mul3A_3 : i32
    %min3A = arith.constant 9360 : i32
    %min3A_5 = arith.minsi %mul3A_4, %min3A : i32
    %add3A_6 = arith.constant 0 : i32
    %add3A_7 = arith.addi %add3A_6, %add3A : i32
    %lt3A = arith.constant 78 : i32
    %lt3A_8 = arith.cmpi slt, %add3A_7, %lt3A : i32
    %convert_element_type3A = arith.extui %lt3A_8 : i1 to i32
    %cond3A = arith.constant 0 : i32
    %cond3A_9 = arith.cmpi ne, %convert_element_type3A, %cond3A : i32
    scf.if %cond3A_9 {
      %mul3A_71 = arith.constant 128 : i32
      %mul3A_72 = arith.muli %add3A_7, %mul3A_71 : i32
      "tpu.region"() ({
        %run_scoped3A = tpu.sem_alloc : memref<!tpu.dma_semaphore, #tpu.memory_space<semaphore_mem>>
        %dma_start3A_75 = tpu.memref_slice %arg3[%mul3A_72] : memref<10000xi32, #tpu.memory_space<hbm>> -> memref<128xi32, #tpu.memory_space<hbm>>
        %dma_start3A_76 = tpu.memref_slice %arg3[%mul3A_72] : memref<10000xi32, #tpu.memory_space<hbm>> -> memref<128xi32, #tpu.memory_space<hbm>>
        tpu.enqueue_dma source(%dma_start3A_76 : memref<128xi32, #tpu.memory_space<hbm>>) target(%arg11 : memref<128xi32, #tpu.memory_space<vmem>>) target_semaphore(%run_scoped3A : memref<!tpu.dma_semaphore, #tpu.memory_space<semaphore_mem>>)
        %dma_wait3A = tpu.memref_slice %arg3[%mul3A_72] : memref<10000xi32, #tpu.memory_space<hbm>> -> memref<128xi32, #tpu.memory_space<hbm>>
        %dma_wait3A_77 = tpu.memref_slice %arg3[%mul3A_72] : memref<10000xi32, #tpu.memory_space<hbm>> -> memref<128xi32, #tpu.memory_space<hbm>>
        tpu.wait_dma2 semaphore(%run_scoped3A : memref<!tpu.dma_semaphore, #tpu.memory_space<semaphore_mem>>) src(%dma_wait3A_77 : memref<128xi32, #tpu.memory_space<hbm>>) dst(%arg11 : memref<128xi32, #tpu.memory_space<vmem>>)
        tpu.yield
      }) : () -> ()
      %dma_start3A = arith.constant 0 : i32
      %dma_start3A_73 = arith.constant 0 : i32
      %dma_start3A_74 = tpu.memref_slice %arg2[%dma_start3A, %dma_start3A_73] : memref<10000x128xf32, #tpu.memory_space<hbm>> -> memref<10000x128xf32, #tpu.memory_space<hbm>>
      tpu.enqueue_indirect_dma source(%dma_start3A_74 : memref<10000x128xf32, #tpu.memory_space<hbm>>) target(%arg17 : memref<128x128xf32, #tpu.memory_space<vmem>>) offsets(%arg11 : memref<128xi32, #tpu.memory_space<vmem>>) semaphore(%arg25 : memref<!tpu.dma_semaphore, #tpu.memory_space<semaphore_mem>>)
    } else {
    }
    %add3A_10 = arith.constant 32 : i32
    %add3A_11 = arith.addi %add3A_10, %add3A : i32
    %lt3A_12 = arith.constant 78 : i32
    %lt3A_13 = arith.cmpi slt, %add3A_11, %lt3A_12 : i32
    %convert_element_type3A_14 = arith.extui %lt3A_13 : i1 to i32
    %cond3A_15 = arith.constant 0 : i32
    %cond3A_16 = arith.cmpi ne, %convert_element_type3A_14, %cond3A_15 : i32
    scf.if %cond3A_16 {
      %mul3A_71 = arith.constant 128 : i32
      %mul3A_72 = arith.muli %add3A_11, %mul3A_71 : i32
      "tpu.region"() ({
        %run_scoped3A = tpu.sem_alloc : memref<!tpu.dma_semaphore, #tpu.memory_space<semaphore_mem>>
        %dma_start3A_75 = tpu.memref_slice %arg3[%mul3A_72] : memref<10000xi32, #tpu.memory_space<hbm>> -> memref<128xi32, #tpu.memory_space<hbm>>
        %dma_start3A_76 = tpu.memref_slice %arg3[%mul3A_72] : memref<10000xi32, #tpu.memory_space<hbm>> -> memref<128xi32, #tpu.memory_space<hbm>>
        tpu.enqueue_dma source(%dma_start3A_76 : memref<128xi32, #tpu.memory_space<hbm>>) target(%arg12 : memref<128xi32, #tpu.memory_space<vmem>>) target_semaphore(%run_scoped3A : memref<!tpu.dma_semaphore, #tpu.memory_space<semaphore_mem>>)
        %dma_wait3A = tpu.memref_slice %arg3[%mul3A_72] : memref<10000xi32, #tpu.memory_space<hbm>> -> memref<128xi32, #tpu.memory_space<hbm>>
        %dma_wait3A_77 = tpu.memref_slice %arg3[%mul3A_72] : memref<10000xi32, #tpu.memory_space<hbm>> -> memref<128xi32, #tpu.memory_space<hbm>>
        tpu.wait_dma2 semaphore(%run_scoped3A : memref<!tpu.dma_semaphore, #tpu.memory_space<semaphore_mem>>) src(%dma_wait3A_77 : memref<128xi32, #tpu.memory_space<hbm>>) dst(%arg12 : memref<128xi32, #tpu.memory_space<vmem>>)
        tpu.yield
      }) : () -> ()
      %dma_start3A = arith.constant 0 : i32
      %dma_start3A_73 = arith.constant 0 : i32
      %dma_start3A_74 = tpu.memref_slice %arg2[%dma_start3A, %dma_start3A_73] : memref<10000x128xf32, #tpu.memory_space<hbm>> -> memref<10000x128xf32, #tpu.memory_space<hbm>>
      tpu.enqueue_indirect_dma source(%dma_start3A_74 : memref<10000x128xf32, #tpu.memory_space<hbm>>) target(%arg18 : memref<128x128xf32, #tpu.memory_space<vmem>>) offsets(%arg12 : memref<128xi32, #tpu.memory_space<vmem>>) semaphore(%arg26 : memref<!tpu.dma_semaphore, #tpu.memory_space<semaphore_mem>>)
    } else {
    }
    %add3A_17 = arith.constant 64 : i32
    %add3A_18 = arith.addi %add3A_17, %add3A : i32
    %lt3A_19 = arith.constant 78 : i32
    %lt3A_20 = arith.cmpi slt, %add3A_18, %lt3A_19 : i32
    %convert_element_type3A_21 = arith.extui %lt3A_20 : i1 to i32
    %cond3A_22 = arith.constant 0 : i32
    %cond3A_23 = arith.cmpi ne, %convert_element_type3A_21, %cond3A_22 : i32
    scf.if %cond3A_23 {
      %mul3A_71 = arith.constant 128 : i32
      %mul3A_72 = arith.muli %add3A_18, %mul3A_71 : i32
      "tpu.region"() ({
        %run_scoped3A = tpu.sem_alloc : memref<!tpu.dma_semaphore, #tpu.memory_space<semaphore_mem>>
        %dma_start3A_75 = tpu.memref_slice %arg3[%mul3A_72] : memref<10000xi32, #tpu.memory_space<hbm>> -> memref<128xi32, #tpu.memory_space<hbm>>
        %dma_start3A_76 = tpu.memref_slice %arg3[%mul3A_72] : memref<10000xi32, #tpu.memory_space<hbm>> -> memref<128xi32, #tpu.memory_space<hbm>>
        tpu.enqueue_dma source(%dma_start3A_76 : memref<128xi32, #tpu.memory_space<hbm>>) target(%arg13 : memref<128xi32, #tpu.memory_space<vmem>>) target_semaphore(%run_scoped3A : memref<!tpu.dma_semaphore, #tpu.memory_space<semaphore_mem>>)
        %dma_wait3A = tpu.memref_slice %arg3[%mul3A_72] : memref<10000xi32, #tpu.memory_space<hbm>> -> memref<128xi32, #tpu.memory_space<hbm>>
        %dma_wait3A_77 = tpu.memref_slice %arg3[%mul3A_72] : memref<10000xi32, #tpu.memory_space<hbm>> -> memref<128xi32, #tpu.memory_space<hbm>>
        tpu.wait_dma2 semaphore(%run_scoped3A : memref<!tpu.dma_semaphore, #tpu.memory_space<semaphore_mem>>) src(%dma_wait3A_77 : memref<128xi32, #tpu.memory_space<hbm>>) dst(%arg13 : memref<128xi32, #tpu.memory_space<vmem>>)
        tpu.yield
      }) : () -> ()
      %dma_start3A = arith.constant 0 : i32
      %dma_start3A_73 = arith.constant 0 : i32
      %dma_start3A_74 = tpu.memref_slice %arg2[%dma_start3A, %dma_start3A_73] : memref<10000x128xf32, #tpu.memory_space<hbm>> -> memref<10000x128xf32, #tpu.memory_space<hbm>>
      tpu.enqueue_indirect_dma source(%dma_start3A_74 : memref<10000x128xf32, #tpu.memory_space<hbm>>) target(%arg19 : memref<128x128xf32, #tpu.memory_space<vmem>>) offsets(%arg13 : memref<128xi32, #tpu.memory_space<vmem>>) semaphore(%arg27 : memref<!tpu.dma_semaphore, #tpu.memory_space<semaphore_mem>>)
    } else {
    }
    %eq3A_24 = arith.constant 0 : i32
    %eq3A_25 = arith.cmpi eq, %add3A, %eq3A_24 : i32
    %convert_element_type3A_26 = arith.extui %eq3A_25 : i1 to i32
    %cond3A_27 = arith.constant 0 : i32
    %cond3A_28 = arith.cmpi ne, %convert_element_type3A_26, %cond3A_27 : i32
    scf.if %cond3A_28 {
      "tpu.region"() ({
        %run_scoped3A = tpu.sem_alloc : memref<!tpu.dma_semaphore, #tpu.memory_space<semaphore_mem>>
        %dma_start3A_78 = arith.constant 0 : i32
        %dma_start3A_79 = tpu.memref_slice %arg14[%dma_start3A_78] : memref<128xi32, #tpu.memory_space<vmem>> -> memref<16xi32, #tpu.memory_space<vmem>>
        %dma_start3A_80 = arith.constant 9984 : i32
        %dma_start3A_81 = tpu.memref_slice %arg3[%dma_start3A_80] : memref<10000xi32, #tpu.memory_space<hbm>> -> memref<16xi32, #tpu.memory_space<hbm>>
        %dma_start3A_82 = arith.constant 0 : i32
        %dma_start3A_83 = tpu.memref_slice %arg14[%dma_start3A_82] : memref<128xi32, #tpu.memory_space<vmem>> -> memref<16xi32, #tpu.memory_space<vmem>>
        %dma_start3A_84 = arith.constant 9984 : i32
        %dma_start3A_85 = tpu.memref_slice %arg3[%dma_start3A_84] : memref<10000xi32, #tpu.memory_space<hbm>> -> memref<16xi32, #tpu.memory_space<hbm>>
        tpu.enqueue_dma source(%dma_start3A_85 : memref<16xi32, #tpu.memory_space<hbm>>) target(%dma_start3A_83 : memref<16xi32, #tpu.memory_space<vmem>>) target_semaphore(%run_scoped3A : memref<!tpu.dma_semaphore, #tpu.memory_space<semaphore_mem>>)
        %dma_wait3A = arith.constant 0 : i32
        %dma_wait3A_86 = tpu.memref_slice %arg14[%dma_wait3A] : memref<128xi32, #tpu.memory_space<vmem>> -> memref<16xi32, #tpu.memory_space<vmem>>
        %dma_wait3A_87 = arith.constant 9984 : i32
        %dma_wait3A_88 = tpu.memref_slice %arg3[%dma_wait3A_87] : memref<10000xi32, #tpu.memory_space<hbm>> -> memref<16xi32, #tpu.memory_space<hbm>>
        %dma_wait3A_89 = arith.constant 0 : i32
        %dma_wait3A_90 = tpu.memref_slice %arg14[%dma_wait3A_89] : memref<128xi32, #tpu.memory_space<vmem>> -> memref<16xi32, #tpu.memory_space<vmem>>
        %dma_wait3A_91 = arith.constant 9984 : i32
        %dma_wait3A_92 = tpu.memref_slice %arg3[%dma_wait3A_91] : memref<10000xi32, #tpu.memory_space<hbm>> -> memref<16xi32, #tpu.memory_space<hbm>>
        tpu.wait_dma2 semaphore(%run_scoped3A : memref<!tpu.dma_semaphore, #tpu.memory_space<semaphore_mem>>) src(%dma_wait3A_92 : memref<16xi32, #tpu.memory_space<hbm>>) dst(%dma_wait3A_90 : memref<16xi32, #tpu.memory_space<vmem>>)
        tpu.yield
      }) : () -> ()
      %dma_start3A = arith.constant 0 : i32
      %dma_start3A_71 = arith.constant 0 : i32
      %dma_start3A_72 = tpu.memref_slice %arg20[%dma_start3A, %dma_start3A_71] : memref<128x128xf32, #tpu.memory_space<vmem>> -> memref<16x128xf32, #tpu.memory_space<vmem>>
      %dma_start3A_73 = arith.constant 0 : i32
      %dma_start3A_74 = tpu.memref_slice %arg14[%dma_start3A_73] : memref<128xi32, #tpu.memory_space<vmem>> -> memref<16xi32, #tpu.memory_space<vmem>>
      %dma_start3A_75 = arith.constant 0 : i32
      %dma_start3A_76 = arith.constant 0 : i32
      %dma_start3A_77 = tpu.memref_slice %arg2[%dma_start3A_75, %dma_start3A_76] : memref<10000x128xf32, #tpu.memory_space<hbm>> -> memref<10000x128xf32, #tpu.memory_space<hbm>>
      tpu.enqueue_indirect_dma source(%dma_start3A_77 : memref<10000x128xf32, #tpu.memory_space<hbm>>) target(%dma_start3A_72 : memref<16x128xf32, #tpu.memory_space<vmem>>) offsets(%dma_start3A_74 : memref<16xi32, #tpu.memory_space<vmem>>) semaphore(%arg28 : memref<!tpu.dma_semaphore, #tpu.memory_space<semaphore_mem>>)
    } else {
    }
    %mul3A_29 = arith.constant 40 : i32
    %mul3A_30 = arith.muli %add3A, %mul3A_29 : i32
    "tpu.region"() ({
      %run_scoped3A = tpu.sem_alloc : memref<!tpu.dma_semaphore, #tpu.memory_space<semaphore_mem>>
      %dma_start3A = arith.constant 0 : i32
      %dma_start3A_71 = tpu.memref_slice %arg4[%mul3A_30, %dma_start3A] : memref<1280x128xi32, #tpu.memory_space<hbm>> -> memref<40x128xi32, #tpu.memory_space<hbm>>
      %dma_start3A_72 = arith.constant 0 : i32
      %dma_start3A_73 = tpu.memref_slice %arg4[%mul3A_30, %dma_start3A_72] : memref<1280x128xi32, #tpu.memory_space<hbm>> -> memref<40x128xi32, #tpu.memory_space<hbm>>
      tpu.enqueue_dma source(%dma_start3A_73 : memref<40x128xi32, #tpu.memory_space<hbm>>) target(%arg15 : memref<40x128xi32, #tpu.memory_space<vmem>>) target_semaphore(%run_scoped3A : memref<!tpu.dma_semaphore, #tpu.memory_space<semaphore_mem>>)
      %dma_wait3A = arith.constant 0 : i32
      %dma_wait3A_74 = tpu.memref_slice %arg4[%mul3A_30, %dma_wait3A] : memref<1280x128xi32, #tpu.memory_space<hbm>> -> memref<40x128xi32, #tpu.memory_space<hbm>>
      %dma_wait3A_75 = arith.constant 0 : i32
      %dma_wait3A_76 = tpu.memref_slice %arg4[%mul3A_30, %dma_wait3A_75] : memref<1280x128xi32, #tpu.memory_space<hbm>> -> memref<40x128xi32, #tpu.memory_space<hbm>>
      tpu.wait_dma2 semaphore(%run_scoped3A : memref<!tpu.dma_semaphore, #tpu.memory_space<semaphore_mem>>) src(%dma_wait3A_76 : memref<40x128xi32, #tpu.memory_space<hbm>>) dst(%arg15 : memref<40x128xi32, #tpu.memory_space<vmem>>)
      tpu.yield
    }) : () -> ()
    %mul3A_31 = arith.constant 40 : i32
    %mul3A_32 = arith.muli %add3A, %mul3A_31 : i32
    "tpu.region"() ({
      %run_scoped3A = tpu.sem_alloc : memref<!tpu.dma_semaphore, #tpu.memory_space<semaphore_mem>>
      %dma_start3A = arith.constant 0 : i32
      %dma_start3A_71 = tpu.memref_slice %arg5[%mul3A_32, %dma_start3A] : memref<1280x128xi32, #tpu.memory_space<hbm>> -> memref<40x128xi32, #tpu.memory_space<hbm>>
      %dma_start3A_72 = arith.constant 0 : i32
      %dma_start3A_73 = tpu.memref_slice %arg5[%mul3A_32, %dma_start3A_72] : memref<1280x128xi32, #tpu.memory_space<hbm>> -> memref<40x128xi32, #tpu.memory_space<hbm>>
      tpu.enqueue_dma source(%dma_start3A_73 : memref<40x128xi32, #tpu.memory_space<hbm>>) target(%arg16 : memref<40x128xi32, #tpu.memory_space<vmem>>) target_semaphore(%run_scoped3A : memref<!tpu.dma_semaphore, #tpu.memory_space<semaphore_mem>>)
      %dma_wait3A = arith.constant 0 : i32
      %dma_wait3A_74 = tpu.memref_slice %arg5[%mul3A_32, %dma_wait3A] : memref<1280x128xi32, #tpu.memory_space<hbm>> -> memref<40x128xi32, #tpu.memory_space<hbm>>
      %dma_wait3A_75 = arith.constant 0 : i32
      %dma_wait3A_76 = tpu.memref_slice %arg5[%mul3A_32, %dma_wait3A_75] : memref<1280x128xi32, #tpu.memory_space<hbm>> -> memref<40x128xi32, #tpu.memory_space<hbm>>
      tpu.wait_dma2 semaphore(%run_scoped3A : memref<!tpu.dma_semaphore, #tpu.memory_space<semaphore_mem>>) src(%dma_wait3A_76 : memref<40x128xi32, #tpu.memory_space<hbm>>) dst(%arg16 : memref<40x128xi32, #tpu.memory_space<vmem>>)
      tpu.yield
    }) : () -> ()
    "tpu.region"() ({
      %run_scoped3A = tpu.sem_alloc : memref<!tpu.dma_semaphore, #tpu.memory_space<semaphore_mem>>
      tpu.enqueue_dma source(%arg7 : memref<640xf32, #tpu.memory_space<hbm>>) target(%arg22 : memref<640xf32, #tpu.memory_space<vmem>>) target_semaphore(%run_scoped3A : memref<!tpu.dma_semaphore, #tpu.memory_space<semaphore_mem>>)
      tpu.wait_dma2 semaphore(%run_scoped3A : memref<!tpu.dma_semaphore, #tpu.memory_space<semaphore_mem>>) src(%arg7 : memref<640xf32, #tpu.memory_space<hbm>>) dst(%arg22 : memref<640xf32, #tpu.memory_space<vmem>>)
      tpu.yield
    }) : () -> ()
    "tpu.region"() ({
      %run_scoped3A = tpu.sem_alloc : memref<!tpu.dma_semaphore, #tpu.memory_space<semaphore_mem>>
      %dma_start3A = tpu.memref_slice %arg23[%min3A_5] : memref<10000xf32, #tpu.memory_space<vmem_shared>> -> memref<640xf32, #tpu.memory_space<vmem_shared>>
      %dma_start3A_71 = tpu.memref_slice %arg23[%min3A_5] : memref<10000xf32, #tpu.memory_space<vmem_shared>> -> memref<640xf32, #tpu.memory_space<vmem_shared>>
      tpu.enqueue_dma source(%arg22 : memref<640xf32, #tpu.memory_space<vmem>>) target(%dma_start3A_71 : memref<640xf32, #tpu.memory_space<vmem_shared>>) target_semaphore(%run_scoped3A : memref<!tpu.dma_semaphore, #tpu.memory_space<semaphore_mem>>)
      %dma_wait3A = tpu.memref_slice %arg23[%min3A_5] : memref<10000xf32, #tpu.memory_space<vmem_shared>> -> memref<640xf32, #tpu.memory_space<vmem_shared>>
      %dma_wait3A_72 = tpu.memref_slice %arg23[%min3A_5] : memref<10000xf32, #tpu.memory_space<vmem_shared>> -> memref<640xf32, #tpu.memory_space<vmem_shared>>
      tpu.wait_dma2 semaphore(%run_scoped3A : memref<!tpu.dma_semaphore, #tpu.memory_space<semaphore_mem>>) src(%arg22 : memref<640xf32, #tpu.memory_space<vmem>>) dst(%dma_wait3A_72 : memref<640xf32, #tpu.memory_space<vmem_shared>>)
      tpu.yield
    }) : () -> ()
    "tpu.region"() ({
      %run_scoped3A = tpu.sem_alloc : memref<!tpu.dma_semaphore, #tpu.memory_space<semaphore_mem>>
      %dma_start3A = tpu.memref_slice %arg24[%min3A_5] : memref<10000xf32, #tpu.memory_space<vmem_shared>> -> memref<640xf32, #tpu.memory_space<vmem_shared>>
      %dma_start3A_71 = tpu.memref_slice %arg24[%min3A_5] : memref<10000xf32, #tpu.memory_space<vmem_shared>> -> memref<640xf32, #tpu.memory_space<vmem_shared>>
      tpu.enqueue_dma source(%arg22 : memref<640xf32, #tpu.memory_space<vmem>>) target(%dma_start3A_71 : memref<640xf32, #tpu.memory_space<vmem_shared>>) target_semaphore(%run_scoped3A : memref<!tpu.dma_semaphore, #tpu.memory_space<semaphore_mem>>)
      %dma_wait3A = tpu.memref_slice %arg24[%min3A_5] : memref<10000xf32, #tpu.memory_space<vmem_shared>> -> memref<640xf32, #tpu.memory_space<vmem_shared>>
      %dma_wait3A_72 = tpu.memref_slice %arg24[%min3A_5] : memref<10000xf32, #tpu.memory_space<vmem_shared>> -> memref<640xf32, #tpu.memory_space<vmem_shared>>
      tpu.wait_dma2 semaphore(%run_scoped3A : memref<!tpu.dma_semaphore, #tpu.memory_space<semaphore_mem>>) src(%arg22 : memref<640xf32, #tpu.memory_space<vmem>>) dst(%dma_wait3A_72 : memref<640xf32, #tpu.memory_space<vmem_shared>>)
      tpu.yield
    }) : () -> ()
    %add3A_33 = arith.constant 0 : i32
    %add3A_34 = arith.addi %add3A_33, %add3A : i32
    %lt3A_35 = arith.constant 78 : i32
    %lt3A_36 = arith.cmpi slt, %add3A_34, %lt3A_35 : i32
    %convert_element_type3A_37 = arith.extui %lt3A_36 : i1 to i32
    %cond3A_38 = arith.constant 0 : i32
    %cond3A_39 = arith.cmpi ne, %convert_element_type3A_37, %cond3A_38 : i32
    scf.if %cond3A_39 {
      %dma_wait3A = arith.constant 0 : i32
      %dma_wait3A_71 = arith.constant 0 : i32
      %dma_wait3A_72 = tpu.memref_slice %arg2[%dma_wait3A, %dma_wait3A_71] : memref<10000x128xf32, #tpu.memory_space<hbm>> -> memref<10000x128xf32, #tpu.memory_space<hbm>>
      tpu.wait_indirect_dma semaphore(%arg25 : memref<!tpu.dma_semaphore, #tpu.memory_space<semaphore_mem>>) src(%dma_wait3A_72 : memref<10000x128xf32, #tpu.memory_space<hbm>>) dst(%arg17 : memref<128x128xf32, #tpu.memory_space<vmem>>)
      %mul3A_73 = arith.constant 128 : i32
      %mul3A_74 = arith.muli %add3A_34, %mul3A_73 : i32
      "tpu.region"() ({
        %run_scoped3A = tpu.sem_alloc : memref<!tpu.dma_semaphore, #tpu.memory_space<semaphore_mem>>
        %dma_start3A = arith.constant 0 : i32
        %dma_start3A_75 = tpu.memref_slice %arg8[%mul3A_74, %dma_start3A] : memref<10000x128xf32, #tpu.memory_space<hbm>> -> memref<128x128xf32, #tpu.memory_space<hbm>>
        %dma_start3A_76 = arith.constant 0 : i32
        %dma_start3A_77 = tpu.memref_slice %arg8[%mul3A_74, %dma_start3A_76] : memref<10000x128xf32, #tpu.memory_space<hbm>> -> memref<128x128xf32, #tpu.memory_space<hbm>>
        tpu.enqueue_dma source(%arg17 : memref<128x128xf32, #tpu.memory_space<vmem>>) target(%dma_start3A_77 : memref<128x128xf32, #tpu.memory_space<hbm>>) target_semaphore(%run_scoped3A : memref<!tpu.dma_semaphore, #tpu.memory_space<semaphore_mem>>)
        %dma_wait3A_78 = arith.constant 0 : i32
        %dma_wait3A_79 = tpu.memref_slice %arg8[%mul3A_74, %dma_wait3A_78] : memref<10000x128xf32, #tpu.memory_space<hbm>> -> memref<128x128xf32, #tpu.memory_space<hbm>>
        %dma_wait3A_80 = arith.constant 0 : i32
        %dma_wait3A_81 = tpu.memref_slice %arg8[%mul3A_74, %dma_wait3A_80] : memref<10000x128xf32, #tpu.memory_space<hbm>> -> memref<128x128xf32, #tpu.memory_space<hbm>>
        tpu.wait_dma2 semaphore(%run_scoped3A : memref<!tpu.dma_semaphore, #tpu.memory_space<semaphore_mem>>) src(%arg17 : memref<128x128xf32, #tpu.memory_space<vmem>>) dst(%dma_wait3A_81 : memref<128x128xf32, #tpu.memory_space<hbm>>)
        tpu.yield
      }) : () -> ()
    } else {
    }
    %add3A_40 = arith.constant 32 : i32
    %add3A_41 = arith.addi %add3A_40, %add3A : i32
    %lt3A_42 = arith.constant 78 : i32
    %lt3A_43 = arith.cmpi slt, %add3A_41, %lt3A_42 : i32
    %convert_element_type3A_44 = arith.extui %lt3A_43 : i1 to i32
    %cond3A_45 = arith.constant 0 : i32
    %cond3A_46 = arith.cmpi ne, %convert_element_type3A_44, %cond3A_45 : i32
    scf.if %cond3A_46 {
      %dma_wait3A = arith.constant 0 : i32
      %dma_wait3A_71 = arith.constant 0 : i32
      %dma_wait3A_72 = tpu.memref_slice %arg2[%dma_wait3A, %dma_wait3A_71] : memref<10000x128xf32, #tpu.memory_space<hbm>> -> memref<10000x128xf32, #tpu.memory_space<hbm>>
      tpu.wait_indirect_dma semaphore(%arg26 : memref<!tpu.dma_semaphore, #tpu.memory_space<semaphore_mem>>) src(%dma_wait3A_72 : memref<10000x128xf32, #tpu.memory_space<hbm>>) dst(%arg18 : memref<128x128xf32, #tpu.memory_space<vmem>>)
      %mul3A_73 = arith.constant 128 : i32
      %mul3A_74 = arith.muli %add3A_41, %mul3A_73 : i32
      "tpu.region"() ({
        %run_scoped3A = tpu.sem_alloc : memref<!tpu.dma_semaphore, #tpu.memory_space<semaphore_mem>>
        %dma_start3A = arith.constant 0 : i32
        %dma_start3A_75 = tpu.memref_slice %arg8[%mul3A_74, %dma_start3A] : memref<10000x128xf32, #tpu.memory_space<hbm>> -> memref<128x128xf32, #tpu.memory_space<hbm>>
        %dma_start3A_76 = arith.constant 0 : i32
        %dma_start3A_77 = tpu.memref_slice %arg8[%mul3A_74, %dma_start3A_76] : memref<10000x128xf32, #tpu.memory_space<hbm>> -> memref<128x128xf32, #tpu.memory_space<hbm>>
        tpu.enqueue_dma source(%arg18 : memref<128x128xf32, #tpu.memory_space<vmem>>) target(%dma_start3A_77 : memref<128x128xf32, #tpu.memory_space<hbm>>) target_semaphore(%run_scoped3A : memref<!tpu.dma_semaphore, #tpu.memory_space<semaphore_mem>>)
        %dma_wait3A_78 = arith.constant 0 : i32
        %dma_wait3A_79 = tpu.memref_slice %arg8[%mul3A_74, %dma_wait3A_78] : memref<10000x128xf32, #tpu.memory_space<hbm>> -> memref<128x128xf32, #tpu.memory_space<hbm>>
        %dma_wait3A_80 = arith.constant 0 : i32
        %dma_wait3A_81 = tpu.memref_slice %arg8[%mul3A_74, %dma_wait3A_80] : memref<10000x128xf32, #tpu.memory_space<hbm>> -> memref<128x128xf32, #tpu.memory_space<hbm>>
        tpu.wait_dma2 semaphore(%run_scoped3A : memref<!tpu.dma_semaphore, #tpu.memory_space<semaphore_mem>>) src(%arg18 : memref<128x128xf32, #tpu.memory_space<vmem>>) dst(%dma_wait3A_81 : memref<128x128xf32, #tpu.memory_space<hbm>>)
        tpu.yield
      }) : () -> ()
    } else {
    }
    %add3A_47 = arith.constant 64 : i32
    %add3A_48 = arith.addi %add3A_47, %add3A : i32
    %lt3A_49 = arith.constant 78 : i32
    %lt3A_50 = arith.cmpi slt, %add3A_48, %lt3A_49 : i32
    %convert_element_type3A_51 = arith.extui %lt3A_50 : i1 to i32
    %cond3A_52 = arith.constant 0 : i32
    %cond3A_53 = arith.cmpi ne, %convert_element_type3A_51, %cond3A_52 : i32
    scf.if %cond3A_53 {
      %dma_wait3A = arith.constant 0 : i32
      %dma_wait3A_71 = arith.constant 0 : i32
      %dma_wait3A_72 = tpu.memref_slice %arg2[%dma_wait3A, %dma_wait3A_71] : memref<10000x128xf32, #tpu.memory_space<hbm>> -> memref<10000x128xf32, #tpu.memory_space<hbm>>
      tpu.wait_indirect_dma semaphore(%arg27 : memref<!tpu.dma_semaphore, #tpu.memory_space<semaphore_mem>>) src(%dma_wait3A_72 : memref<10000x128xf32, #tpu.memory_space<hbm>>) dst(%arg19 : memref<128x128xf32, #tpu.memory_space<vmem>>)
      %mul3A_73 = arith.constant 128 : i32
      %mul3A_74 = arith.muli %add3A_48, %mul3A_73 : i32
      "tpu.region"() ({
        %run_scoped3A = tpu.sem_alloc : memref<!tpu.dma_semaphore, #tpu.memory_space<semaphore_mem>>
        %dma_start3A = arith.constant 0 : i32
        %dma_start3A_75 = tpu.memref_slice %arg8[%mul3A_74, %dma_start3A] : memref<10000x128xf32, #tpu.memory_space<hbm>> -> memref<128x128xf32, #tpu.memory_space<hbm>>
        %dma_start3A_76 = arith.constant 0 : i32
        %dma_start3A_77 = tpu.memref_slice %arg8[%mul3A_74, %dma_start3A_76] : memref<10000x128xf32, #tpu.memory_space<hbm>> -> memref<128x128xf32, #tpu.memory_space<hbm>>
        tpu.enqueue_dma source(%arg19 : memref<128x128xf32, #tpu.memory_space<vmem>>) target(%dma_start3A_77 : memref<128x128xf32, #tpu.memory_space<hbm>>) target_semaphore(%run_scoped3A : memref<!tpu.dma_semaphore, #tpu.memory_space<semaphore_mem>>)
        %dma_wait3A_78 = arith.constant 0 : i32
        %dma_wait3A_79 = tpu.memref_slice %arg8[%mul3A_74, %dma_wait3A_78] : memref<10000x128xf32, #tpu.memory_space<hbm>> -> memref<128x128xf32, #tpu.memory_space<hbm>>
        %dma_wait3A_80 = arith.constant 0 : i32
        %dma_wait3A_81 = tpu.memref_slice %arg8[%mul3A_74, %dma_wait3A_80] : memref<10000x128xf32, #tpu.memory_space<hbm>> -> memref<128x128xf32, #tpu.memory_space<hbm>>
        tpu.wait_dma2 semaphore(%run_scoped3A : memref<!tpu.dma_semaphore, #tpu.memory_space<semaphore_mem>>) src(%arg19 : memref<128x128xf32, #tpu.memory_space<vmem>>) dst(%dma_wait3A_81 : memref<128x128xf32, #tpu.memory_space<hbm>>)
        tpu.yield
      }) : () -> ()
    } else {
    }
    %eq3A_54 = arith.constant 0 : i32
    %eq3A_55 = arith.cmpi eq, %add3A, %eq3A_54 : i32
    %convert_element_type3A_56 = arith.extui %eq3A_55 : i1 to i32
    %cond3A_57 = arith.constant 0 : i32
    %cond3A_58 = arith.cmpi ne, %convert_element_type3A_56, %cond3A_57 : i32
    scf.if %cond3A_58 {
      %dma_wait3A = arith.constant 0 : i32
      %dma_wait3A_71 = arith.constant 0 : i32
      %dma_wait3A_72 = tpu.memref_slice %arg20[%dma_wait3A, %dma_wait3A_71] : memref<128x128xf32, #tpu.memory_space<vmem>> -> memref<16x128xf32, #tpu.memory_space<vmem>>
      %dma_wait3A_73 = arith.constant 0 : i32
      %dma_wait3A_74 = tpu.memref_slice %arg14[%dma_wait3A_73] : memref<128xi32, #tpu.memory_space<vmem>> -> memref<16xi32, #tpu.memory_space<vmem>>
      %dma_wait3A_75 = arith.constant 0 : i32
      %dma_wait3A_76 = arith.constant 0 : i32
      %dma_wait3A_77 = tpu.memref_slice %arg2[%dma_wait3A_75, %dma_wait3A_76] : memref<10000x128xf32, #tpu.memory_space<hbm>> -> memref<10000x128xf32, #tpu.memory_space<hbm>>
      tpu.wait_indirect_dma semaphore(%arg28 : memref<!tpu.dma_semaphore, #tpu.memory_space<semaphore_mem>>) src(%dma_wait3A_77 : memref<10000x128xf32, #tpu.memory_space<hbm>>) dst(%dma_wait3A_72 : memref<16x128xf32, #tpu.memory_space<vmem>>)
      "tpu.region"() ({
        %run_scoped3A = tpu.sem_alloc : memref<!tpu.dma_semaphore, #tpu.memory_space<semaphore_mem>>
        %dma_start3A = arith.constant 0 : i32
        %dma_start3A_78 = arith.constant 0 : i32
        %dma_start3A_79 = tpu.memref_slice %arg20[%dma_start3A, %dma_start3A_78] : memref<128x128xf32, #tpu.memory_space<vmem>> -> memref<16x128xf32, #tpu.memory_space<vmem>>
        %dma_start3A_80 = arith.constant 9984 : i32
        %dma_start3A_81 = arith.constant 0 : i32
        %dma_start3A_82 = tpu.memref_slice %arg8[%dma_start3A_80, %dma_start3A_81] : memref<10000x128xf32, #tpu.memory_space<hbm>> -> memref<16x128xf32, #tpu.memory_space<hbm>>
        %dma_start3A_83 = arith.constant 9984 : i32
        %dma_start3A_84 = arith.constant 0 : i32
        %dma_start3A_85 = tpu.memref_slice %arg8[%dma_start3A_83, %dma_start3A_84] : memref<10000x128xf32, #tpu.memory_space<hbm>> -> memref<16x128xf32, #tpu.memory_space<hbm>>
        %dma_start3A_86 = arith.constant 0 : i32
        %dma_start3A_87 = arith.constant 0 : i32
        %dma_start3A_88 = tpu.memref_slice %arg20[%dma_start3A_86, %dma_start3A_87] : memref<128x128xf32, #tpu.memory_space<vmem>> -> memref<16x128xf32, #tpu.memory_space<vmem>>
        tpu.enqueue_dma source(%dma_start3A_88 : memref<16x128xf32, #tpu.memory_space<vmem>>) target(%dma_start3A_85 : memref<16x128xf32, #tpu.memory_space<hbm>>) target_semaphore(%run_scoped3A : memref<!tpu.dma_semaphore, #tpu.memory_space<semaphore_mem>>)
        %dma_wait3A_89 = arith.constant 0 : i32
        %dma_wait3A_90 = arith.constant 0 : i32
        %dma_wait3A_91 = tpu.memref_slice %arg20[%dma_wait3A_89, %dma_wait3A_90] : memref<128x128xf32, #tpu.memory_space<vmem>> -> memref<16x128xf32, #tpu.memory_space<vmem>>
        %dma_wait3A_92 = arith.constant 9984 : i32
        %dma_wait3A_93 = arith.constant 0 : i32
        %dma_wait3A_94 = tpu.memref_slice %arg8[%dma_wait3A_92, %dma_wait3A_93] : memref<10000x128xf32, #tpu.memory_space<hbm>> -> memref<16x128xf32, #tpu.memory_space<hbm>>
        %dma_wait3A_95 = arith.constant 9984 : i32
        %dma_wait3A_96 = arith.constant 0 : i32
        %dma_wait3A_97 = tpu.memref_slice %arg8[%dma_wait3A_95, %dma_wait3A_96] : memref<10000x128xf32, #tpu.memory_space<hbm>> -> memref<16x128xf32, #tpu.memory_space<hbm>>
        %dma_wait3A_98 = arith.constant 0 : i32
        %dma_wait3A_99 = arith.constant 0 : i32
        %dma_wait3A_100 = tpu.memref_slice %arg20[%dma_wait3A_98, %dma_wait3A_99] : memref<128x128xf32, #tpu.memory_space<vmem>> -> memref<16x128xf32, #tpu.memory_space<vmem>>
        tpu.wait_dma2 semaphore(%run_scoped3A : memref<!tpu.dma_semaphore, #tpu.memory_space<semaphore_mem>>) src(%dma_wait3A_100 : memref<16x128xf32, #tpu.memory_space<vmem>>) dst(%dma_wait3A_97 : memref<16x128xf32, #tpu.memory_space<hbm>>)
        tpu.yield
      }) : () -> ()
    } else {
    }
    %barrier3A = arith.constant 0 : index
    tpu.barrier barrier_id(%barrier3A)
    %scan3A = arith.constant 0 : i32
    %scan3A_59 = arith.constant 0 : i32
    %scan3A_60 = arith.constant 20 : i32
    %scan3A_61 = arith.addi %scan3A_59, %scan3A_60 : i32
    %scan3A_62 = arith.constant 1 : i32
    scf.for %scan3A_71 = %scan3A_59 to %scan3A_61 step %scan3A_62  : i32 {
      %mul3A_72 = arith.constant 2 : i32
      %mul3A_73 = arith.muli %scan3A_71, %mul3A_72 : i32
      %add3A_74 = arith.constant 0 : i32
      %add3A_75 = arith.addi %mul3A_73, %add3A_74 : i32
      %lt3A_76 = arith.cmpi slt, %add3A_75, %select_n3A : i32
      %convert_element_type3A_77 = arith.extui %lt3A_76 : i1 to i32
      %cond3A_78 = arith.constant 0 : i32
      %cond3A_79 = arith.cmpi ne, %convert_element_type3A_77, %cond3A_78 : i32
      scf.if %cond3A_79 {
        %dma_start3A = arith.constant 0 : i32
        %dma_start3A_104 = tpu.memref_slice %arg15[%add3A_75, %dma_start3A] : memref<40x128xi32, #tpu.memory_space<vmem>> -> memref<1x128xi32, #tpu.memory_space<vmem>>
        %dma_start3A_105 = tpu.memref_squeeze %dma_start3A_104 : memref<1x128xi32, #tpu.memory_space<vmem>> -> memref<128xi32, #tpu.memory_space<vmem>>
        %dma_start3A_106 = arith.constant 0 : i32
        %dma_start3A_107 = tpu.memref_slice %arg23[%dma_start3A_106] : memref<10000xf32, #tpu.memory_space<vmem_shared>> -> memref<10000xf32, #tpu.memory_space<vmem_shared>>
        tpu.enqueue_indirect_dma source(%arg21 : memref<128xf32, #tpu.memory_space<vmem>>) target(%dma_start3A_107 : memref<10000xf32, #tpu.memory_space<vmem_shared>>) offsets(%dma_start3A_105 : memref<128xi32, #tpu.memory_space<vmem>>) semaphore(%arg25 : memref<!tpu.dma_semaphore, #tpu.memory_space<semaphore_mem>>) {add = true}
        %dma_start3A_108 = arith.constant 0 : i32
        %dma_start3A_109 = tpu.memref_slice %arg16[%add3A_75, %dma_start3A_108] : memref<40x128xi32, #tpu.memory_space<vmem>> -> memref<1x128xi32, #tpu.memory_space<vmem>>
        %dma_start3A_110 = tpu.memref_squeeze %dma_start3A_109 : memref<1x128xi32, #tpu.memory_space<vmem>> -> memref<128xi32, #tpu.memory_space<vmem>>
        %dma_start3A_111 = arith.constant 0 : i32
        %dma_start3A_112 = tpu.memref_slice %arg24[%dma_start3A_111] : memref<10000xf32, #tpu.memory_space<vmem_shared>> -> memref<10000xf32, #tpu.memory_space<vmem_shared>>
        tpu.enqueue_indirect_dma source(%arg21 : memref<128xf32, #tpu.memory_space<vmem>>) target(%dma_start3A_112 : memref<10000xf32, #tpu.memory_space<vmem_shared>>) offsets(%dma_start3A_110 : memref<128xi32, #tpu.memory_space<vmem>>) semaphore(%arg26 : memref<!tpu.dma_semaphore, #tpu.memory_space<semaphore_mem>>) {add = true}
      } else {
      }
      %mul3A_80 = arith.constant 2 : i32
      %mul3A_81 = arith.muli %scan3A_71, %mul3A_80 : i32
      %add3A_82 = arith.constant 1 : i32
      %add3A_83 = arith.addi %mul3A_81, %add3A_82 : i32
      %lt3A_84 = arith.cmpi slt, %add3A_83, %select_n3A : i32
      %convert_element_type3A_85 = arith.extui %lt3A_84 : i1 to i32
      %cond3A_86 = arith.constant 0 : i32
      %cond3A_87 = arith.cmpi ne, %convert_element_type3A_85, %cond3A_86 : i32
      scf.if %cond3A_87 {
        %dma_start3A = arith.constant 0 : i32
        %dma_start3A_104 = tpu.memref_slice %arg15[%add3A_83, %dma_start3A] : memref<40x128xi32, #tpu.memory_space<vmem>> -> memref<1x128xi32, #tpu.memory_space<vmem>>
        %dma_start3A_105 = tpu.memref_squeeze %dma_start3A_104 : memref<1x128xi32, #tpu.memory_space<vmem>> -> memref<128xi32, #tpu.memory_space<vmem>>
        %dma_start3A_106 = arith.constant 0 : i32
        %dma_start3A_107 = tpu.memref_slice %arg23[%dma_start3A_106] : memref<10000xf32, #tpu.memory_space<vmem_shared>> -> memref<10000xf32, #tpu.memory_space<vmem_shared>>
        tpu.enqueue_indirect_dma source(%arg21 : memref<128xf32, #tpu.memory_space<vmem>>) target(%dma_start3A_107 : memref<10000xf32, #tpu.memory_space<vmem_shared>>) offsets(%dma_start3A_105 : memref<128xi32, #tpu.memory_space<vmem>>) semaphore(%arg27 : memref<!tpu.dma_semaphore, #tpu.memory_space<semaphore_mem>>) {add = true}
        %dma_start3A_108 = arith.constant 0 : i32
        %dma_start3A_109 = tpu.memref_slice %arg16[%add3A_83, %dma_start3A_108] : memref<40x128xi32, #tpu.memory_space<vmem>> -> memref<1x128xi32, #tpu.memory_space<vmem>>
        %dma_start3A_110 = tpu.memref_squeeze %dma_start3A_109 : memref<1x128xi32, #tpu.memory_space<vmem>> -> memref<128xi32, #tpu.memory_space<vmem>>
        %dma_start3A_111 = arith.constant 0 : i32
        %dma_start3A_112 = tpu.memref_slice %arg24[%dma_start3A_111] : memref<10000xf32, #tpu.memory_space<vmem_shared>> -> memref<10000xf32, #tpu.memory_space<vmem_shared>>
        tpu.enqueue_indirect_dma source(%arg21 : memref<128xf32, #tpu.memory_space<vmem>>) target(%dma_start3A_112 : memref<10000xf32, #tpu.memory_space<vmem_shared>>) offsets(%dma_start3A_110 : memref<128xi32, #tpu.memory_space<vmem>>) semaphore(%arg28 : memref<!tpu.dma_semaphore, #tpu.memory_space<semaphore_mem>>) {add = true}
      } else {
      }
      %lt3A_88 = arith.cmpi slt, %add3A_75, %select_n3A : i32
      %convert_element_type3A_89 = arith.extui %lt3A_88 : i1 to i32
      %cond3A_90 = arith.constant 0 : i32
      %cond3A_91 = arith.cmpi ne, %convert_element_type3A_89, %cond3A_90 : i32
      scf.if %cond3A_91 {
        %dma_wait3A = arith.constant 0 : i32
        %dma_wait3A_104 = tpu.memref_slice %arg15[%add3A_75, %dma_wait3A] : memref<40x128xi32, #tpu.memory_space<vmem>> -> memref<1x128xi32, #tpu.memory_space<vmem>>
        %dma_wait3A_105 = tpu.memref_squeeze %dma_wait3A_104 : memref<1x128xi32, #tpu.memory_space<vmem>> -> memref<128xi32, #tpu.memory_space<vmem>>
        %dma_wait3A_106 = arith.constant 0 : i32
        %dma_wait3A_107 = tpu.memref_slice %arg23[%dma_wait3A_106] : memref<10000xf32, #tpu.memory_space<vmem_shared>> -> memref<10000xf32, #tpu.memory_space<vmem_shared>>
        tpu.wait_indirect_dma semaphore(%arg25 : memref<!tpu.dma_semaphore, #tpu.memory_space<semaphore_mem>>) src(%arg21 : memref<128xf32, #tpu.memory_space<vmem>>) dst(%dma_wait3A_107 : memref<10000xf32, #tpu.memory_space<vmem_shared>>)
      } else {
      }
      %lt3A_92 = arith.cmpi slt, %add3A_75, %select_n3A : i32
      %convert_element_type3A_93 = arith.extui %lt3A_92 : i1 to i32
      %cond3A_94 = arith.constant 0 : i32
      %cond3A_95 = arith.cmpi ne, %convert_element_type3A_93, %cond3A_94 : i32
      scf.if %cond3A_95 {
        %dma_wait3A = arith.constant 0 : i32
        %dma_wait3A_104 = tpu.memref_slice %arg16[%add3A_75, %dma_wait3A] : memref<40x128xi32, #tpu.memory_space<vmem>> -> memref<1x128xi32, #tpu.memory_space<vmem>>
        %dma_wait3A_105 = tpu.memref_squeeze %dma_wait3A_104 : memref<1x128xi32, #tpu.memory_space<vmem>> -> memref<128xi32, #tpu.memory_space<vmem>>
        %dma_wait3A_106 = arith.constant 0 : i32
        %dma_wait3A_107 = tpu.memref_slice %arg24[%dma_wait3A_106] : memref<10000xf32, #tpu.memory_space<vmem_shared>> -> memref<10000xf32, #tpu.memory_space<vmem_shared>>
        tpu.wait_indirect_dma semaphore(%arg26 : memref<!tpu.dma_semaphore, #tpu.memory_space<semaphore_mem>>) src(%arg21 : memref<128xf32, #tpu.memory_space<vmem>>) dst(%dma_wait3A_107 : memref<10000xf32, #tpu.memory_space<vmem_shared>>)
      } else {
      }
      %lt3A_96 = arith.cmpi slt, %add3A_83, %select_n3A : i32
      %convert_element_type3A_97 = arith.extui %lt3A_96 : i1 to i32
      %cond3A_98 = arith.constant 0 : i32
      %cond3A_99 = arith.cmpi ne, %convert_element_type3A_97, %cond3A_98 : i32
      scf.if %cond3A_99 {
        %dma_wait3A = arith.constant 0 : i32
        %dma_wait3A_104 = tpu.memref_slice %arg15[%add3A_83, %dma_wait3A] : memref<40x128xi32, #tpu.memory_space<vmem>> -> memref<1x128xi32, #tpu.memory_space<vmem>>
        %dma_wait3A_105 = tpu.memref_squeeze %dma_wait3A_104 : memref<1x128xi32, #tpu.memory_space<vmem>> -> memref<128xi32, #tpu.memory_space<vmem>>
        %dma_wait3A_106 = arith.constant 0 : i32
        %dma_wait3A_107 = tpu.memref_slice %arg23[%dma_wait3A_106] : memref<10000xf32, #tpu.memory_space<vmem_shared>> -> memref<10000xf32, #tpu.memory_space<vmem_shared>>
        tpu.wait_indirect_dma semaphore(%arg27 : memref<!tpu.dma_semaphore, #tpu.memory_space<semaphore_mem>>) src(%arg21 : memref<128xf32, #tpu.memory_space<vmem>>) dst(%dma_wait3A_107 : memref<10000xf32, #tpu.memory_space<vmem_shared>>)
      } else {
      }
      %lt3A_100 = arith.cmpi slt, %add3A_83, %select_n3A : i32
      %convert_element_type3A_101 = arith.extui %lt3A_100 : i1 to i32
      %cond3A_102 = arith.constant 0 : i32
      %cond3A_103 = arith.cmpi ne, %convert_element_type3A_101, %cond3A_102 : i32
      scf.if %cond3A_103 {
        %dma_wait3A = arith.constant 0 : i32
        %dma_wait3A_104 = tpu.memref_slice %arg16[%add3A_83, %dma_wait3A] : memref<40x128xi32, #tpu.memory_space<vmem>> -> memref<1x128xi32, #tpu.memory_space<vmem>>
        %dma_wait3A_105 = tpu.memref_squeeze %dma_wait3A_104 : memref<1x128xi32, #tpu.memory_space<vmem>> -> memref<128xi32, #tpu.memory_space<vmem>>
        %dma_wait3A_106 = arith.constant 0 : i32
        %dma_wait3A_107 = tpu.memref_slice %arg24[%dma_wait3A_106] : memref<10000xf32, #tpu.memory_space<vmem_shared>> -> memref<10000xf32, #tpu.memory_space<vmem_shared>>
        tpu.wait_indirect_dma semaphore(%arg28 : memref<!tpu.dma_semaphore, #tpu.memory_space<semaphore_mem>>) src(%arg21 : memref<128xf32, #tpu.memory_space<vmem>>) dst(%dma_wait3A_107 : memref<10000xf32, #tpu.memory_space<vmem_shared>>)
      } else {
      }
    }
    %scan3A_63 = arith.constant 20 : i32
    %barrier3A_64 = arith.constant 0 : index
    tpu.barrier barrier_id(%barrier3A_64)
    "tpu.region"() ({
      %run_scoped3A = tpu.sem_alloc : memref<!tpu.dma_semaphore, #tpu.memory_space<semaphore_mem>>
      %dma_start3A = tpu.memref_slice %arg23[%min3A_5] : memref<10000xf32, #tpu.memory_space<vmem_shared>> -> memref<640xf32, #tpu.memory_space<vmem_shared>>
      %dma_start3A_71 = tpu.memref_slice %arg23[%min3A_5] : memref<10000xf32, #tpu.memory_space<vmem_shared>> -> memref<640xf32, #tpu.memory_space<vmem_shared>>
      tpu.enqueue_dma source(%dma_start3A_71 : memref<640xf32, #tpu.memory_space<vmem_shared>>) target(%arg22 : memref<640xf32, #tpu.memory_space<vmem>>) target_semaphore(%run_scoped3A : memref<!tpu.dma_semaphore, #tpu.memory_space<semaphore_mem>>)
      %dma_wait3A = tpu.memref_slice %arg23[%min3A_5] : memref<10000xf32, #tpu.memory_space<vmem_shared>> -> memref<640xf32, #tpu.memory_space<vmem_shared>>
      %dma_wait3A_72 = tpu.memref_slice %arg23[%min3A_5] : memref<10000xf32, #tpu.memory_space<vmem_shared>> -> memref<640xf32, #tpu.memory_space<vmem_shared>>
      tpu.wait_dma2 semaphore(%run_scoped3A : memref<!tpu.dma_semaphore, #tpu.memory_space<semaphore_mem>>) src(%dma_wait3A_72 : memref<640xf32, #tpu.memory_space<vmem_shared>>) dst(%arg22 : memref<640xf32, #tpu.memory_space<vmem>>)
      tpu.yield
    }) : () -> ()
    %mul3A_65 = arith.constant 10000 : i32
    %mul3A_66 = arith.muli %arg0, %mul3A_65 : i32
    %add3A_67 = arith.addi %mul3A_66, %min3A_5 : i32
    "tpu.region"() ({
      %run_scoped3A = tpu.sem_alloc : memref<!tpu.dma_semaphore, #tpu.memory_space<semaphore_mem>>
      %dma_start3A = tpu.memref_slice %arg9[%add3A_67] : memref<20000xf32, #tpu.memory_space<hbm>> -> memref<640xf32, #tpu.memory_space<hbm>>
      %dma_start3A_71 = tpu.memref_slice %arg9[%add3A_67] : memref<20000xf32, #tpu.memory_space<hbm>> -> memref<640xf32, #tpu.memory_space<hbm>>
      tpu.enqueue_dma source(%arg22 : memref<640xf32, #tpu.memory_space<vmem>>) target(%dma_start3A_71 : memref<640xf32, #tpu.memory_space<hbm>>) target_semaphore(%run_scoped3A : memref<!tpu.dma_semaphore, #tpu.memory_space<semaphore_mem>>)
      %dma_wait3A = tpu.memref_slice %arg9[%add3A_67] : memref<20000xf32, #tpu.memory_space<hbm>> -> memref<640xf32, #tpu.memory_space<hbm>>
      %dma_wait3A_72 = tpu.memref_slice %arg9[%add3A_67] : memref<20000xf32, #tpu.memory_space<hbm>> -> memref<640xf32, #tpu.memory_space<hbm>>
      tpu.wait_dma2 semaphore(%run_scoped3A : memref<!tpu.dma_semaphore, #tpu.memory_space<semaphore_mem>>) src(%arg22 : memref<640xf32, #tpu.memory_space<vmem>>) dst(%dma_wait3A_72 : memref<640xf32, #tpu.memory_space<hbm>>)
      tpu.yield
    }) : () -> ()
    "tpu.region"() ({
      %run_scoped3A = tpu.sem_alloc : memref<!tpu.dma_semaphore, #tpu.memory_space<semaphore_mem>>
      %dma_start3A = tpu.memref_slice %arg24[%min3A_5] : memref<10000xf32, #tpu.memory_space<vmem_shared>> -> memref<640xf32, #tpu.memory_space<vmem_shared>>
      %dma_start3A_71 = tpu.memref_slice %arg24[%min3A_5] : memref<10000xf32, #tpu.memory_space<vmem_shared>> -> memref<640xf32, #tpu.memory_space<vmem_shared>>
      tpu.enqueue_dma source(%dma_start3A_71 : memref<640xf32, #tpu.memory_space<vmem_shared>>) target(%arg22 : memref<640xf32, #tpu.memory_space<vmem>>) target_semaphore(%run_scoped3A : memref<!tpu.dma_semaphore, #tpu.memory_space<semaphore_mem>>)
      %dma_wait3A = tpu.memref_slice %arg24[%min3A_5] : memref<10000xf32, #tpu.memory_space<vmem_shared>> -> memref<640xf32, #tpu.memory_space<vmem_shared>>
      %dma_wait3A_72 = tpu.memref_slice %arg24[%min3A_5] : memref<10000xf32, #tpu.memory_space<vmem_shared>> -> memref<640xf32, #tpu.memory_space<vmem_shared>>
      tpu.wait_dma2 semaphore(%run_scoped3A : memref<!tpu.dma_semaphore, #tpu.memory_space<semaphore_mem>>) src(%dma_wait3A_72 : memref<640xf32, #tpu.memory_space<vmem_shared>>) dst(%arg22 : memref<640xf32, #tpu.memory_space<vmem>>)
      tpu.yield
    }) : () -> ()
    %mul3A_68 = arith.constant 10000 : i32
    %mul3A_69 = arith.muli %arg0, %mul3A_68 : i32
    %add3A_70 = arith.addi %mul3A_69, %min3A_5 : i32
    "tpu.region"() ({
      %run_scoped3A = tpu.sem_alloc : memref<!tpu.dma_semaphore, #tpu.memory_space<semaphore_mem>>
      %dma_start3A = tpu.memref_slice %arg10[%add3A_70] : memref<20000xf32, #tpu.memory_space<hbm>> -> memref<640xf32, #tpu.memory_space<hbm>>
      %dma_start3A_71 = tpu.memref_slice %arg10[%add3A_70] : memref<20000xf32, #tpu.memory_space<hbm>> -> memref<640xf32, #tpu.memory_space<hbm>>
      tpu.enqueue_dma source(%arg22 : memref<640xf32, #tpu.memory_space<vmem>>) target(%dma_start3A_71 : memref<640xf32, #tpu.memory_space<hbm>>) target_semaphore(%run_scoped3A : memref<!tpu.dma_semaphore, #tpu.memory_space<semaphore_mem>>)
      %dma_wait3A = tpu.memref_slice %arg10[%add3A_70] : memref<20000xf32, #tpu.memory_space<hbm>> -> memref<640xf32, #tpu.memory_space<hbm>>
      %dma_wait3A_72 = tpu.memref_slice %arg10[%add3A_70] : memref<20000xf32, #tpu.memory_space<hbm>> -> memref<640xf32, #tpu.memory_space<hbm>>
      tpu.wait_dma2 semaphore(%run_scoped3A : memref<!tpu.dma_semaphore, #tpu.memory_space<semaphore_mem>>) src(%arg22 : memref<640xf32, #tpu.memory_space<vmem>>) dst(%dma_wait3A_72 : memref<640xf32, #tpu.memory_space<hbm>>)
      tpu.yield
    }) : () -> ()
    return
  }
}

module attributes {stable_mosaic.version = 14 : i64} {
  func.func @_tc_new_p_body(%arg0: i32, %arg1: memref<1000x128xf32, #tpu.memory_space<vmem>>, %arg2: memref<1000x1xf32, #tpu.memory_space<vmem>>, %arg3: memref<1000x1xf32, #tpu.memory_space<vmem>>, %arg4: memref<1x128xf32, #tpu.memory_space<vmem>>, %arg5: memref<128x128xf32, #tpu.memory_space<vmem>>, %arg6: memref<1x128xf32, #tpu.memory_space<vmem>>, %arg7: memref<128x128xf32, #tpu.memory_space<vmem>>, %arg8: memref<1x128xf32, #tpu.memory_space<vmem>>, %arg9: memref<1000x128xf32, #tpu.memory_space<vmem>>) attributes {dimension_semantics = [#tpu.dimension_semantics<arbitrary>], iteration_bounds = array<i64: 10>, scalar_prefetch = 0 : i64, scratch_operands = 0 : i64, tpu.core_type = #tpu.core_type<tc>, window_params = [{transform_indices = @transform_0, window_bounds = array<i64: 1000, 128>}, {transform_indices = @transform_1, window_bounds = array<i64: 1000, 1>}, {transform_indices = @transform_2, window_bounds = array<i64: 1000, 1>}, {pipeline_mode = #tpu.pipeline_mode<synchronous>, transform_indices = @transform_3, window_bounds = array<i64: 1, 128>}, {pipeline_mode = #tpu.pipeline_mode<synchronous>, transform_indices = @transform_4, window_bounds = array<i64: 128, 128>}, {pipeline_mode = #tpu.pipeline_mode<synchronous>, transform_indices = @transform_5, window_bounds = array<i64: 1, 128>}, {pipeline_mode = #tpu.pipeline_mode<synchronous>, transform_indices = @transform_6, window_bounds = array<i64: 128, 128>}, {pipeline_mode = #tpu.pipeline_mode<synchronous>, transform_indices = @transform_7, window_bounds = array<i64: 1, 128>}, {transform_indices = @transform_8, window_bounds = array<i64: 1000, 128>}]} {
    %get3A = arith.constant 0 : index
    %get3A_0 = arith.constant 0 : index
    %get3A_1 = vector.load %arg2[%get3A, %get3A_0] : memref<1000x1xf32, #tpu.memory_space<vmem>>, vector<1000x1xf32>
    %get3A_2 = arith.constant 0 : index
    %get3A_3 = arith.constant 0 : index
    %get3A_4 = vector.load %arg3[%get3A_2, %get3A_3] : memref<1000x1xf32, #tpu.memory_space<vmem>>, vector<1000x1xf32>
    %add3A = arith.addf %get3A_1, %get3A_4 : vector<1000x1xf32>
    %get3A_5 = arith.constant 0 : index
    %get3A_6 = arith.constant 0 : index
    %get3A_7 = vector.load %arg4[%get3A_5, %get3A_6] : memref<1x128xf32, #tpu.memory_space<vmem>>, vector<1x128xf32>
    %get3A_8 = arith.constant 0 : index
    %get3A_9 = arith.constant 0 : index
    %get3A_10 = vector.load %arg5[%get3A_8, %get3A_9] : memref<128x128xf32, #tpu.memory_space<vmem>>, vector<128x128xf32>
    %dot_general3A = arith.constant dense<0.000000e+00> : vector<1x128xf32>
    %dot_general3A_11 = tpu.matmul %get3A_7, %get3A_10, %dot_general3A {dimension_numbers = #tpu.dot_dimension_numbers<[1], [0], [0], [1], [0, 0, 1, 1], [], []>, precision = #tpu.contract_precision<fp32>, transpose_lhs_hint = false} : vector<1x128xf32>, vector<128x128xf32>, vector<1x128xf32> -> vector<1x128xf32>
    %gt3A = arith.constant 0.000000e+00 : f32
    %gt3A_12 = vector.broadcast %gt3A : f32 to vector<1000x1xf32>
    %gt3A_13 = arith.cmpf ogt, %add3A, %gt3A_12 : vector<1000x1xf32>
    %jit3A = arith.constant 1.000000e+00 : f32
    %jit3A_14 = arith.constant 0.000000e+00 : f32
    %broadcast_in_dim3A = vector.broadcast %jit3A : f32 to vector<1000x1xf32>
    %broadcast_in_dim3A_15 = vector.broadcast %jit3A_14 : f32 to vector<1000x1xf32>
    %select_n3A = arith.select %gt3A_13, %broadcast_in_dim3A, %broadcast_in_dim3A_15 : vector<1000x1xi1>, vector<1000x1xf32>
    %mul3A = vector.broadcast %select_n3A : vector<1000x1xf32> to vector<1000x128xf32>
    %mul3A_16 = vector.broadcast %dot_general3A_11 : vector<1x128xf32> to vector<1000x128xf32>
    %mul3A_17 = arith.mulf %mul3A, %mul3A_16 : vector<1000x128xf32>
    %get3A_18 = arith.constant 0 : index
    %get3A_19 = arith.constant 0 : index
    %get3A_20 = vector.load %arg1[%get3A_18, %get3A_19] : memref<1000x128xf32, #tpu.memory_space<vmem>>, vector<1000x128xf32>
    %get3A_21 = arith.constant 0 : index
    %get3A_22 = arith.constant 0 : index
    %get3A_23 = vector.load %arg7[%get3A_21, %get3A_22] : memref<128x128xf32, #tpu.memory_space<vmem>>, vector<128x128xf32>
    %dot_general3A_24 = arith.constant dense<0.000000e+00> : vector<1000x128xf32>
    %dot_general3A_25 = tpu.matmul %get3A_20, %get3A_23, %dot_general3A_24 {dimension_numbers = #tpu.dot_dimension_numbers<[1], [0], [0], [1], [0, 0, 1, 1], [], []>, precision = #tpu.contract_precision<fp32>, transpose_lhs_hint = false} : vector<1000x128xf32>, vector<128x128xf32>, vector<1000x128xf32> -> vector<1000x128xf32>
    %add3A_26 = arith.addf %mul3A_17, %dot_general3A_25 : vector<1000x128xf32>
    %get3A_27 = arith.constant 0 : index
    %get3A_28 = arith.constant 0 : index
    %get3A_29 = vector.load %arg6[%get3A_27, %get3A_28] : memref<1x128xf32, #tpu.memory_space<vmem>>, vector<1x128xf32>
    %add3A_30 = vector.broadcast %get3A_29 : vector<1x128xf32> to vector<1000x128xf32>
    %add3A_31 = arith.addf %add3A_26, %add3A_30 : vector<1000x128xf32>
    %get3A_32 = arith.constant 0 : index
    %get3A_33 = arith.constant 0 : index
    %get3A_34 = vector.load %arg8[%get3A_32, %get3A_33] : memref<1x128xf32, #tpu.memory_space<vmem>>, vector<1x128xf32>
    %add3A_35 = vector.broadcast %get3A_34 : vector<1x128xf32> to vector<1000x128xf32>
    %add3A_36 = arith.addf %add3A_31, %add3A_35 : vector<1000x128xf32>
    %mul3A_37 = arith.mulf %add3A_36, %add3A_36 : vector<1000x128xf32>
    %reduce_sum3A = arith.constant dense<0.000000e+00> : vector<1000xf32>
    %reduce_sum3A_38 = vector.multi_reduction <add>, %mul3A_37, %reduce_sum3A [1] : vector<1000x128xf32> to vector<1000xf32>
    %broadcast_in_dim3A_39 = vector.shape_cast %reduce_sum3A_38 : vector<1000xf32> to vector<1000x1xf32>
    %sqrt3A = math.sqrt %broadcast_in_dim3A_39 : vector<1000x1xf32>
    %max3A = arith.constant 9.99999996E-13 : f32
    %max3A_40 = vector.broadcast %max3A : f32 to vector<1000x1xf32>
    %max3A_41 = arith.maximumf %sqrt3A, %max3A_40 : vector<1000x1xf32>
    %div3A = vector.broadcast %max3A_41 : vector<1000x1xf32> to vector<1000x128xf32>
    %div3A_42 = arith.divf %add3A_36, %div3A : vector<1000x128xf32>
    %max3A_43 = arith.constant 0.000000e+00 : f32
    %max3A_44 = vector.broadcast %max3A_43 : f32 to vector<1000x128xf32>
    %max3A_45 = arith.maximumf %div3A_42, %max3A_44 : vector<1000x128xf32>
    %swap3A = arith.constant 0 : index
    %swap3A_46 = arith.constant 0 : index
    %swap3A_47 = vector.load %arg9[%swap3A, %swap3A_46] : memref<1000x128xf32, #tpu.memory_space<vmem>>, vector<1000x128xf32>
    tpu.vector_store %arg9[%swap3A, %swap3A_46], %max3A_45 {strides = array<i32>} : memref<1000x128xf32, #tpu.memory_space<vmem>>, vector<1000x128xf32>,
    return
  }
  func.func @transform_0(%arg0: i32) -> (i32, i32) {
    %c0_i32 = arith.constant 0 : i32
    %c0_i32_0 = arith.constant 0 : i32
    return %arg0, %c0_i32 : i32, i32
  }
  func.func @transform_1(%arg0: i32) -> (i32, i32) {
    %c0_i32 = arith.constant 0 : i32
    %c0_i32_0 = arith.constant 0 : i32
    return %arg0, %c0_i32 : i32, i32
  }
  func.func @transform_2(%arg0: i32) -> (i32, i32) {
    %c0_i32 = arith.constant 0 : i32
    %c0_i32_0 = arith.constant 0 : i32
    return %arg0, %c0_i32 : i32, i32
  }
  func.func @transform_3(%arg0: i32) -> (i32, i32) {
    %c0_i32 = arith.constant 0 : i32
    %c0_i32_0 = arith.constant 0 : i32
    %c0_i32_1 = arith.constant 0 : i32
    return %c0_i32, %c0_i32_0 : i32, i32
  }
  func.func @transform_4(%arg0: i32) -> (i32, i32) {
    %c0_i32 = arith.constant 0 : i32
    %c0_i32_0 = arith.constant 0 : i32
    %c0_i32_1 = arith.constant 0 : i32
    return %c0_i32, %c0_i32_0 : i32, i32
  }
  func.func @transform_5(%arg0: i32) -> (i32, i32) {
    %c0_i32 = arith.constant 0 : i32
    %c0_i32_0 = arith.constant 0 : i32
    %c0_i32_1 = arith.constant 0 : i32
    return %c0_i32, %c0_i32_0 : i32, i32
  }
  func.func @transform_6(%arg0: i32) -> (i32, i32) {
    %c0_i32 = arith.constant 0 : i32
    %c0_i32_0 = arith.constant 0 : i32
    %c0_i32_1 = arith.constant 0 : i32
    return %c0_i32, %c0_i32_0 : i32, i32
  }
  func.func @transform_7(%arg0: i32) -> (i32, i32) {
    %c0_i32 = arith.constant 0 : i32
    %c0_i32_0 = arith.constant 0 : i32
    %c0_i32_1 = arith.constant 0 : i32
    return %c0_i32, %c0_i32_0 : i32, i32
  }
  func.func @transform_8(%arg0: i32) -> (i32, i32) {
    %c0_i32 = arith.constant 0 : i32
    %c0_i32_0 = arith.constant 0 : i32
    return %arg0, %c0_i32 : i32, i32
  }
}

module attributes {stable_mosaic.version = 14 : i64} {
  func.func @_tc_new_r_body(%arg0: i32, %arg1: memref<1000x128xf32, #tpu.memory_space<vmem>>, %arg2: memref<1000x128xf32, #tpu.memory_space<vmem>>, %arg3: memref<1000x1xf32, #tpu.memory_space<vmem>>, %arg4: memref<1000x1xf32, #tpu.memory_space<vmem>>, %arg5: memref<1x128xf32, #tpu.memory_space<vmem>>, %arg6: memref<128x128xf32, #tpu.memory_space<vmem>>, %arg7: memref<1x128xf32, #tpu.memory_space<vmem>>, %arg8: memref<128x128xf32, #tpu.memory_space<vmem>>, %arg9: memref<1x128xf32, #tpu.memory_space<vmem>>, %arg10: memref<1000x128xf32, #tpu.memory_space<vmem>>) attributes {dimension_semantics = [#tpu.dimension_semantics<arbitrary>], iteration_bounds = array<i64: 10>, scalar_prefetch = 0 : i64, scratch_operands = 0 : i64, tpu.core_type = #tpu.core_type<tc>, window_params = [{transform_indices = @transform_0, window_bounds = array<i64: 1000, 128>}, {transform_indices = @transform_1, window_bounds = array<i64: 1000, 128>}, {transform_indices = @transform_2, window_bounds = array<i64: 1000, 1>}, {transform_indices = @transform_3, window_bounds = array<i64: 1000, 1>}, {pipeline_mode = #tpu.pipeline_mode<synchronous>, transform_indices = @transform_4, window_bounds = array<i64: 1, 128>}, {pipeline_mode = #tpu.pipeline_mode<synchronous>, transform_indices = @transform_5, window_bounds = array<i64: 128, 128>}, {pipeline_mode = #tpu.pipeline_mode<synchronous>, transform_indices = @transform_6, window_bounds = array<i64: 1, 128>}, {pipeline_mode = #tpu.pipeline_mode<synchronous>, transform_indices = @transform_7, window_bounds = array<i64: 128, 128>}, {pipeline_mode = #tpu.pipeline_mode<synchronous>, transform_indices = @transform_8, window_bounds = array<i64: 1, 128>}, {transform_indices = @transform_9, window_bounds = array<i64: 1000, 128>}]} {
    %get3A = arith.constant 0 : index
    %get3A_0 = arith.constant 0 : index
    %get3A_1 = vector.load %arg3[%get3A, %get3A_0] : memref<1000x1xf32, #tpu.memory_space<vmem>>, vector<1000x1xf32>
    %get3A_2 = arith.constant 0 : index
    %get3A_3 = arith.constant 0 : index
    %get3A_4 = vector.load %arg4[%get3A_2, %get3A_3] : memref<1000x1xf32, #tpu.memory_space<vmem>>, vector<1000x1xf32>
    %add3A = arith.addf %get3A_1, %get3A_4 : vector<1000x1xf32>
    %get3A_5 = arith.constant 0 : index
    %get3A_6 = arith.constant 0 : index
    %get3A_7 = vector.load %arg1[%get3A_5, %get3A_6] : memref<1000x128xf32, #tpu.memory_space<vmem>>, vector<1000x128xf32>
    %get3A_8 = arith.constant 0 : index
    %get3A_9 = arith.constant 0 : index
    %get3A_10 = vector.load %arg2[%get3A_8, %get3A_9] : memref<1000x128xf32, #tpu.memory_space<vmem>>, vector<1000x128xf32>
    %add3A_11 = arith.addf %get3A_7, %get3A_10 : vector<1000x128xf32>
    %max3A = arith.constant 1.000000e+00 : f32
    %max3A_12 = vector.broadcast %max3A : f32 to vector<1000x1xf32>
    %max3A_13 = arith.maximumf %add3A, %max3A_12 : vector<1000x1xf32>
    %div3A = vector.broadcast %max3A_13 : vector<1000x1xf32> to vector<1000x128xf32>
    %div3A_14 = arith.divf %add3A_11, %div3A : vector<1000x128xf32>
    %get3A_15 = arith.constant 0 : index
    %get3A_16 = arith.constant 0 : index
    %get3A_17 = vector.load %arg5[%get3A_15, %get3A_16] : memref<1x128xf32, #tpu.memory_space<vmem>>, vector<1x128xf32>
    %get3A_18 = arith.constant 0 : index
    %get3A_19 = arith.constant 0 : index
    %get3A_20 = vector.load %arg8[%get3A_18, %get3A_19] : memref<128x128xf32, #tpu.memory_space<vmem>>, vector<128x128xf32>
    %dot_general3A = arith.constant dense<0.000000e+00> : vector<1x128xf32>
    %dot_general3A_21 = tpu.matmul %get3A_17, %get3A_20, %dot_general3A {dimension_numbers = #tpu.dot_dimension_numbers<[1], [0], [0], [1], [0, 0, 1, 1], [], []>, precision = #tpu.contract_precision<fp32>, transpose_lhs_hint = false} : vector<1x128xf32>, vector<128x128xf32>, vector<1x128xf32> -> vector<1x128xf32>
    %get3A_22 = arith.constant 0 : index
    %get3A_23 = arith.constant 0 : index
    %get3A_24 = vector.load %arg7[%get3A_22, %get3A_23] : memref<1x128xf32, #tpu.memory_space<vmem>>, vector<1x128xf32>
    %add3A_25 = arith.addf %dot_general3A_21, %get3A_24 : vector<1x128xf32>
    %get3A_26 = arith.constant 0 : index
    %get3A_27 = arith.constant 0 : index
    %get3A_28 = vector.load %arg9[%get3A_26, %get3A_27] : memref<1x128xf32, #tpu.memory_space<vmem>>, vector<1x128xf32>
    %add3A_29 = arith.addf %add3A_25, %get3A_28 : vector<1x128xf32>
    %get3A_30 = arith.constant 0 : index
    %get3A_31 = arith.constant 0 : index
    %get3A_32 = vector.load %arg6[%get3A_30, %get3A_31] : memref<128x128xf32, #tpu.memory_space<vmem>>, vector<128x128xf32>
    %dot_general3A_33 = arith.constant dense<0.000000e+00> : vector<1000x128xf32>
    %dot_general3A_34 = tpu.matmul %div3A_14, %get3A_32, %dot_general3A_33 {dimension_numbers = #tpu.dot_dimension_numbers<[1], [0], [0], [1], [0, 0, 1, 1], [], []>, precision = #tpu.contract_precision<fp32>, transpose_lhs_hint = false} : vector<1000x128xf32>, vector<128x128xf32>, vector<1000x128xf32> -> vector<1000x128xf32>
    %add3A_35 = vector.broadcast %add3A_29 : vector<1x128xf32> to vector<1000x128xf32>
    %add3A_36 = arith.addf %dot_general3A_34, %add3A_35 : vector<1000x128xf32>
    %mul3A = arith.mulf %add3A_36, %add3A_36 : vector<1000x128xf32>
    %reduce_sum3A = arith.constant dense<0.000000e+00> : vector<1000xf32>
    %reduce_sum3A_37 = vector.multi_reduction <add>, %mul3A, %reduce_sum3A [1] : vector<1000x128xf32> to vector<1000xf32>
    %broadcast_in_dim3A = vector.shape_cast %reduce_sum3A_37 : vector<1000xf32> to vector<1000x1xf32>
    %sqrt3A = math.sqrt %broadcast_in_dim3A : vector<1000x1xf32>
    %max3A_38 = arith.constant 9.99999996E-13 : f32
    %max3A_39 = vector.broadcast %max3A_38 : f32 to vector<1000x1xf32>
    %max3A_40 = arith.maximumf %sqrt3A, %max3A_39 : vector<1000x1xf32>
    %div3A_41 = vector.broadcast %max3A_40 : vector<1000x1xf32> to vector<1000x128xf32>
    %div3A_42 = arith.divf %add3A_36, %div3A_41 : vector<1000x128xf32>
    %max3A_43 = arith.constant 0.000000e+00 : f32
    %max3A_44 = vector.broadcast %max3A_43 : f32 to vector<1000x128xf32>
    %max3A_45 = arith.maximumf %div3A_42, %max3A_44 : vector<1000x128xf32>
    %swap3A = arith.constant 0 : index
    %swap3A_46 = arith.constant 0 : index
    %swap3A_47 = vector.load %arg10[%swap3A, %swap3A_46] : memref<1000x128xf32, #tpu.memory_space<vmem>>, vector<1000x128xf32>
    tpu.vector_store %arg10[%swap3A, %swap3A_46], %max3A_45 {strides = array<i32>} : memref<1000x128xf32, #tpu.memory_space<vmem>>, vector<1000x128xf32>,
    return
  }
  func.func @transform_0(%arg0: i32) -> (i32, i32) {
    %c0_i32 = arith.constant 0 : i32
    %c0_i32_0 = arith.constant 0 : i32
    return %arg0, %c0_i32 : i32, i32
  }
  func.func @transform_1(%arg0: i32) -> (i32, i32) {
    %c0_i32 = arith.constant 0 : i32
    %c0_i32_0 = arith.constant 0 : i32
    return %arg0, %c0_i32 : i32, i32
  }
  func.func @transform_2(%arg0: i32) -> (i32, i32) {
    %c0_i32 = arith.constant 0 : i32
    %c0_i32_0 = arith.constant 0 : i32
    return %arg0, %c0_i32 : i32, i32
  }
  func.func @transform_3(%arg0: i32) -> (i32, i32) {
    %c0_i32 = arith.constant 0 : i32
    %c0_i32_0 = arith.constant 0 : i32
    return %arg0, %c0_i32 : i32, i32
  }
  func.func @transform_4(%arg0: i32) -> (i32, i32) {
    %c0_i32 = arith.constant 0 : i32
    %c0_i32_0 = arith.constant 0 : i32
    %c0_i32_1 = arith.constant 0 : i32
    return %c0_i32, %c0_i32_0 : i32, i32
  }
  func.func @transform_5(%arg0: i32) -> (i32, i32) {
    %c0_i32 = arith.constant 0 : i32
    %c0_i32_0 = arith.constant 0 : i32
    %c0_i32_1 = arith.constant 0 : i32
    return %c0_i32, %c0_i32_0 : i32, i32
  }
  func.func @transform_6(%arg0: i32) -> (i32, i32) {
    %c0_i32 = arith.constant 0 : i32
    %c0_i32_0 = arith.constant 0 : i32
    %c0_i32_1 = arith.constant 0 : i32
    return %c0_i32, %c0_i32_0 : i32, i32
  }
  func.func @transform_7(%arg0: i32) -> (i32, i32) {
    %c0_i32 = arith.constant 0 : i32
    %c0_i32_0 = arith.constant 0 : i32
    %c0_i32_1 = arith.constant 0 : i32
    return %c0_i32, %c0_i32_0 : i32, i32
  }
  func.func @transform_8(%arg0: i32) -> (i32, i32) {
    %c0_i32 = arith.constant 0 : i32
    %c0_i32_0 = arith.constant 0 : i32
    %c0_i32_1 = arith.constant 0 : i32
    return %c0_i32, %c0_i32_0 : i32, i32
  }
  func.func @transform_9(%arg0: i32) -> (i32, i32) {
    %c0_i32 = arith.constant 0 : i32
    %c0_i32_0 = arith.constant 0 : i32
    return %arg0, %c0_i32 : i32, i32
  }
}

module attributes {stable_mosaic.version = 14 : i64} {
  func.func @_tc_layer1_body(%arg0: i32, %arg1: memref<1000x128xf32, #tpu.memory_space<vmem>>, %arg2: memref<1000x128xf32, #tpu.memory_space<vmem>>, %arg3: memref<1000x1xf32, #tpu.memory_space<vmem>>, %arg4: memref<1000x1xf32, #tpu.memory_space<vmem>>, %arg5: memref<1000x128xf32, #tpu.memory_space<vmem>>, %arg6: memref<128x128xf32, #tpu.memory_space<vmem>>, %arg7: memref<1x128xf32, #tpu.memory_space<vmem>>, %arg8: memref<128x128xf32, #tpu.memory_space<vmem>>, %arg9: memref<1x128xf32, #tpu.memory_space<vmem>>, %arg10: memref<128x128xf32, #tpu.memory_space<vmem>>, %arg11: memref<1x128xf32, #tpu.memory_space<vmem>>, %arg12: memref<1000x128xf32, #tpu.memory_space<vmem>>) attributes {dimension_semantics = [#tpu.dimension_semantics<arbitrary>], iteration_bounds = array<i64: 10>, scalar_prefetch = 0 : i64, scratch_operands = 0 : i64, tpu.core_type = #tpu.core_type<tc>, window_params = [{transform_indices = @transform_0, window_bounds = array<i64: 1000, 128>}, {transform_indices = @transform_1, window_bounds = array<i64: 1000, 128>}, {transform_indices = @transform_2, window_bounds = array<i64: 1000, 1>}, {transform_indices = @transform_3, window_bounds = array<i64: 1000, 1>}, {transform_indices = @transform_4, window_bounds = array<i64: 1000, 128>}, {pipeline_mode = #tpu.pipeline_mode<synchronous>, transform_indices = @transform_5, window_bounds = array<i64: 128, 128>}, {pipeline_mode = #tpu.pipeline_mode<synchronous>, transform_indices = @transform_6, window_bounds = array<i64: 1, 128>}, {pipeline_mode = #tpu.pipeline_mode<synchronous>, transform_indices = @transform_7, window_bounds = array<i64: 128, 128>}, {pipeline_mode = #tpu.pipeline_mode<synchronous>, transform_indices = @transform_8, window_bounds = array<i64: 1, 128>}, {pipeline_mode = #tpu.pipeline_mode<synchronous>, transform_indices = @transform_9, window_bounds = array<i64: 128, 128>}, {pipeline_mode = #tpu.pipeline_mode<synchronous>, transform_indices = @transform_10, window_bounds = array<i64: 1, 128>}, {transform_indices = @transform_11, window_bounds = array<i64: 1000, 128>}]} {
    %get3A = arith.constant 0 : index
    %get3A_0 = arith.constant 0 : index
    %get3A_1 = vector.load %arg3[%get3A, %get3A_0] : memref<1000x1xf32, #tpu.memory_space<vmem>>, vector<1000x1xf32>
    %get3A_2 = arith.constant 0 : index
    %get3A_3 = arith.constant 0 : index
    %get3A_4 = vector.load %arg4[%get3A_2, %get3A_3] : memref<1000x1xf32, #tpu.memory_space<vmem>>, vector<1000x1xf32>
    %add3A = arith.addf %get3A_1, %get3A_4 : vector<1000x1xf32>
    %get3A_5 = arith.constant 0 : index
    %get3A_6 = arith.constant 0 : index
    %get3A_7 = vector.load %arg1[%get3A_5, %get3A_6] : memref<1000x128xf32, #tpu.memory_space<vmem>>, vector<1000x128xf32>
    %get3A_8 = arith.constant 0 : index
    %get3A_9 = arith.constant 0 : index
    %get3A_10 = vector.load %arg2[%get3A_8, %get3A_9] : memref<1000x128xf32, #tpu.memory_space<vmem>>, vector<1000x128xf32>
    %add3A_11 = arith.addf %get3A_7, %get3A_10 : vector<1000x128xf32>
    %max3A = arith.constant 1.000000e+00 : f32
    %max3A_12 = vector.broadcast %max3A : f32 to vector<1000x1xf32>
    %max3A_13 = arith.maximumf %add3A, %max3A_12 : vector<1000x1xf32>
    %div3A = vector.broadcast %max3A_13 : vector<1000x1xf32> to vector<1000x128xf32>
    %div3A_14 = arith.divf %add3A_11, %div3A : vector<1000x128xf32>
    %get3A_15 = arith.constant 0 : index
    %get3A_16 = arith.constant 0 : index
    %get3A_17 = vector.load %arg6[%get3A_15, %get3A_16] : memref<128x128xf32, #tpu.memory_space<vmem>>, vector<128x128xf32>
    %dot_general3A = arith.constant dense<0.000000e+00> : vector<1000x128xf32>
    %dot_general3A_18 = tpu.matmul %div3A_14, %get3A_17, %dot_general3A {dimension_numbers = #tpu.dot_dimension_numbers<[1], [0], [0], [1], [0, 0, 1, 1], [], []>, precision = #tpu.contract_precision<fp32>, transpose_lhs_hint = false} : vector<1000x128xf32>, vector<128x128xf32>, vector<1000x128xf32> -> vector<1000x128xf32>
    %get3A_19 = arith.constant 0 : index
    %get3A_20 = arith.constant 0 : index
    %get3A_21 = vector.load %arg7[%get3A_19, %get3A_20] : memref<1x128xf32, #tpu.memory_space<vmem>>, vector<1x128xf32>
    %add3A_22 = vector.broadcast %get3A_21 : vector<1x128xf32> to vector<1000x128xf32>
    %add3A_23 = arith.addf %dot_general3A_18, %add3A_22 : vector<1000x128xf32>
    %get3A_24 = arith.constant 0 : index
    %get3A_25 = arith.constant 0 : index
    %get3A_26 = vector.load %arg5[%get3A_24, %get3A_25] : memref<1000x128xf32, #tpu.memory_space<vmem>>, vector<1000x128xf32>
    %get3A_27 = arith.constant 0 : index
    %get3A_28 = arith.constant 0 : index
    %get3A_29 = vector.load %arg8[%get3A_27, %get3A_28] : memref<128x128xf32, #tpu.memory_space<vmem>>, vector<128x128xf32>
    %dot_general3A_30 = arith.constant dense<0.000000e+00> : vector<1000x128xf32>
    %dot_general3A_31 = tpu.matmul %get3A_26, %get3A_29, %dot_general3A_30 {dimension_numbers = #tpu.dot_dimension_numbers<[1], [0], [0], [1], [0, 0, 1, 1], [], []>, precision = #tpu.contract_precision<fp32>, transpose_lhs_hint = false} : vector<1000x128xf32>, vector<128x128xf32>, vector<1000x128xf32> -> vector<1000x128xf32>
    %add3A_32 = arith.addf %add3A_23, %dot_general3A_31 : vector<1000x128xf32>
    %get3A_33 = arith.constant 0 : index
    %get3A_34 = arith.constant 0 : index
    %get3A_35 = vector.load %arg9[%get3A_33, %get3A_34] : memref<1x128xf32, #tpu.memory_space<vmem>>, vector<1x128xf32>
    %add3A_36 = vector.broadcast %get3A_35 : vector<1x128xf32> to vector<1000x128xf32>
    %add3A_37 = arith.addf %add3A_32, %add3A_36 : vector<1000x128xf32>
    %mul3A = arith.mulf %add3A_37, %add3A_37 : vector<1000x128xf32>
    %reduce_sum3A = arith.constant dense<0.000000e+00> : vector<1000xf32>
    %reduce_sum3A_38 = vector.multi_reduction <add>, %mul3A, %reduce_sum3A [1] : vector<1000x128xf32> to vector<1000xf32>
    %broadcast_in_dim3A = vector.shape_cast %reduce_sum3A_38 : vector<1000xf32> to vector<1000x1xf32>
    %sqrt3A = math.sqrt %broadcast_in_dim3A : vector<1000x1xf32>
    %max3A_39 = arith.constant 9.99999996E-13 : f32
    %max3A_40 = vector.broadcast %max3A_39 : f32 to vector<1000x1xf32>
    %max3A_41 = arith.maximumf %sqrt3A, %max3A_40 : vector<1000x1xf32>
    %div3A_42 = vector.broadcast %max3A_41 : vector<1000x1xf32> to vector<1000x128xf32>
    %div3A_43 = arith.divf %add3A_37, %div3A_42 : vector<1000x128xf32>
    %max3A_44 = arith.constant 0.000000e+00 : f32
    %max3A_45 = vector.broadcast %max3A_44 : f32 to vector<1000x128xf32>
    %max3A_46 = arith.maximumf %div3A_43, %max3A_45 : vector<1000x128xf32>
    %get3A_47 = arith.constant 0 : index
    %get3A_48 = arith.constant 0 : index
    %get3A_49 = vector.load %arg10[%get3A_47, %get3A_48] : memref<128x128xf32, #tpu.memory_space<vmem>>, vector<128x128xf32>
    %dot_general3A_50 = arith.constant dense<0.000000e+00> : vector<1000x128xf32>
    %dot_general3A_51 = tpu.matmul %max3A_46, %get3A_49, %dot_general3A_50 {dimension_numbers = #tpu.dot_dimension_numbers<[1], [0], [0], [1], [0, 0, 1, 1], [], []>, precision = #tpu.contract_precision<fp32>, transpose_lhs_hint = false} : vector<1000x128xf32>, vector<128x128xf32>, vector<1000x128xf32> -> vector<1000x128xf32>
    %get3A_52 = arith.constant 0 : index
    %get3A_53 = arith.constant 0 : index
    %get3A_54 = vector.load %arg11[%get3A_52, %get3A_53] : memref<1x128xf32, #tpu.memory_space<vmem>>, vector<1x128xf32>
    %add3A_55 = vector.broadcast %get3A_54 : vector<1x128xf32> to vector<1000x128xf32>
    %add3A_56 = arith.addf %dot_general3A_51, %add3A_55 : vector<1000x128xf32>
    %swap3A = arith.constant 0 : index
    %swap3A_57 = arith.constant 0 : index
    %swap3A_58 = vector.load %arg12[%swap3A, %swap3A_57] : memref<1000x128xf32, #tpu.memory_space<vmem>>, vector<1000x128xf32>
    tpu.vector_store %arg12[%swap3A, %swap3A_57], %add3A_56 {strides = array<i32>} : memref<1000x128xf32, #tpu.memory_space<vmem>>, vector<1000x128xf32>,
    return
  }
  func.func @transform_0(%arg0: i32) -> (i32, i32) {
    %c0_i32 = arith.constant 0 : i32
    %c0_i32_0 = arith.constant 0 : i32
    return %arg0, %c0_i32 : i32, i32
  }
  func.func @transform_1(%arg0: i32) -> (i32, i32) {
    %c0_i32 = arith.constant 0 : i32
    %c0_i32_0 = arith.constant 0 : i32
    return %arg0, %c0_i32 : i32, i32
  }
  func.func @transform_2(%arg0: i32) -> (i32, i32) {
    %c0_i32 = arith.constant 0 : i32
    %c0_i32_0 = arith.constant 0 : i32
    return %arg0, %c0_i32 : i32, i32
  }
  func.func @transform_3(%arg0: i32) -> (i32, i32) {
    %c0_i32 = arith.constant 0 : i32
    %c0_i32_0 = arith.constant 0 : i32
    return %arg0, %c0_i32 : i32, i32
  }
  func.func @transform_4(%arg0: i32) -> (i32, i32) {
    %c0_i32 = arith.constant 0 : i32
    %c0_i32_0 = arith.constant 0 : i32
    return %arg0, %c0_i32 : i32, i32
  }
  func.func @transform_5(%arg0: i32) -> (i32, i32) {
    %c0_i32 = arith.constant 0 : i32
    %c0_i32_0 = arith.constant 0 : i32
    %c0_i32_1 = arith.constant 0 : i32
    return %c0_i32, %c0_i32_0 : i32, i32
  }
  func.func @transform_6(%arg0: i32) -> (i32, i32) {
    %c0_i32 = arith.constant 0 : i32
    %c0_i32_0 = arith.constant 0 : i32
    %c0_i32_1 = arith.constant 0 : i32
    return %c0_i32, %c0_i32_0 : i32, i32
  }
  func.func @transform_7(%arg0: i32) -> (i32, i32) {
    %c0_i32 = arith.constant 0 : i32
    %c0_i32_0 = arith.constant 0 : i32
    %c0_i32_1 = arith.constant 0 : i32
    return %c0_i32, %c0_i32_0 : i32, i32
  }
  func.func @transform_8(%arg0: i32) -> (i32, i32) {
    %c0_i32 = arith.constant 0 : i32
    %c0_i32_0 = arith.constant 0 : i32
    %c0_i32_1 = arith.constant 0 : i32
    return %c0_i32, %c0_i32_0 : i32, i32
  }
  func.func @transform_9(%arg0: i32) -> (i32, i32) {
    %c0_i32 = arith.constant 0 : i32
    %c0_i32_0 = arith.constant 0 : i32
    %c0_i32_1 = arith.constant 0 : i32
    return %c0_i32, %c0_i32_0 : i32, i32
  }
  func.func @transform_10(%arg0: i32) -> (i32, i32) {
    %c0_i32 = arith.constant 0 : i32
    %c0_i32_0 = arith.constant 0 : i32
    %c0_i32_1 = arith.constant 0 : i32
    return %c0_i32, %c0_i32_0 : i32, i32
  }
  func.func @transform_11(%arg0: i32) -> (i32, i32) {
    %c0_i32 = arith.constant 0 : i32
    %c0_i32_0 = arith.constant 0 : i32
    return %arg0, %c0_i32 : i32, i32
  }
}

</mosaic_0001>

<sc_bundles>
// kernel: kernel.11.cloned.1.call-start
scs
__scs_entry_jumppad:
0x0: {  	(pc) =	sbr.rel $0x88, $3  }
0x1: {  	(tag) =	ssettag $0x0;
	lr =	simm.s32 $0x1  }
0x2: {  	[smem:$0x3F8E] =	sst lr;
	_ =	strace $0xD0000000  }
0x3: {  	_ = 	snop  }
0x4: {  	_ = 	snop  }
0x5: {  	_ = 	snop  }
0x6: {  	_ = 	snop  }
0x7: {  	_ = 	snop  }
__scs_overlays_trampoline_lowered:
0x8: {  	[smem:$0x3F9D] =	sst s0  }
0x9: {  	[smem:$0x3F9E] =	sst s1  }
0xa: {  	[smem:$0x3F9F] =	sst s2  }
0xb: {  	[smem:$0x3FA0] =	sst s3  }
0xc: {  	[smem:$0x3FA1] =	sst s4  }
0xd: {  	[smem:$0x3FA2] =	sst s5  }
0xe: {  	[smem:$0x3FA3] =	sst s6  }
0xf: {  	[smem:$0x3FA4] =	sst s7  }
0x10: {  	[smem:$0x3FA5] =	sst s8  }
0x11: {  	[smem:$0x3FA6] =	sst s9;
	s0 =	simm.s32 @!p0 $0x0  }
0x12: {  	s1 =	sld [smem:$0x3F8C];
	s0 =	simm.s32 @p0 $0x1  }
0x13: {  	[smem:$0x3FA7] =	sst s0;
	s0 =	simm.s32 @!p1 $0x0  }
0x14: {  	s2 =	sld [smem:$0x3F8B];
	s0 =	simm.s32 @p1 $0x1  }
0x15: {  	[smem:$0x3FA8] =	sst s0;
	s0 =	simm.s32 @!p2 $0x0  }
0x16: {  	s3 =	sld [smem:$0x3FDB];
	s0 =	simm.s32 @p2 $0x1  }
0x17: {  	s4 =	simm.s32 $0x1BF5;
	[smem:$0x3FAA] =	sst s0  }
0x18: {  	s0 =	sld [smem:$0x3F8D];
	_ =	swait.ge [sflag:s4], $0x0  }
0x19: {  	s7 =	sld [smem:$0x3F8E]  }
0x1a: {  	s8 =	sadd.s32 $0xFFFFE003, lr  }
0x1b: {  	s9 =	sadd.s32 $0xFFFFFEF7, lr;
	s5 =	simm.s32 $0xFFFFFFFF;
	p2 =	slt.u32 s8, $0xFFFFF086  }
0x1c: {  	p1 =	slt.u32 s9, $0xF7A;
	s5 =	simm.s32 @!p2 $0x0  }
0x1d: {  	s5 =	simm.s32 @p1 $0x1;
	p0 =	seq.s32 s7, s2  }
0x1e: {  	s7 =	smul.u32 @!p0 $0xF7A, s2;
	p2 =	seq.s32 @!p0 s5, $0x0  }
0x1f: {  	s9 =	smul.u32 $0xF7A, s1;
	s8 =	simm.s32 @!p0 $0x1BF5;
	p2 =	por !p2, p0  }
0x20: {  	[sflag:s8] =	ssyncset.s32 @!p0 $0xFFFFF086;
	s6 =	sadd.s32 @!p0 s3, s7;
	s7 =	simm.s32 @!p0 $0x108  }
0x21: {  	s3 =	sadd.s32 s3, s9;
	s6 =	sadd.s32 @!p0 $0x88, s6;
	s7 =	simm.s32 @p2 $0x1082  }
0x22: {  	[simem:s7], [sflag:s8] =	dma.local @!p0 [hbm:s6], $0xF7A  }
0x23: {  	s9 =	sor.u32 $0xD0000000, s2;
	s6 =	simm.s32 $0x108;
	_ =	swait.ge @!p0 [sflag:s8], $0x0  }
0x24: {  	s3 =	sadd.s32 $0x88, s3;
	s6 =	simm.s32 @!p1 $0x1082;
	[sflag:s4] =	ssyncset.s32 $0xFFFFF086  }
0x25: {  	[simem:s6], [sflag:s4] =	dma.local [hbm:s3], $0xF7A  }
0x26: {  	[smem:$0x3F8E] =	sst s1;
	(tag) =	ssettag s2;
	_ =	strace s9  }
0x27: {  	s1 =	sld [smem:$0x3F9E]  }
0x28: {  	s2 =	sld [smem:$0x3F9F]  }
0x29: {  	s4 =	sld [smem:$0x3FA1]  }
0x2a: {  	p0 =	seq.s32 s5, $0x0;
	s5 =	sld [smem:$0x3FA2]  }
0x2b: {  	s6 =	sld [smem:$0x3FA3]  }
0x2c: {  	s7 =	sld [smem:$0x3FA4]  }
0x2d: {  	s3 =	simm.s32 $0x108;
	s8 =	sld [smem:$0x3FA5]  }
0x2e: {  	s3 =	simm.s32 @!p0 $0x1082;
	s9 =	sld [smem:$0x3FA6]  }
0x2f: {  	lr =	sadd.s32 s0, s3;
	s0 =	sld [smem:$0x3F9D]  }
0x30: {  	s3 =	sld [smem:$0x3FA0]  }
0x31: {  	[smem:$0x3FA9] =	sst s10  }
0x32: {  	s10 =	sld [smem:$0x3FA7];
	_ =	sdelay $0x3  }
0x33: {  	p0 =	seq.s32 s10, $0x1;
	s10 =	sld [smem:$0x3FA9];
	_ =	sdelay $0x3  }
0x34: {  	[smem:$0x3FA9] =	sst s10  }
0x35: {  	s10 =	sld [smem:$0x3FA8];
	_ =	sdelay $0x3  }
0x36: {  	p1 =	seq.s32 s10, $0x1;
	s10 =	sld [smem:$0x3FA9];
	_ =	sdelay $0x3  }
0x37: {  	[smem:$0x3FA9] =	sst s10  }
0x38: {  	s10 =	sld [smem:$0x3FAA]  }
0x39: {  	_ = 	snop;
	(pc) =	sbr.ind lr, $3  }
0x3a: {  	_ = 	snop  }
0x3b: {  	_ = 	snop  }
0x3c: {  	p2 =	seq.s32 s10, $0x1;
	s10 =	sld [smem:$0x3FA9]  }
0x3d: {  	_ =	shalt  }
0x3e: {  	_ =	shalt  }
0x3f: {  	_ =	shalt  }
0x40: {  	_ =	shalt  }
0x41: {  	_ =	shalt  }
0x42: {  	_ =	shalt  }
0x43: {  	_ =	shalt  }
0x44: {  	_ =	shalt  }
0x45: {  	_ =	shalt  }
0x46: {  	_ =	shalt  }
0x47: {  	_ =	shalt  }
0x48: {  	_ =	shalt  }
0x49: {  	_ =	shalt  }
0x4a: {  	_ =	shalt  }
0x4b: {  	_ =	shalt  }
0x4c: {  	_ =	shalt  }
0x4d: {  	_ =	shalt  }
0x4e: {  	_ =	shalt  }
0x4f: {  	_ =	shalt  }
0x50: {  	_ =	shalt  }
0x51: {  	_ =	shalt  }
0x52: {  	_ =	shalt  }
0x53: {  	_ =	shalt  }
0x54: {  	_ =	shalt  }
0x55: {  	_ =	shalt  }
0x56: {  	_ =	shalt  }
0x57: {  	_ =	shalt  }
0x58: {  	_ =	shalt  }
0x59: {  	_ =	shalt  }
0x5a: {  	_ =	shalt  }
0x5b: {  	_ =	shalt  }
0x5c: {  	_ =	shalt  }
0x5d: {  	_ =	shalt  }
0x5e: {  	_ =	shalt  }
0x5f: {  	_ =	shalt  }
0x60: {  	_ =	shalt  }
0x61: {  	_ =	shalt  }
0x62: {  	_ =	shalt  }
0x63: {  	_ =	shalt  }
0x64: {  	_ =	shalt  }
0x65: {  	_ =	shalt  }
0x66: {  	_ =	shalt  }
0x67: {  	_ =	shalt  }
0x68: {  	_ =	shalt  }
0x69: {  	_ =	shalt  }
0x6a: {  	_ =	shalt  }
0x6b: {  	_ =	shalt  }
0x6c: {  	_ =	shalt  }
0x6d: {  	_ =	shalt  }
0x6e: {  	_ =	shalt  }
0x6f: {  	_ =	shalt  }
0x70: {  	_ =	shalt  }
0x71: {  	_ =	shalt  }
0x72: {  	_ =	shalt  }
0x73: {  	_ =	shalt  }
0x74: {  	_ =	shalt  }
0x75: {  	_ =	shalt  }
0x76: {  	_ =	shalt  }
0x77: {  	_ =	shalt  }
0x78: {  	_ =	shalt  }
0x79: {  	_ =	shalt  }
0x7a: {  	_ =	shalt  }
0x7b: {  	_ =	shalt  }
0x7c: {  	_ =	shalt  }
0x7d: {  	_ =	shalt  }
0x7e: {  	_ =	shalt  }
0x7f: {  	_ =	shalt  }
0x80: {  	_ =	shalt  }
0x81: {  	_ =	shalt  }
0x82: {  	_ =	shalt  }
0x83: {  	_ =	shalt  }
0x84: {  	_ =	shalt  }
0x85: {  	_ =	shalt  }
0x86: {  	_ =	shalt  }
0x87: {  	_ =	shalt  }
.Lfunc_end0:
.L_simem_size_0:
called_computation.1_lowered:
.L_overlay_start_0:
0x88: {  	s2 =	sld [smem:$0x3FD9]  }
0x89: {  	s3 =	sld [smem:$0x3FFE];
	_ =	sdelay $0x1  }
0x8a: {  	s1 =	srdreg.scid  }
0x8b: {  	s0 =	sand.u32 $0x1, s1  }
0x8c: {  	s16 =	sshll.u32 s0, $0xA;
	s2 =	sadd.s32 s3, s2  }
0x8d: {  	s2 =	sadd.s32 s2, s16  }
0x8e: {  	[smem:$0x3FB5] =	sst s2  }
0x8f: {  	_ = 	snop  }
0x90: {  	(tm) =	ssettm $0x1  }
0x91: {  	s17 =	sld [smem:$0x3FFB];
	_ =	sdelay $0x3  }
0x92: {  	_ =	strace s17  }
0x93: {  	s2 =	sld [smem:$0x3FFC];
	_ =	sdelay $0x3  }
0x94: {  	_ =	strace s2  }
0x95: {  	s2 =	sld [smem:$0x3FFD];
	_ =	sdelay $0x3  }
0x96: {  	_ =	strace s2  }
0x97: {  	_ =	strace $0x8FFFFFFF  }
0x98: {  	s18 =	sld [smem:$0x3FDB];
	_ =	sdelay $0x1  }
0x99: {  	s19 =	simm.s32 $_scs_section_size  }
0x9a: {  	s4 =	simm.s32 $_size__tile_overlayer_lowered;
	s5 =	simm.s32 $_tile_overlayer_lowered  }
0x9b: {  	s22 =	simm.s32 $0x1BFF;
	s21 =	sshll.u32 s5, $0x1;
	s2 =	sadd.s32 s19, s18  }
0x9c: {  	s6 =	simm.s32 $0x0;
	s20 =	sshll.u32 s4, $0x1;
	s4 =	sadd.s32 s21, s2  }
0x9d: {  	[timem:s6], [sflag:s22] =	dma.local [hbm:s4], s20  }
0x9e: {  	_ =	swait.ge [sflag:s22], s20  }
0x9f: {  	s3 =	ssub.s32 $0x0, s20;
	[sflag:s22] =	ssyncset.done $0x0  }
0xa0: {  	[sflag:s22] =	ssyncadd.s32 s3;
	_ =	sdelay $0x1  }
0xa1: {  	s23 =	simm.s32 $0x1B8B  }
0xa2: {  	_ =	swait.ge [sflag:s23], $0x1  }
0xa3: {  	[sflag:s23] =	ssyncset.done $0x0  }
0xa4: {  	s25 =	simm.s32 $0x1B8E;
	s24 =	sld [smem:$0x3FFE];
	[sflag:s23] =	ssyncadd.s32 $0xFFFFFFFF  }
0xa5: {  	s26 =	simm.s32 $execute0_lowered;
	[smem:$0x3FD2] =	sst s25  }
0xa6: {  	s4 =	sshll.u32 s26, $0x1;
	_ =	strace $0x80000049;
	[dreg:$0x1] =	wrdreg $0xFFFFFFFF  }
0xa7: {  	s28 =	simm.s32 $_size_execute0_lowered;
	s2 =	sadd.s32 s2, s4;
	[dreg:$0x0] =	wrdreg $0x0  }
0xa8: {  	s4 =	sshll.u32 s28, $0x1;
	[dreg:$0x2] =	wrdreg s2  }
0xa9: {  	[dreg:$0x3] =	wrdreg s4  }
0xaa: {  	[dreg:$0x4] =	wrdreg $0xC0  }
0xab: {  	_ =	task [dreg:s6], $0x5FFFF  }
0xac: {  	[dreg:$0x1] =	wrdreg $0xFFFFFFFF  }
0xad: {  	[dreg:$0x0] =	wrdreg $0x60  }
0xae: {  	[dreg:$0x2] =	wrdreg s24  }
0xaf: {  	[dreg:$0x3] =	wrdreg $0xA8000  }
0xb0: {  	[dreg:$0x4] =	wrdreg $0x9  }
0xb1: {  	_ =	task.clear_ibuf [dreg:s6], $0x5FFFF;
	_ =	strace $0x90000049  }
0xb2: {  	s29 =	simm.s32 $0x9;
	_ =	strace $0x8000004B  }
0xb3: {  	_ =	swait.ge [sflag:s29], $0x1  }
0xb4: {  	[sflag:s29] =	ssyncadd.s32 $0xFFFFFFFF  }
0xb5: {  	_ =	strace $0x9000004B  }
0xb6: {  	_ =	sfence  }
0xb7: {  	s30 =	sld [smem:$0x0];
	_ =	sdelay $0x2  }
0xb8: {  	s31 =	sshll.u32 s1, $0xD;
	s1 =	sshrl.u32 s1, $0x2  }
0xb9: {  	s3 =	sand.u32 $0x4000, s31;
	s1 =	sadd.s32 s1, s30  }
0xba: {  	s0 =	sor.u32 s3, s0;
	s1 =	sshll.u32 s1, $0x11  }
0xbb: {  	s0 =	sor.u32 s1, s0  }
0xbc: {  	s0 =	sadd.s32 $0x8F2B, s0  }
0xbd: {  	[sflag:s0] =	ssyncadd.remote.s32 $0x1  }
0xbe: {  	_ =	sfence.sel $0xFFFF  }
0xbf: {  	[dreg:$0x0] =	wrdreg $0xFFFFFFFF;
	(pc) =	sbr.abs _section_cstart, $3  }
0xc0: {  	[dreg:$0x1] =	wrdreg $0xFFFFFFFF  }
0xc1: {  	_ =	task.clear_ibuf [dreg:s6], $0x2FFFF;
	_ =	strace $0x9FFFFFFF  }
0xc2: {  	(tm) =	ssettm $0x7FFFFFFF  }
0xc3: {  	_ =	shalt  }
tec
execute0_lowered:
.L_overlay_start_1:
0x0: {  	(tag) =	ssettag $0x1  }
0x1: {  	s6 =	rddreg [dreg:$0x0]  }
0x2: {  	s2 =	rddreg [dreg:$0x1]  }
0x3: {  	s3 =	srdreg.scid;
	s0 =	stileid.u32;
	s20 =	simm.s32 $0x3  }
0x4: {  	s21 =	simm.s32 $0x2800;
	s22 =	simm.s32 $0x0;
	s5 =	sand.u32 $0x1, s3  }
0x5: {  	s4 =	sshll.u32 s0, $0x1;
	s7 =	smul.u32 $0x280, s0;
	s3 =	simm.s32 $0x0  }
0x6: {  	s30 =	sadd.s32 $0x36A00, s6;
	s8 =	sor.u32 s5, s4;
	s9 =	smul.u32 $0x2710, s5  }
0x7: {  	[smem:$0x7FF] =	sst s3;
	s4 =	sadd.s32 $0xA800, s6;
	s11 =	ssub.s32 $0x2, s5  }
0x8: {  	s10 =	smul.u32 $0x280, s8;
	s7 =	smin.u32 s7, $0x2490;
	_ =	strace $0x8000004A  }
0x9: {  	[dreg:$0x3] =	wrdreg s30;
	s31 =	sshrl.u32 s11, $0x1;
	p0 =	seq.s32 s8, $0x1F  }
0xa: {  	s9 =	sadd.s32 s9, s7;
	s7 =	sshll.u32 s7, $0x7;
	s19 =	ssub.s32 s11, s31  }
0xb: {  	s10 =	sadd.s32 s10, s6;
	s9 =	sshll.u32 s9, $0x4;
	s7 =	sadd.s32 s7, s2  }
0xc: {  	s19 =	smax.u32 s19, $0x1;
	s18 =	sadd.s32 s9, s6;
	s6 =	simm.s32 $0xA  }
0xd: {  	s8 =	sadd.s32 $0x31A00, s10;
	s9 =	sadd.s32 $0x3A00, s10;
	s10 =	sadd.s32 $0x4000, s7  }
0xe: {  	s11 =	sadd.s32 $0x8000, s7;
	s12 =	sadd.s32 $0xC000, s7;
	s13 =	sadd.s32 $0x10000, s7  }
0xf: {  	s6 =	simm.s32 @!p0 $0x28;
	s14 =	sadd.s32 $0x37200, s18;
	s15 =	sadd.s32 $0x37A00, s18  }
0x10: {  	s16 =	sadd.s32 $0x38200, s18;
	s17 =	sadd.s32 $0x38A00, s18;
	s18 =	sadd.s32 $0x39200, s18  }
.LBB2_1:
0x11: {  	[tilespmem:s3], [sflag:$0x3] =	stream.linear.gather [hbm4b:s8+s3], $0x1400, $0x38;
	[tilespmem:$0x1E080] =	vst v63  }
0x12: {  	_ =	swait.ge [sflag:s20], $0x1400  }
0x13: {  	[sflag:s20] =	ssyncset.done $0x0  }
0x14: {  	s23 =	simm.s32 $0x1400;
	[sflag:s20] =	ssyncadd.s32 $0xFFFFEC00  }
0x15: {  	[tilespmem:s23], [sflag:$0x3] =	stream.linear.gather [hbm4b:s9+s3], $0x1400, $0x38;
	[tilespmem:$0x1E080] =	vst v63  }
0x16: {  	_ =	swait.ge [sflag:s20], $0x1400  }
0x17: {  	[sflag:s20] =	ssyncset.done $0x0  }
0x18: {  	s0 =	rddreg [dreg:$0x3];
	[sflag:s20] =	ssyncadd.s32 $0xFFFFEC00  }
0x19: {  	[tilespmem:s21], [sflag:$0x3] =	stream.linear.gather [hbm4b:s0+s3], $0x4000, $0x38;
	[tilespmem:$0x1E080] =	vst v63  }
0x1a: {  	_ =	swait.ge [sflag:s20], $0x4000  }
0x1b: {  	[sflag:s20] =	ssyncset.done $0x0  }
0x1c: {  	[sflag:s20] =	ssyncadd.s32 $0xFFFFC000  }
0x1d: {  	[spmem:s7] =	stream.linear.scatter [tilespmem:s21], [sflag:$0x3], $0x4000, $0x38;
	[tilespmem:$0x1E080] =	vst v63  }
0x1e: {  	_ =	swait.ge [sflag:s20], $0x4000  }
0x1f: {  	[sflag:s20] =	ssyncset.done $0x0  }
0x20: {  	[sflag:s20] =	ssyncadd.s32 $0xFFFFC000  }
0x21: {  	[spmem:s10] =	stream.linear.scatter [tilespmem:s21], [sflag:$0x3], $0x4000, $0x38;
	[tilespmem:$0x1E080] =	vst v63  }
0x22: {  	_ =	swait.ge [sflag:s20], $0x4000  }
0x23: {  	[sflag:s20] =	ssyncset.done $0x0  }
0x24: {  	[sflag:s20] =	ssyncadd.s32 $0xFFFFC000  }
0x25: {  	[spmem:s11] =	stream.linear.scatter [tilespmem:s21], [sflag:$0x3], $0x4000, $0x38;
	[tilespmem:$0x1E080] =	vst v63  }
0x26: {  	_ =	swait.ge [sflag:s20], $0x4000  }
0x27: {  	[sflag:s20] =	ssyncset.done $0x0  }
0x28: {  	[sflag:s20] =	ssyncadd.s32 $0xFFFFC000  }
0x29: {  	[spmem:s12] =	stream.linear.scatter [tilespmem:s21], [sflag:$0x3], $0x4000, $0x38;
	[tilespmem:$0x1E080] =	vst v63  }
0x2a: {  	_ =	swait.ge [sflag:s20], $0x4000  }
0x2b: {  	[sflag:s20] =	ssyncset.done $0x0  }
0x2c: {  	[sflag:s20] =	ssyncadd.s32 $0xFFFFC000  }
0x2d: {  	[spmem:s13] =	stream.linear.scatter [tilespmem:s21], [sflag:$0x3], $0x4000, $0x38;
	[tilespmem:$0x1E080] =	vst v63  }
0x2e: {  	_ =	swait.ge [sflag:s20], $0x4000  }
0x2f: {  	p1 =	sle.u32 s6, $0x0;
	[sflag:s20] =	ssyncset.done $0x0  }
0x30: {  	p0 =	sle.u32 s6, $0x1;
	s24 =	simm.s32 @!p1 $0x80;
	[sflag:s20] =	ssyncadd.s32 $0xFFFFC000  }
0x31: {  	s25 =	simm.s32 @!p1 $0x2800;
	s26 =	simm.s32 @!p1 $0x1;
	[bflag:$0x0] =	sbarrier.arrive $0xFFFF  }
0x32: {  	[tilespmem:s25], [sflag:$0x1] =	stream.indirect.gather @!p1 [hbm4b:s4+s24], $0x80, s3, s24, $0xb8;
	[tilespmem:$0x1E080] =	vst v63  }
0x33: {  	s28 =	simm.s32 @!p0 $0x80;
	s29 =	simm.s32 @!p0 $0x80;
	s30 =	simm.s32 @!p0 $0x6800  }
0x34: {  	[tilespmem:s30], [sflag:$0x2] =	stream.indirect.gather @!p0 [hbm4b:s4+s29], $0x80, s28, s29, $0xb8;
	[tilespmem:$0x1E080] =	vst v63  }
0x35: {  	_ =	swait.ge @!p1 [sflag:s26], $0x4000  }
0x36: {  	[sflag:s26] =	ssyncset.done @!p1 $0x0  }
0x37: {  	s28 =	simm.s32 @!p1 $0x4;
	[sflag:s26] =	ssyncadd.s32 @!p1 $0xFFFFC000  }
0x38: {  	[spmem:s2] =	stream.indirect.scatter.add.f32 @!p1 [tilespmem:s25], [sflag:$0x4], $0x80, s23, s24, $0xb8;
	[tilespmem:$0x1E080] =	vst v63  }
0x39: {  	_ =	swait.ge @!p1 [sflag:s28], $0x4000  }
0x3a: {  	p0 =	por p0, p0;
	[sflag:s28] =	ssyncset.done @!p1 $0x0  }
0x3b: {  	s23 =	simm.s32 @!p0 $0x2;
	[sflag:s28] =	ssyncadd.s32 @!p1 $0xFFFFC000  }
0x3c: {  	p2 =	sle.u32 s6, $0x3;
	_ =	swait.ge @!p0 [sflag:s23], $0x4000  }
0x3d: {  	s26 =	simm.s32 @!p0 $0x3;
	s25 =	simm.s32 $0x5;
	[sflag:s23] =	ssyncset.done @!p0 $0x0  }
0x3e: {  	s24 =	simm.s32 $0x100;
	[sflag:s23] =	ssyncadd.s32 @!p0 $0xFFFFC000;
	s23 =	simm.s32 @!p0 $0x1480  }
0x3f: {  	[spmem:s2] =	stream.indirect.scatter.add.f32 @!p0 [tilespmem:s30], [sflag:$0x3], $0x80, s23, s29, $0xb8;
	[tilespmem:$0x1E080] =	vst v63  }
0x40: {  	p1 =	sle.u32 s6, $0x2;
	s23 =	simm.s32 $0x1500;
	_ =	swait.ge @!p0 [sflag:s26], $0x4000  }
.LBB2_2:
0x41: {  	s28 =	simm.s32 @!p1 $0x80;
	s29 =	simm.s32 @!p1 $0x2800  }
0x42: {  	[sflag:s26] =	ssyncset.done @!p0 $0x0;
	s30 =	smov.u32 s25;
	s31 =	smov.u32 s23  }
0x43: {  	s25 =	sadd.s32 $0x2, s25;
	s0 =	simm.s32 @!p1 $0x1;
	[sflag:s26] =	ssyncadd.s32 @!p0 $0xFFFFC000  }
0x44: {  	[tilespmem:s29], [sflag:$0x1] =	stream.indirect.gather @!p1 [hbm4b:s4+s28], $0x80, s24, s28, $0xb8;
	[tilespmem:$0x1E080] =	vst v63  }
0x45: {  	s1 =	simm.s32 @!p2 $0x80;
	s5 =	simm.s32 @!p2 $0x6800;
	s26 =	sadd.s32 @!p2 $0x80, s24  }
0x46: {  	[tilespmem:s5], [sflag:$0x2] =	stream.indirect.gather @!p2 [hbm4b:s4+s1], $0x80, s26, s1, $0xb8;
	[tilespmem:$0x1E080] =	vst v63  }
0x47: {  	p3 =	sne.s32 s25, $0x29;
	p0 =	por p2, p2;
	_ =	swait.ge @!p1 [sflag:s0], $0x4000  }
0x48: {  	s26 =	simm.s32 @!p1 $0x4;
	[sflag:s0] =	ssyncset.done @!p1 $0x0  }
0x49: {  	[sflag:s0] =	ssyncadd.s32 @!p1 $0xFFFFC000  }
0x4a: {  	[spmem:s2] =	stream.indirect.scatter.add.f32 @!p1 [tilespmem:s29], [sflag:$0x4], $0x80, s23, s28, $0xb8;
	[tilespmem:$0x1E080] =	vst v63  }
0x4b: {  	_ =	swait.ge @!p1 [sflag:s26], $0x4000  }
0x4c: {  	[sflag:s26] =	ssyncset.done @!p1 $0x0  }
0x4d: {  	s0 =	simm.s32 @!p0 $0x2;
	[sflag:s26] =	ssyncadd.s32 @!p1 $0xFFFFC000  }
.Ltmp0:
0x4e: {  	s24 =	sadd.s32 $0x100, s24;
	_ =	swait.ge @!p0 [sflag:s0], $0x4000;
	(pc) =	sbr.rel @p3 .LBB2_2-.Ltmp0, $4  }
0x4f: {  	s23 =	sadd.s32 $0x100, s23;
	s26 =	simm.s32 @!p0 $0x3;
	[sflag:s0] =	ssyncset.done @!p0 $0x0  }
0x50: {  	s28 =	sadd.s32 $0xFFFFFFFF, s30;
	[sflag:s0] =	ssyncadd.s32 @!p0 $0xFFFFC000;
	s0 =	sadd.s32 @!p0 $0x80, s31  }
0x51: {  	[spmem:s2] =	stream.indirect.scatter.add.f32 @!p0 [tilespmem:s5], [sflag:$0x3], $0x80, s0, s1, $0xb8;
	[tilespmem:$0x1E080] =	vst v63  }
0x52: {  	p2 =	sge.u32 s30, s6;
	p1 =	sge.u32 s28, s6;
	_ =	swait.ge @!p0 [sflag:s26], $0x4000  }
0x53: {  	s0 =	simm.s32 @!p1 $0x80;
	[sflag:s26] =	ssyncset.done @!p0 $0x0  }
0x54: {  	s1 =	simm.s32 @!p1 $0x2800;
	s5 =	simm.s32 @!p1 $0x1;
	[sflag:s26] =	ssyncadd.s32 @!p0 $0xFFFFC000  }
0x55: {  	[tilespmem:s1], [sflag:$0x1] =	stream.indirect.gather @!p1 [hbm4b:s4+s0], $0x80, s24, s0, $0xb8;
	[tilespmem:$0x1E080] =	vst v63  }
0x56: {  	s25 =	simm.s32 @!p2 $0x80;
	s26 =	simm.s32 @!p2 $0x6800;
	s24 =	sadd.s32 @!p2 $0x80, s24  }
0x57: {  	[tilespmem:s26], [sflag:$0x2] =	stream.indirect.gather @!p2 [hbm4b:s4+s25], $0x80, s24, s25, $0xb8;
	[tilespmem:$0x1E080] =	vst v63  }
0x58: {  	_ =	swait.ge @!p1 [sflag:s5], $0x4000  }
0x59: {  	[sflag:s5] =	ssyncset.done @!p1 $0x0  }
0x5a: {  	s24 =	simm.s32 @!p1 $0x4;
	[sflag:s5] =	ssyncadd.s32 @!p1 $0xFFFFC000  }
0x5b: {  	[spmem:s2] =	stream.indirect.scatter.add.f32 @!p1 [tilespmem:s1], [sflag:$0x4], $0x80, s23, s0, $0xb8;
	[tilespmem:$0x1E080] =	vst v63  }
0x5c: {  	_ =	swait.ge @!p1 [sflag:s24], $0x4000  }
0x5d: {  	p0 =	por p2, p2;
	[sflag:s24] =	ssyncset.done @!p1 $0x0  }
0x5e: {  	s0 =	simm.s32 @!p0 $0x2;
	[sflag:s24] =	ssyncadd.s32 @!p1 $0xFFFFC000  }
0x5f: {  	_ =	swait.ge @!p0 [sflag:s0], $0x4000  }
0x60: {  	[sflag:s0] =	ssyncset.done @!p0 $0x0  }
0x61: {  	s1 =	simm.s32 @!p0 $0x3;
	[sflag:s0] =	ssyncadd.s32 @!p0 $0xFFFFC000;
	s0 =	sadd.s32 @!p0 $0x80, s23  }
0x62: {  	[spmem:s2] =	stream.indirect.scatter.add.f32 @!p0 [tilespmem:s26], [sflag:$0x3], $0x80, s0, s25, $0xb8;
	[tilespmem:$0x1E080] =	vst v63  }
0x63: {  	_ =	swait.ge @!p0 [sflag:s1], $0x4000  }
0x64: {  	[sflag:s1] =	ssyncset.done @!p0 $0x0  }
0x65: {  	[sflag:s1] =	ssyncadd.s32 @!p0 $0xFFFFC000  }
0x66: {  	[bflag:$0x0] =	sbarrier.arrive $0xFFFF  }
0x67: {  	[tilespmem:s21], [sflag:$0x3] =	stream.linear.gather [spmem:s7], $0x4000, $0x38;
	[tilespmem:$0x1E080] =	vst v63  }
0x68: {  	_ =	swait.ge [sflag:s20], $0x4000  }
0x69: {  	[sflag:s20] =	ssyncset.done $0x0  }
0x6a: {  	[sflag:s20] =	ssyncadd.s32 $0xFFFFC000  }
0x6b: {  	[hbm4b:s14+s3] =	stream.linear.scatter [tilespmem:s21], [sflag:$0x3], $0x4000, $0x38;
	[tilespmem:$0x1E080] =	vst v63  }
0x6c: {  	_ =	swait.ge [sflag:s20], $0x4000  }
0x6d: {  	[sflag:s20] =	ssyncset.done $0x0  }
0x6e: {  	[sflag:s20] =	ssyncadd.s32 $0xFFFFC000  }
0x6f: {  	[tilespmem:s21], [sflag:$0x3] =	stream.linear.gather [spmem:s10], $0x4000, $0x38;
	[tilespmem:$0x1E080] =	vst v63  }
0x70: {  	_ =	swait.ge [sflag:s20], $0x4000  }
0x71: {  	[sflag:s20] =	ssyncset.done $0x0  }
0x72: {  	[sflag:s20] =	ssyncadd.s32 $0xFFFFC000  }
0x73: {  	[hbm4b:s15+s3] =	stream.linear.scatter [tilespmem:s21], [sflag:$0x3], $0x4000, $0x38;
	[tilespmem:$0x1E080] =	vst v63  }
0x74: {  	_ =	swait.ge [sflag:s20], $0x4000  }
0x75: {  	[sflag:s20] =	ssyncset.done $0x0  }
0x76: {  	[sflag:s20] =	ssyncadd.s32 $0xFFFFC000  }
0x77: {  	[tilespmem:s21], [sflag:$0x3] =	stream.linear.gather [spmem:s11], $0x4000, $0x38;
	[tilespmem:$0x1E080] =	vst v63  }
0x78: {  	_ =	swait.ge [sflag:s20], $0x4000  }
0x79: {  	[sflag:s20] =	ssyncset.done $0x0  }
0x7a: {  	[sflag:s20] =	ssyncadd.s32 $0xFFFFC000  }
0x7b: {  	[hbm4b:s16+s3] =	stream.linear.scatter [tilespmem:s21], [sflag:$0x3], $0x4000, $0x38;
	[tilespmem:$0x1E080] =	vst v63  }
0x7c: {  	_ =	swait.ge [sflag:s20], $0x4000  }
0x7d: {  	[sflag:s20] =	ssyncset.done $0x0  }
0x7e: {  	[sflag:s20] =	ssyncadd.s32 $0xFFFFC000  }
0x7f: {  	[tilespmem:s21], [sflag:$0x3] =	stream.linear.gather [spmem:s12], $0x4000, $0x38;
	[tilespmem:$0x1E080] =	vst v63  }
0x80: {  	_ =	swait.ge [sflag:s20], $0x4000  }
0x81: {  	[sflag:s20] =	ssyncset.done $0x0  }
0x82: {  	[sflag:s20] =	ssyncadd.s32 $0xFFFFC000  }
0x83: {  	[hbm4b:s17+s3] =	stream.linear.scatter [tilespmem:s21], [sflag:$0x3], $0x4000, $0x38;
	[tilespmem:$0x1E080] =	vst v63  }
0x84: {  	_ =	swait.ge [sflag:s20], $0x4000  }
0x85: {  	[sflag:s20] =	ssyncset.done $0x0  }
0x86: {  	[sflag:s20] =	ssyncadd.s32 $0xFFFFC000  }
0x87: {  	[tilespmem:s21], [sflag:$0x3] =	stream.linear.gather [spmem:s13], $0x4000, $0x38;
	[tilespmem:$0x1E080] =	vst v63  }
0x88: {  	s22 =	sadd.s32 $0x1, s22;
	_ =	swait.ge [sflag:s20], $0x4000  }
0x89: {  	p0 =	sne.s32 s22, s19;
	[sflag:s20] =	ssyncset.done $0x0  }
.Ltmp1:
0x8a: {  	[sflag:s20] =	ssyncadd.s32 $0xFFFFC000;
	(pc) =	sbr.rel @p0 .LBB2_1-.Ltmp1, $4  }
0x8b: {  	[hbm4b:s18+s3] =	stream.linear.scatter [tilespmem:s21], [sflag:$0x3], $0x4000, $0x38;
	[tilespmem:$0x1E080] =	vst v63  }
0x8c: {  	_ =	swait.ge [sflag:s20], $0x4000  }
0x8d: {  	[sflag:s20] =	ssyncset.done $0x0  }
0x8e: {  	[sflag:s20] =	ssyncadd.s32 $0xFFFFC000  }
0x8f: {  	_ =	sfence.sel $0x180000  }
0x90: {  	[bflag:$0x0] =	sbarrier.arrive $0xFFFF  }
0x91: {  	_ =	strace $0x9000004A  }
0x92: {  	s0 =	stileid.u32;
	[bflag:$0x2] =	sbarrier.arrive $0xFFFF  }
0x93: {  	p0 =	sne.s32 s0, $0x0;
	s0 =	rddreg [dreg:$0x2]  }
0x94: {  	s0 =	sadd.s32 @!p0 $0x100000, s0  }
0x95: {  	[sflag:s0] =	ssyncadd.tile.s32 @!p0 $0x1;
	_ =	shalt  }
.Lfunc_end2:
_tile_overlayer_lowered:
.L_overlay_start_2:
0x96: {  	(tag) =	ssettag $0x2  }
0x97: {  	s0 =	rddreg [dreg:$0x0];
	s2 =	stileid.u32  }
0x98: {  	s1 =	rddreg [dreg:$0x1];
	p0 =	sne.s32 s2, $0x0  }
0x99: {  	s3 =	rddreg [dreg:$0x2];
	[bflag:$0x3] =	sbarrier.arrive $0xFFFF;
	s2 =	simm.s32 @!p0 $0x1C03  }
0x9a: {  	[timem:s3], [sflag:s2] =	dma.local @!p0 [hbm:s0], s1  }
0x9b: {  	s0 =	simm.s32 @!p0 $0x3  }
0x9c: {  	_ =	swait.ge @!p0 [sflag:s0], s1  }
0x9d: {  	s1 =	ssub.s32 @!p0 $0x0, s1;
	[sflag:s0] =	ssyncset.done @!p0 $0x0  }
0x9e: {  	[sflag:s0] =	ssyncadd.s32 @!p0 s1  }
0x9f: {  	[bflag:$0x3] =	sbarrier.arrive $0xFFFF  }
0xa0: {  	_ =	shalt  }

// kernel: kernel.14.cloned.1.call-start
scs
__scs_entry_jumppad:
0x0: {  	(pc) =	sbr.rel $0x88, $3  }
0x1: {  	(tag) =	ssettag $0x0;
	lr =	simm.s32 $0x1  }
0x2: {  	[smem:$0x3F8E] =	sst lr;
	_ =	strace $0xD0000000  }
0x3: {  	_ = 	snop  }
0x4: {  	_ = 	snop  }
0x5: {  	_ = 	snop  }
0x6: {  	_ = 	snop  }
0x7: {  	_ = 	snop  }
__scs_overlays_trampoline_lowered:
0x8: {  	[smem:$0x3F9D] =	sst s0  }
0x9: {  	[smem:$0x3F9E] =	sst s1  }
0xa: {  	[smem:$0x3F9F] =	sst s2  }
0xb: {  	[smem:$0x3FA0] =	sst s3  }
0xc: {  	[smem:$0x3FA1] =	sst s4  }
0xd: {  	[smem:$0x3FA2] =	sst s5  }
0xe: {  	[smem:$0x3FA3] =	sst s6  }
0xf: {  	[smem:$0x3FA4] =	sst s7  }
0x10: {  	[smem:$0x3FA5] =	sst s8  }
0x11: {  	[smem:$0x3FA6] =	sst s9;
	s0 =	simm.s32 @!p0 $0x0  }
0x12: {  	s1 =	sld [smem:$0x3F8C];
	s0 =	simm.s32 @p0 $0x1  }
0x13: {  	[smem:$0x3FA7] =	sst s0;
	s0 =	simm.s32 @!p1 $0x0  }
0x14: {  	s2 =	sld [smem:$0x3F8B];
	s0 =	simm.s32 @p1 $0x1  }
0x15: {  	[smem:$0x3FA8] =	sst s0;
	s0 =	simm.s32 @!p2 $0x0  }
0x16: {  	s3 =	sld [smem:$0x3FDB];
	s0 =	simm.s32 @p2 $0x1  }
0x17: {  	s4 =	simm.s32 $0x1BF5;
	[smem:$0x3FAA] =	sst s0  }
0x18: {  	s0 =	sld [smem:$0x3F8D];
	_ =	swait.ge [sflag:s4], $0x0  }
0x19: {  	s7 =	sld [smem:$0x3F8E]  }
0x1a: {  	s8 =	sadd.s32 $0xFFFFE003, lr  }
0x1b: {  	s9 =	sadd.s32 $0xFFFFFEF7, lr;
	s5 =	simm.s32 $0xFFFFFFFF;
	p2 =	slt.u32 s8, $0xFFFFF086  }
0x1c: {  	p1 =	slt.u32 s9, $0xF7A;
	s5 =	simm.s32 @!p2 $0x0  }
0x1d: {  	s5 =	simm.s32 @p1 $0x1;
	p0 =	seq.s32 s7, s2  }
0x1e: {  	s7 =	smul.u32 @!p0 $0xF7A, s2;
	p2 =	seq.s32 @!p0 s5, $0x0  }
0x1f: {  	s9 =	smul.u32 $0xF7A, s1;
	s8 =	simm.s32 @!p0 $0x1BF5;
	p2 =	por !p2, p0  }
0x20: {  	[sflag:s8] =	ssyncset.s32 @!p0 $0xFFFFF086;
	s6 =	sadd.s32 @!p0 s3, s7;
	s7 =	simm.s32 @!p0 $0x108  }
0x21: {  	s3 =	sadd.s32 s3, s9;
	s6 =	sadd.s32 @!p0 $0x88, s6;
	s7 =	simm.s32 @p2 $0x1082  }
0x22: {  	[simem:s7], [sflag:s8] =	dma.local @!p0 [hbm:s6], $0xF7A  }
0x23: {  	s9 =	sor.u32 $0xD0000000, s2;
	s6 =	simm.s32 $0x108;
	_ =	swait.ge @!p0 [sflag:s8], $0x0  }
0x24: {  	s3 =	sadd.s32 $0x88, s3;
	s6 =	simm.s32 @!p1 $0x1082;
	[sflag:s4] =	ssyncset.s32 $0xFFFFF086  }
0x25: {  	[simem:s6], [sflag:s4] =	dma.local [hbm:s3], $0xF7A  }
0x26: {  	[smem:$0x3F8E] =	sst s1;
	(tag) =	ssettag s2;
	_ =	strace s9  }
0x27: {  	s1 =	sld [smem:$0x3F9E]  }
0x28: {  	s2 =	sld [smem:$0x3F9F]  }
0x29: {  	s4 =	sld [smem:$0x3FA1]  }
0x2a: {  	p0 =	seq.s32 s5, $0x0;
	s5 =	sld [smem:$0x3FA2]  }
0x2b: {  	s6 =	sld [smem:$0x3FA3]  }
0x2c: {  	s7 =	sld [smem:$0x3FA4]  }
0x2d: {  	s3 =	simm.s32 $0x108;
	s8 =	sld [smem:$0x3FA5]  }
0x2e: {  	s3 =	simm.s32 @!p0 $0x1082;
	s9 =	sld [smem:$0x3FA6]  }
0x2f: {  	lr =	sadd.s32 s0, s3;
	s0 =	sld [smem:$0x3F9D]  }
0x30: {  	s3 =	sld [smem:$0x3FA0]  }
0x31: {  	[smem:$0x3FA9] =	sst s10  }
0x32: {  	s10 =	sld [smem:$0x3FA7];
	_ =	sdelay $0x3  }
0x33: {  	p0 =	seq.s32 s10, $0x1;
	s10 =	sld [smem:$0x3FA9];
	_ =	sdelay $0x3  }
0x34: {  	[smem:$0x3FA9] =	sst s10  }
0x35: {  	s10 =	sld [smem:$0x3FA8];
	_ =	sdelay $0x3  }
0x36: {  	p1 =	seq.s32 s10, $0x1;
	s10 =	sld [smem:$0x3FA9];
	_ =	sdelay $0x3  }
0x37: {  	[smem:$0x3FA9] =	sst s10  }
0x38: {  	s10 =	sld [smem:$0x3FAA]  }
0x39: {  	_ = 	snop;
	(pc) =	sbr.ind lr, $3  }
0x3a: {  	_ = 	snop  }
0x3b: {  	_ = 	snop  }
0x3c: {  	p2 =	seq.s32 s10, $0x1;
	s10 =	sld [smem:$0x3FA9]  }
0x3d: {  	_ =	shalt  }
0x3e: {  	_ =	shalt  }
0x3f: {  	_ =	shalt  }
0x40: {  	_ =	shalt  }
0x41: {  	_ =	shalt  }
0x42: {  	_ =	shalt  }
0x43: {  	_ =	shalt  }
0x44: {  	_ =	shalt  }
0x45: {  	_ =	shalt  }
0x46: {  	_ =	shalt  }
0x47: {  	_ =	shalt  }
0x48: {  	_ =	shalt  }
0x49: {  	_ =	shalt  }
0x4a: {  	_ =	shalt  }
0x4b: {  	_ =	shalt  }
0x4c: {  	_ =	shalt  }
0x4d: {  	_ =	shalt  }
0x4e: {  	_ =	shalt  }
0x4f: {  	_ =	shalt  }
0x50: {  	_ =	shalt  }
0x51: {  	_ =	shalt  }
0x52: {  	_ =	shalt  }
0x53: {  	_ =	shalt  }
0x54: {  	_ =	shalt  }
0x55: {  	_ =	shalt  }
0x56: {  	_ =	shalt  }
0x57: {  	_ =	shalt  }
0x58: {  	_ =	shalt  }
0x59: {  	_ =	shalt  }
0x5a: {  	_ =	shalt  }
0x5b: {  	_ =	shalt  }
0x5c: {  	_ =	shalt  }
0x5d: {  	_ =	shalt  }
0x5e: {  	_ =	shalt  }
0x5f: {  	_ =	shalt  }
0x60: {  	_ =	shalt  }
0x61: {  	_ =	shalt  }
0x62: {  	_ =	shalt  }
0x63: {  	_ =	shalt  }
0x64: {  	_ =	shalt  }
0x65: {  	_ =	shalt  }
0x66: {  	_ =	shalt  }
0x67: {  	_ =	shalt  }
0x68: {  	_ =	shalt  }
0x69: {  	_ =	shalt  }
0x6a: {  	_ =	shalt  }
0x6b: {  	_ =	shalt  }
0x6c: {  	_ =	shalt  }
0x6d: {  	_ =	shalt  }
0x6e: {  	_ =	shalt  }
0x6f: {  	_ =	shalt  }
0x70: {  	_ =	shalt  }
0x71: {  	_ =	shalt  }
0x72: {  	_ =	shalt  }
0x73: {  	_ =	shalt  }
0x74: {  	_ =	shalt  }
0x75: {  	_ =	shalt  }
0x76: {  	_ =	shalt  }
0x77: {  	_ =	shalt  }
0x78: {  	_ =	shalt  }
0x79: {  	_ =	shalt  }
0x7a: {  	_ =	shalt  }
0x7b: {  	_ =	shalt  }
0x7c: {  	_ =	shalt  }
0x7d: {  	_ =	shalt  }
0x7e: {  	_ =	shalt  }
0x7f: {  	_ =	shalt  }
0x80: {  	_ =	shalt  }
0x81: {  	_ =	shalt  }
0x82: {  	_ =	shalt  }
0x83: {  	_ =	shalt  }
0x84: {  	_ =	shalt  }
0x85: {  	_ =	shalt  }
0x86: {  	_ =	shalt  }
0x87: {  	_ =	shalt  }
.Lfunc_end0:
.L_simem_size_0:
called_computation.2_lowered:
.L_overlay_start_0:
0x88: {  	s2 =	sld [smem:$0x3FD9]  }
0x89: {  	s3 =	sld [smem:$0x3FFE];
	_ =	sdelay $0x1  }
0x8a: {  	s1 =	srdreg.scid  }
0x8b: {  	s0 =	sand.u32 $0x1, s1  }
0x8c: {  	s17 =	sshll.u32 s0, $0xA;
	s2 =	sadd.s32 s3, s2  }
0x8d: {  	s2 =	sadd.s32 s2, s17  }
0x8e: {  	[smem:$0x3FB5] =	sst s2  }
0x8f: {  	_ = 	snop  }
0x90: {  	s18 =	sld [smem:$0x3FD0];
	(tm) =	ssettm $0x1  }
0x91: {  	s19 =	sld [smem:$0x3FFB];
	_ =	sdelay $0x3  }
0x92: {  	_ =	strace s19  }
0x93: {  	s2 =	sld [smem:$0x3FFC];
	_ =	sdelay $0x3  }
0x94: {  	_ =	strace s2  }
0x95: {  	s2 =	sld [smem:$0x3FFD];
	_ =	sdelay $0x3  }
0x96: {  	_ =	strace s2  }
0x97: {  	_ =	strace $0x8FFFFFFF  }
0x98: {  	s20 =	sld [smem:$0x3FDB];
	_ =	sdelay $0x1  }
0x99: {  	s4 =	simm.s32 $_scs_section_size  }
0x9a: {  	s5 =	simm.s32 $_size__tile_overlayer_lowered;
	s6 =	simm.s32 $_tile_overlayer_lowered  }
0x9b: {  	s7 =	simm.s32 $0x1BFF;
	s21 =	sshll.u32 s6, $0x1;
	s4 =	sadd.s32 s4, s20  }
0x9c: {  	s22 =	simm.s32 $0x0;
	s5 =	sshll.u32 s5, $0x1;
	s6 =	sadd.s32 s21, s4  }
0x9d: {  	[timem:s22], [sflag:s7] =	dma.local [hbm:s6], s5  }
0x9e: {  	_ =	swait.ge [sflag:s7], s5  }
0x9f: {  	s5 =	ssub.s32 $0x0, s5;
	[sflag:s7] =	ssyncset.done $0x0  }
0xa0: {  	[sflag:s7] =	ssyncadd.s32 s5;
	_ =	sdelay $0x1  }
0xa1: {  	s23 =	simm.s32 $0x1B8B  }
0xa2: {  	_ =	swait.ge [sflag:s23], $0x1  }
0xa3: {  	[sflag:s23] =	ssyncset.done $0x0  }
0xa4: {  	[sflag:s23] =	ssyncadd.s32 $0xFFFFFFFF  }
0xa5: {  	s5 =	sld [smem:$0x0]  }
0xa6: {  	s6 =	sand.u32 $0xFFFFFFFE, s1  }
0xa7: {  	p0 =	sne.s32 s1, s6  }
0xa8: {  	s6 =	sshll.u32 @p0 s6, $0xE  }
0xa9: {  	s6 =	sadd.s32 @p0 $0x11B8D, s6;
	s7 =	sshll.u32 @p0 s5, $0x11  }
0xaa: {  	s6 =	sor.u32 @p0 s7, s6  }
0xab: {  	[sflag:s6] =	ssyncadd.remote.s32 @p0 $0x1;
	_ =	sdelay $0x1  }
0xac: {  	s6 =	simm.s32 @p0 $0x1B8D  }
0xad: {  	_ =	swait.eq @p0 [sflag:s6], $0x1  }
0xae: {  	[sflag:s6] =	ssyncadd.s32 @p0 $0xFFFFFFFF  }
0xaf: {  	s7 =	sshll.u32 @!p0 s1, $0xE  }
0xb0: {  	s7 =	sor.u32 @!p0 $0x4000, s7;
	s6 =	simm.s32 @!p0 $0x1B8D  }
0xb1: {  	s5 =	sshll.u32 @!p0 s5, $0x11;
	s7 =	sadd.s32 @!p0 $0x11B8D, s7;
	_ =	swait.eq @!p0 [sflag:s6], $0x1  }
0xb2: {  	s5 =	sor.u32 @!p0 s5, s7;
	[sflag:s6] =	ssyncadd.s32 @!p0 $0xFFFFFFFF  }
0xb3: {  	s25 =	simm.s32 $0x1B8E;
	s24 =	sld [smem:$0x3FFE];
	[sflag:s5] =	ssyncadd.remote.s32 @!p0 $0x1  }
0xb4: {  	s26 =	simm.s32 $execute0_lowered;
	[smem:$0x3FD2] =	sst s25  }
0xb5: {  	s6 =	sshll.u32 s26, $0x1;
	_ =	strace $0x8000004C;
	[dreg:$0x1] =	wrdreg $0xFFFFFFFF  }
0xb6: {  	s28 =	simm.s32 $_size_execute0_lowered;
	s4 =	sadd.s32 s4, s6;
	[dreg:$0x0] =	wrdreg $0x0  }
0xb7: {  	s6 =	sshll.u32 s28, $0x1;
	[dreg:$0x2] =	wrdreg s4  }
0xb8: {  	[dreg:$0x3] =	wrdreg s6  }
0xb9: {  	[dreg:$0x4] =	wrdreg $0xC0  }
0xba: {  	_ =	task [dreg:s22], $0x5FFFF  }
0xbb: {  	[dreg:$0x1] =	wrdreg $0xFFFFFFFF  }
0xbc: {  	[dreg:$0x0] =	wrdreg $0x60  }
0xbd: {  	[dreg:$0x2] =	wrdreg s18  }
0xbe: {  	[dreg:$0x3] =	wrdreg s24  }
0xbf: {  	[dreg:$0x4] =	wrdreg $0xA8000  }
0xc0: {  	[dreg:$0x5] =	wrdreg $0xA  }
0xc1: {  	_ =	task.clear_ibuf [dreg:s22], $0x6FFFF;
	_ =	strace $0x9000004C  }
0xc2: {  	s29 =	simm.s32 $0xA;
	_ =	strace $0x8000004E  }
0xc3: {  	_ =	swait.ge [sflag:s29], $0x1  }
0xc4: {  	[sflag:s29] =	ssyncadd.s32 $0xFFFFFFFF  }
0xc5: {  	_ =	strace $0x9000004E  }
0xc6: {  	_ =	sfence  }
0xc7: {  	s30 =	sld [smem:$0x0];
	_ =	sdelay $0x2  }
0xc8: {  	s31 =	sshll.u32 s1, $0xD;
	s1 =	sshrl.u32 s1, $0x2  }
0xc9: {  	s4 =	sand.u32 $0x4000, s31;
	s1 =	sadd.s32 s1, s30  }
0xca: {  	s0 =	sor.u32 s4, s0;
	s1 =	sshll.u32 s1, $0x11  }
0xcb: {  	s0 =	sor.u32 s1, s0  }
0xcc: {  	s0 =	sadd.s32 $0x8F2B, s0  }
0xcd: {  	[sflag:s0] =	ssyncadd.remote.s32 $0x1  }
0xce: {  	_ =	sfence.sel $0xFFFF  }
0xcf: {  	[dreg:$0x0] =	wrdreg $0xFFFFFFFF;
	(pc) =	sbr.abs _section_cstart, $3  }
0xd0: {  	[dreg:$0x1] =	wrdreg $0xFFFFFFFF  }
0xd1: {  	_ =	task.clear_ibuf [dreg:s22], $0x2FFFF;
	_ =	strace $0x9FFFFFFF  }
0xd2: {  	(tm) =	ssettm $0x7FFFFFFF  }
0xd3: {  	_ =	shalt  }
tec
execute0_lowered:
.L_overlay_start_1:
0x0: {  	(tag) =	ssettag $0x1  }
0x1: {  	s1 =	rddreg [dreg:$0x0]  }
0x2: {  	s6 =	rddreg [dreg:$0x1]  }
0x3: {  	s3 =	rddreg [dreg:$0x2]  }
0x4: {  	s4 =	srdreg.scid;
	s0 =	stileid.u32  }
0x5: {  	s20 =	simm.s32 $0x3;
	s21 =	simm.s32 $0x2800;
	s22 =	simm.s32 $0x0  }
0x6: {  	s5 =	sand.u32 $0x1, s4;
	s7 =	sshll.u32 s0, $0x1;
	s8 =	smul.u32 $0x280, s0  }
0x7: {  	s4 =	simm.s32 $0x0;
	s29 =	sadd.s32 $0x36A00, s6;
	s7 =	sor.u32 s5, s7  }
0x8: {  	s9 =	smul.u32 $0x2710, s5;
	[smem:$0x7FF] =	sst s4;
	s11 =	ssub.s32 $0x2, s5  }
0x9: {  	s10 =	smul.u32 $0x280, s7;
	s8 =	smin.u32 s8, $0x2490;
	_ =	strace $0x8000004D  }
0xa: {  	[dreg:$0x4] =	wrdreg s29;
	s30 =	sshrl.u32 s11, $0x1;
	p0 =	seq.s32 s7, $0x1F  }
0xb: {  	s9 =	sadd.s32 s9, s8;
	s31 =	sshll.u32 s8, $0x7;
	s19 =	ssub.s32 s11, s30  }
0xc: {  	s10 =	sadd.s32 s10, s6;
	s9 =	sshll.u32 s9, $0x4;
	s7 =	sadd.s32 s31, s3  }
0xd: {  	s19 =	smax.u32 s19, $0x1;
	s18 =	sadd.s32 s9, s6;
	s6 =	simm.s32 $0xA  }
0xe: {  	s8 =	sadd.s32 $0x31A00, s10;
	s9 =	sadd.s32 $0x3A00, s10;
	s10 =	sadd.s32 $0x4000, s7  }
0xf: {  	s11 =	sadd.s32 $0x8000, s7;
	s12 =	sadd.s32 $0xC000, s7;
	s13 =	sadd.s32 $0x10000, s7  }
0x10: {  	s6 =	simm.s32 @!p0 $0x28;
	s14 =	sadd.s32 $0x85400, s18;
	s15 =	sadd.s32 $0x85C00, s18  }
0x11: {  	s16 =	sadd.s32 $0x86400, s18;
	s17 =	sadd.s32 $0x86C00, s18;
	s18 =	sadd.s32 $0x87400, s18  }
.LBB2_1:
0x12: {  	[tilespmem:s4], [sflag:$0x3] =	stream.linear.gather [hbm4b:s8+s4], $0x1400, $0x38;
	[tilespmem:$0x1E080] =	vst v63  }
0x13: {  	_ =	swait.ge [sflag:s20], $0x1400  }
0x14: {  	[sflag:s20] =	ssyncset.done $0x0  }
0x15: {  	s23 =	simm.s32 $0x1400;
	[sflag:s20] =	ssyncadd.s32 $0xFFFFEC00  }
0x16: {  	[tilespmem:s23], [sflag:$0x3] =	stream.linear.gather [hbm4b:s9+s4], $0x1400, $0x38;
	[tilespmem:$0x1E080] =	vst v63  }
0x17: {  	_ =	swait.ge [sflag:s20], $0x1400  }
0x18: {  	[sflag:s20] =	ssyncset.done $0x0  }
0x19: {  	s0 =	rddreg [dreg:$0x4];
	[sflag:s20] =	ssyncadd.s32 $0xFFFFEC00  }
0x1a: {  	[tilespmem:s21], [sflag:$0x3] =	stream.linear.gather [hbm4b:s0+s4], $0x4000, $0x38;
	[tilespmem:$0x1E080] =	vst v63  }
0x1b: {  	_ =	swait.ge [sflag:s20], $0x4000  }
0x1c: {  	[sflag:s20] =	ssyncset.done $0x0  }
0x1d: {  	[sflag:s20] =	ssyncadd.s32 $0xFFFFC000  }
0x1e: {  	[spmem:s7] =	stream.linear.scatter [tilespmem:s21], [sflag:$0x3], $0x4000, $0x38;
	[tilespmem:$0x1E080] =	vst v63  }
0x1f: {  	_ =	swait.ge [sflag:s20], $0x4000  }
0x20: {  	[sflag:s20] =	ssyncset.done $0x0  }
0x21: {  	[sflag:s20] =	ssyncadd.s32 $0xFFFFC000  }
0x22: {  	[spmem:s10] =	stream.linear.scatter [tilespmem:s21], [sflag:$0x3], $0x4000, $0x38;
	[tilespmem:$0x1E080] =	vst v63  }
0x23: {  	_ =	swait.ge [sflag:s20], $0x4000  }
0x24: {  	[sflag:s20] =	ssyncset.done $0x0  }
0x25: {  	[sflag:s20] =	ssyncadd.s32 $0xFFFFC000  }
0x26: {  	[spmem:s11] =	stream.linear.scatter [tilespmem:s21], [sflag:$0x3], $0x4000, $0x38;
	[tilespmem:$0x1E080] =	vst v63  }
0x27: {  	_ =	swait.ge [sflag:s20], $0x4000  }
0x28: {  	[sflag:s20] =	ssyncset.done $0x0  }
0x29: {  	[sflag:s20] =	ssyncadd.s32 $0xFFFFC000  }
0x2a: {  	[spmem:s12] =	stream.linear.scatter [tilespmem:s21], [sflag:$0x3], $0x4000, $0x38;
	[tilespmem:$0x1E080] =	vst v63  }
0x2b: {  	_ =	swait.ge [sflag:s20], $0x4000  }
0x2c: {  	[sflag:s20] =	ssyncset.done $0x0  }
0x2d: {  	[sflag:s20] =	ssyncadd.s32 $0xFFFFC000  }
0x2e: {  	[spmem:s13] =	stream.linear.scatter [tilespmem:s21], [sflag:$0x3], $0x4000, $0x38;
	[tilespmem:$0x1E080] =	vst v63  }
0x2f: {  	_ =	swait.ge [sflag:s20], $0x4000  }
0x30: {  	p1 =	sle.u32 s6, $0x0;
	[sflag:s20] =	ssyncset.done $0x0  }
0x31: {  	p0 =	sle.u32 s6, $0x1;
	s24 =	simm.s32 @!p1 $0x80;
	[sflag:s20] =	ssyncadd.s32 $0xFFFFC000  }
0x32: {  	s25 =	simm.s32 @!p1 $0x2800;
	s26 =	simm.s32 @!p1 $0x1;
	[bflag:$0x0] =	sbarrier.arrive $0xFFFF  }
0x33: {  	[tilespmem:s25], [sflag:$0x1] =	stream.indirect.gather @!p1 [hbm4b:s1+s24], $0x80, s4, s24, $0xb8;
	[tilespmem:$0x1E080] =	vst v63  }
0x34: {  	s28 =	simm.s32 @!p0 $0x80;
	s29 =	simm.s32 @!p0 $0x80;
	s30 =	simm.s32 @!p0 $0x6800  }
0x35: {  	[tilespmem:s30], [sflag:$0x2] =	stream.indirect.gather @!p0 [hbm4b:s1+s29], $0x80, s28, s29, $0xb8;
	[tilespmem:$0x1E080] =	vst v63  }
0x36: {  	_ =	swait.ge @!p1 [sflag:s26], $0x4000  }
0x37: {  	[sflag:s26] =	ssyncset.done @!p1 $0x0  }
0x38: {  	s28 =	simm.s32 @!p1 $0x4;
	[sflag:s26] =	ssyncadd.s32 @!p1 $0xFFFFC000  }
0x39: {  	[spmem:s3] =	stream.indirect.scatter.add.f32 @!p1 [tilespmem:s25], [sflag:$0x4], $0x80, s23, s24, $0xb8;
	[tilespmem:$0x1E080] =	vst v63  }
0x3a: {  	_ =	swait.ge @!p1 [sflag:s28], $0x4000  }
0x3b: {  	p0 =	por p0, p0;
	[sflag:s28] =	ssyncset.done @!p1 $0x0  }
0x3c: {  	s23 =	simm.s32 @!p0 $0x2;
	[sflag:s28] =	ssyncadd.s32 @!p1 $0xFFFFC000  }
0x3d: {  	p2 =	sle.u32 s6, $0x3;
	_ =	swait.ge @!p0 [sflag:s23], $0x4000  }
0x3e: {  	s26 =	simm.s32 @!p0 $0x3;
	s25 =	simm.s32 $0x5;
	[sflag:s23] =	ssyncset.done @!p0 $0x0  }
0x3f: {  	s24 =	simm.s32 $0x100;
	[sflag:s23] =	ssyncadd.s32 @!p0 $0xFFFFC000;
	s23 =	simm.s32 @!p0 $0x1480  }
0x40: {  	[spmem:s3] =	stream.indirect.scatter.add.f32 @!p0 [tilespmem:s30], [sflag:$0x3], $0x80, s23, s29, $0xb8;
	[tilespmem:$0x1E080] =	vst v63  }
0x41: {  	p1 =	sle.u32 s6, $0x2;
	s23 =	simm.s32 $0x1500;
	_ =	swait.ge @!p0 [sflag:s26], $0x4000  }
.LBB2_2:
0x42: {  	s28 =	simm.s32 @!p1 $0x80;
	s29 =	simm.s32 @!p1 $0x2800  }
0x43: {  	[sflag:s26] =	ssyncset.done @!p0 $0x0;
	s30 =	smov.u32 s25;
	s31 =	smov.u32 s23  }
0x44: {  	s25 =	sadd.s32 $0x2, s25;
	s0 =	simm.s32 @!p1 $0x1;
	[sflag:s26] =	ssyncadd.s32 @!p0 $0xFFFFC000  }
0x45: {  	[tilespmem:s29], [sflag:$0x1] =	stream.indirect.gather @!p1 [hbm4b:s1+s28], $0x80, s24, s28, $0xb8;
	[tilespmem:$0x1E080] =	vst v63  }
0x46: {  	s2 =	simm.s32 @!p2 $0x80;
	s5 =	simm.s32 @!p2 $0x6800;
	s26 =	sadd.s32 @!p2 $0x80, s24  }
0x47: {  	[tilespmem:s5], [sflag:$0x2] =	stream.indirect.gather @!p2 [hbm4b:s1+s2], $0x80, s26, s2, $0xb8;
	[tilespmem:$0x1E080] =	vst v63  }
0x48: {  	p3 =	sne.s32 s25, $0x29;
	p0 =	por p2, p2;
	_ =	swait.ge @!p1 [sflag:s0], $0x4000  }
0x49: {  	s26 =	simm.s32 @!p1 $0x4;
	[sflag:s0] =	ssyncset.done @!p1 $0x0  }
0x4a: {  	[sflag:s0] =	ssyncadd.s32 @!p1 $0xFFFFC000  }
0x4b: {  	[spmem:s3] =	stream.indirect.scatter.add.f32 @!p1 [tilespmem:s29], [sflag:$0x4], $0x80, s23, s28, $0xb8;
	[tilespmem:$0x1E080] =	vst v63  }
0x4c: {  	_ =	swait.ge @!p1 [sflag:s26], $0x4000  }
0x4d: {  	[sflag:s26] =	ssyncset.done @!p1 $0x0  }
0x4e: {  	s0 =	simm.s32 @!p0 $0x2;
	[sflag:s26] =	ssyncadd.s32 @!p1 $0xFFFFC000  }
.Ltmp0:
0x4f: {  	s24 =	sadd.s32 $0x100, s24;
	_ =	swait.ge @!p0 [sflag:s0], $0x4000;
	(pc) =	sbr.rel @p3 .LBB2_2-.Ltmp0, $4  }
0x50: {  	s23 =	sadd.s32 $0x100, s23;
	s26 =	simm.s32 @!p0 $0x3;
	[sflag:s0] =	ssyncset.done @!p0 $0x0  }
0x51: {  	s28 =	sadd.s32 $0xFFFFFFFF, s30;
	[sflag:s0] =	ssyncadd.s32 @!p0 $0xFFFFC000;
	s0 =	sadd.s32 @!p0 $0x80, s31  }
0x52: {  	[spmem:s3] =	stream.indirect.scatter.add.f32 @!p0 [tilespmem:s5], [sflag:$0x3], $0x80, s0, s2, $0xb8;
	[tilespmem:$0x1E080] =	vst v63  }
0x53: {  	p2 =	sge.u32 s30, s6;
	p1 =	sge.u32 s28, s6;
	_ =	swait.ge @!p0 [sflag:s26], $0x4000  }
0x54: {  	s0 =	simm.s32 @!p1 $0x80;
	[sflag:s26] =	ssyncset.done @!p0 $0x0  }
0x55: {  	s2 =	simm.s32 @!p1 $0x2800;
	s5 =	simm.s32 @!p1 $0x1;
	[sflag:s26] =	ssyncadd.s32 @!p0 $0xFFFFC000  }
0x56: {  	[tilespmem:s2], [sflag:$0x1] =	stream.indirect.gather @!p1 [hbm4b:s1+s0], $0x80, s24, s0, $0xb8;
	[tilespmem:$0x1E080] =	vst v63  }
0x57: {  	s25 =	simm.s32 @!p2 $0x80;
	s26 =	simm.s32 @!p2 $0x6800;
	s24 =	sadd.s32 @!p2 $0x80, s24  }
0x58: {  	[tilespmem:s26], [sflag:$0x2] =	stream.indirect.gather @!p2 [hbm4b:s1+s25], $0x80, s24, s25, $0xb8;
	[tilespmem:$0x1E080] =	vst v63  }
0x59: {  	_ =	swait.ge @!p1 [sflag:s5], $0x4000  }
0x5a: {  	[sflag:s5] =	ssyncset.done @!p1 $0x0  }
0x5b: {  	s24 =	simm.s32 @!p1 $0x4;
	[sflag:s5] =	ssyncadd.s32 @!p1 $0xFFFFC000  }
0x5c: {  	[spmem:s3] =	stream.indirect.scatter.add.f32 @!p1 [tilespmem:s2], [sflag:$0x4], $0x80, s23, s0, $0xb8;
	[tilespmem:$0x1E080] =	vst v63  }
0x5d: {  	_ =	swait.ge @!p1 [sflag:s24], $0x4000  }
0x5e: {  	p0 =	por p2, p2;
	[sflag:s24] =	ssyncset.done @!p1 $0x0  }
0x5f: {  	s0 =	simm.s32 @!p0 $0x2;
	[sflag:s24] =	ssyncadd.s32 @!p1 $0xFFFFC000  }
0x60: {  	_ =	swait.ge @!p0 [sflag:s0], $0x4000  }
0x61: {  	[sflag:s0] =	ssyncset.done @!p0 $0x0  }
0x62: {  	s2 =	simm.s32 @!p0 $0x3;
	[sflag:s0] =	ssyncadd.s32 @!p0 $0xFFFFC000;
	s0 =	sadd.s32 @!p0 $0x80, s23  }
0x63: {  	[spmem:s3] =	stream.indirect.scatter.add.f32 @!p0 [tilespmem:s26], [sflag:$0x3], $0x80, s0, s25, $0xb8;
	[tilespmem:$0x1E080] =	vst v63  }
0x64: {  	_ =	swait.ge @!p0 [sflag:s2], $0x4000  }
0x65: {  	[sflag:s2] =	ssyncset.done @!p0 $0x0  }
0x66: {  	[sflag:s2] =	ssyncadd.s32 @!p0 $0xFFFFC000  }
0x67: {  	[bflag:$0x0] =	sbarrier.arrive $0xFFFF  }
0x68: {  	[tilespmem:s21], [sflag:$0x3] =	stream.linear.gather [spmem:s7], $0x4000, $0x38;
	[tilespmem:$0x1E080] =	vst v63  }
0x69: {  	_ =	swait.ge [sflag:s20], $0x4000  }
0x6a: {  	[sflag:s20] =	ssyncset.done $0x0  }
0x6b: {  	[sflag:s20] =	ssyncadd.s32 $0xFFFFC000  }
0x6c: {  	[hbm4b:s14+s4] =	stream.linear.scatter [tilespmem:s21], [sflag:$0x3], $0x4000, $0x38;
	[tilespmem:$0x1E080] =	vst v63  }
0x6d: {  	_ =	swait.ge [sflag:s20], $0x4000  }
0x6e: {  	[sflag:s20] =	ssyncset.done $0x0  }
0x6f: {  	[sflag:s20] =	ssyncadd.s32 $0xFFFFC000  }
0x70: {  	[tilespmem:s21], [sflag:$0x3] =	stream.linear.gather [spmem:s10], $0x4000, $0x38;
	[tilespmem:$0x1E080] =	vst v63  }
0x71: {  	_ =	swait.ge [sflag:s20], $0x4000  }
0x72: {  	[sflag:s20] =	ssyncset.done $0x0  }
0x73: {  	[sflag:s20] =	ssyncadd.s32 $0xFFFFC000  }
0x74: {  	[hbm4b:s15+s4] =	stream.linear.scatter [tilespmem:s21], [sflag:$0x3], $0x4000, $0x38;
	[tilespmem:$0x1E080] =	vst v63  }
0x75: {  	_ =	swait.ge [sflag:s20], $0x4000  }
0x76: {  	[sflag:s20] =	ssyncset.done $0x0  }
0x77: {  	[sflag:s20] =	ssyncadd.s32 $0xFFFFC000  }
0x78: {  	[tilespmem:s21], [sflag:$0x3] =	stream.linear.gather [spmem:s11], $0x4000, $0x38;
	[tilespmem:$0x1E080] =	vst v63  }
0x79: {  	_ =	swait.ge [sflag:s20], $0x4000  }
0x7a: {  	[sflag:s20] =	ssyncset.done $0x0  }
0x7b: {  	[sflag:s20] =	ssyncadd.s32 $0xFFFFC000  }
0x7c: {  	[hbm4b:s16+s4] =	stream.linear.scatter [tilespmem:s21], [sflag:$0x3], $0x4000, $0x38;
	[tilespmem:$0x1E080] =	vst v63  }
0x7d: {  	_ =	swait.ge [sflag:s20], $0x4000  }
0x7e: {  	[sflag:s20] =	ssyncset.done $0x0  }
0x7f: {  	[sflag:s20] =	ssyncadd.s32 $0xFFFFC000  }
0x80: {  	[tilespmem:s21], [sflag:$0x3] =	stream.linear.gather [spmem:s12], $0x4000, $0x38;
	[tilespmem:$0x1E080] =	vst v63  }
0x81: {  	_ =	swait.ge [sflag:s20], $0x4000  }
0x82: {  	[sflag:s20] =	ssyncset.done $0x0  }
0x83: {  	[sflag:s20] =	ssyncadd.s32 $0xFFFFC000  }
0x84: {  	[hbm4b:s17+s4] =	stream.linear.scatter [tilespmem:s21], [sflag:$0x3], $0x4000, $0x38;
	[tilespmem:$0x1E080] =	vst v63  }
0x85: {  	_ =	swait.ge [sflag:s20], $0x4000  }
0x86: {  	[sflag:s20] =	ssyncset.done $0x0  }
0x87: {  	[sflag:s20] =	ssyncadd.s32 $0xFFFFC000  }
0x88: {  	[tilespmem:s21], [sflag:$0x3] =	stream.linear.gather [spmem:s13], $0x4000, $0x38;
	[tilespmem:$0x1E080] =	vst v63  }
0x89: {  	s22 =	sadd.s32 $0x1, s22;
	_ =	swait.ge [sflag:s20], $0x4000  }
0x8a: {  	p0 =	sne.s32 s22, s19;
	[sflag:s20] =	ssyncset.done $0x0  }
.Ltmp1:
0x8b: {  	[sflag:s20] =	ssyncadd.s32 $0xFFFFC000;
	(pc) =	sbr.rel @p0 .LBB2_1-.Ltmp1, $4  }
0x8c: {  	[hbm4b:s18+s4] =	stream.linear.scatter [tilespmem:s21], [sflag:$0x3], $0x4000, $0x38;
	[tilespmem:$0x1E080] =	vst v63  }
0x8d: {  	_ =	swait.ge [sflag:s20], $0x4000  }
0x8e: {  	[sflag:s20] =	ssyncset.done $0x0  }
0x8f: {  	[sflag:s20] =	ssyncadd.s32 $0xFFFFC000  }
0x90: {  	_ =	sfence.sel $0x180000  }
0x91: {  	[bflag:$0x0] =	sbarrier.arrive $0xFFFF  }
0x92: {  	_ =	strace $0x9000004D  }
0x93: {  	s0 =	stileid.u32;
	[bflag:$0x2] =	sbarrier.arrive $0xFFFF  }
0x94: {  	p0 =	sne.s32 s0, $0x0;
	s0 =	rddreg [dreg:$0x3]  }
0x95: {  	s0 =	sadd.s32 @!p0 $0x100000, s0  }
0x96: {  	[sflag:s0] =	ssyncadd.tile.s32 @!p0 $0x1;
	_ =	shalt  }
.Lfunc_end2:
_tile_overlayer_lowered:
.L_overlay_start_2:
0x97: {  	(tag) =	ssettag $0x2  }
0x98: {  	s0 =	rddreg [dreg:$0x0];
	s2 =	stileid.u32  }
0x99: {  	s1 =	rddreg [dreg:$0x1];
	p0 =	sne.s32 s2, $0x0  }
0x9a: {  	s3 =	rddreg [dreg:$0x2];
	[bflag:$0x3] =	sbarrier.arrive $0xFFFF;
	s2 =	simm.s32 @!p0 $0x1C03  }
0x9b: {  	[timem:s3], [sflag:s2] =	dma.local @!p0 [hbm:s0], s1  }
0x9c: {  	s0 =	simm.s32 @!p0 $0x3  }
0x9d: {  	_ =	swait.ge @!p0 [sflag:s0], s1  }
0x9e: {  	s1 =	ssub.s32 @!p0 $0x0, s1;
	[sflag:s0] =	ssyncset.done @!p0 $0x0  }
0x9f: {  	[sflag:s0] =	ssyncadd.s32 @!p0 s1  }
0xa0: {  	[bflag:$0x3] =	sbarrier.arrive $0xFFFF  }
0xa1: {  	_ =	shalt  }

// kernel: kernel.8.cloned.1.call-start
scs
__scs_entry_jumppad:
0x0: {  	(pc) =	sbr.rel $0x88, $3  }
0x1: {  	(tag) =	ssettag $0x0;
	lr =	simm.s32 $0x1  }
0x2: {  	[smem:$0x3F8E] =	sst lr;
	_ =	strace $0xD0000000  }
0x3: {  	_ = 	snop  }
0x4: {  	_ = 	snop  }
0x5: {  	_ = 	snop  }
0x6: {  	_ = 	snop  }
0x7: {  	_ = 	snop  }
__scs_overlays_trampoline_lowered:
0x8: {  	[smem:$0x3F9D] =	sst s0  }
0x9: {  	[smem:$0x3F9E] =	sst s1  }
0xa: {  	[smem:$0x3F9F] =	sst s2  }
0xb: {  	[smem:$0x3FA0] =	sst s3  }
0xc: {  	[smem:$0x3FA1] =	sst s4  }
0xd: {  	[smem:$0x3FA2] =	sst s5  }
0xe: {  	[smem:$0x3FA3] =	sst s6  }
0xf: {  	[smem:$0x3FA4] =	sst s7  }
0x10: {  	[smem:$0x3FA5] =	sst s8  }
0x11: {  	[smem:$0x3FA6] =	sst s9;
	s0 =	simm.s32 @!p0 $0x0  }
0x12: {  	s1 =	sld [smem:$0x3F8C];
	s0 =	simm.s32 @p0 $0x1  }
0x13: {  	[smem:$0x3FA7] =	sst s0;
	s0 =	simm.s32 @!p1 $0x0  }
0x14: {  	s2 =	sld [smem:$0x3F8B];
	s0 =	simm.s32 @p1 $0x1  }
0x15: {  	[smem:$0x3FA8] =	sst s0;
	s0 =	simm.s32 @!p2 $0x0  }
0x16: {  	s3 =	sld [smem:$0x3FDB];
	s0 =	simm.s32 @p2 $0x1  }
0x17: {  	s4 =	simm.s32 $0x1BF5;
	[smem:$0x3FAA] =	sst s0  }
0x18: {  	s0 =	sld [smem:$0x3F8D];
	_ =	swait.ge [sflag:s4], $0x0  }
0x19: {  	s7 =	sld [smem:$0x3F8E]  }
0x1a: {  	s8 =	sadd.s32 $0xFFFFE003, lr  }
0x1b: {  	s9 =	sadd.s32 $0xFFFFFEF7, lr;
	s5 =	simm.s32 $0xFFFFFFFF;
	p2 =	slt.u32 s8, $0xFFFFF086  }
0x1c: {  	p1 =	slt.u32 s9, $0xF7A;
	s5 =	simm.s32 @!p2 $0x0  }
0x1d: {  	s5 =	simm.s32 @p1 $0x1;
	p0 =	seq.s32 s7, s2  }
0x1e: {  	s7 =	smul.u32 @!p0 $0xF7A, s2;
	p2 =	seq.s32 @!p0 s5, $0x0  }
0x1f: {  	s9 =	smul.u32 $0xF7A, s1;
	s8 =	simm.s32 @!p0 $0x1BF5;
	p2 =	por !p2, p0  }
0x20: {  	[sflag:s8] =	ssyncset.s32 @!p0 $0xFFFFF086;
	s6 =	sadd.s32 @!p0 s3, s7;
	s7 =	simm.s32 @!p0 $0x108  }
0x21: {  	s3 =	sadd.s32 s3, s9;
	s6 =	sadd.s32 @!p0 $0x88, s6;
	s7 =	simm.s32 @p2 $0x1082  }
0x22: {  	[simem:s7], [sflag:s8] =	dma.local @!p0 [hbm:s6], $0xF7A  }
0x23: {  	s9 =	sor.u32 $0xD0000000, s2;
	s6 =	simm.s32 $0x108;
	_ =	swait.ge @!p0 [sflag:s8], $0x0  }
0x24: {  	s3 =	sadd.s32 $0x88, s3;
	s6 =	simm.s32 @!p1 $0x1082;
	[sflag:s4] =	ssyncset.s32 $0xFFFFF086  }
0x25: {  	[simem:s6], [sflag:s4] =	dma.local [hbm:s3], $0xF7A  }
0x26: {  	[smem:$0x3F8E] =	sst s1;
	(tag) =	ssettag s2;
	_ =	strace s9  }
0x27: {  	s1 =	sld [smem:$0x3F9E]  }
0x28: {  	s2 =	sld [smem:$0x3F9F]  }
0x29: {  	s4 =	sld [smem:$0x3FA1]  }
0x2a: {  	p0 =	seq.s32 s5, $0x0;
	s5 =	sld [smem:$0x3FA2]  }
0x2b: {  	s6 =	sld [smem:$0x3FA3]  }
0x2c: {  	s7 =	sld [smem:$0x3FA4]  }
0x2d: {  	s3 =	simm.s32 $0x108;
	s8 =	sld [smem:$0x3FA5]  }
0x2e: {  	s3 =	simm.s32 @!p0 $0x1082;
	s9 =	sld [smem:$0x3FA6]  }
0x2f: {  	lr =	sadd.s32 s0, s3;
	s0 =	sld [smem:$0x3F9D]  }
0x30: {  	s3 =	sld [smem:$0x3FA0]  }
0x31: {  	[smem:$0x3FA9] =	sst s10  }
0x32: {  	s10 =	sld [smem:$0x3FA7];
	_ =	sdelay $0x3  }
0x33: {  	p0 =	seq.s32 s10, $0x1;
	s10 =	sld [smem:$0x3FA9];
	_ =	sdelay $0x3  }
0x34: {  	[smem:$0x3FA9] =	sst s10  }
0x35: {  	s10 =	sld [smem:$0x3FA8];
	_ =	sdelay $0x3  }
0x36: {  	p1 =	seq.s32 s10, $0x1;
	s10 =	sld [smem:$0x3FA9];
	_ =	sdelay $0x3  }
0x37: {  	[smem:$0x3FA9] =	sst s10  }
0x38: {  	s10 =	sld [smem:$0x3FAA]  }
0x39: {  	_ = 	snop;
	(pc) =	sbr.ind lr, $3  }
0x3a: {  	_ = 	snop  }
0x3b: {  	_ = 	snop  }
0x3c: {  	p2 =	seq.s32 s10, $0x1;
	s10 =	sld [smem:$0x3FA9]  }
0x3d: {  	_ =	shalt  }
0x3e: {  	_ =	shalt  }
0x3f: {  	_ =	shalt  }
0x40: {  	_ =	shalt  }
0x41: {  	_ =	shalt  }
0x42: {  	_ =	shalt  }
0x43: {  	_ =	shalt  }
0x44: {  	_ =	shalt  }
0x45: {  	_ =	shalt  }
0x46: {  	_ =	shalt  }
0x47: {  	_ =	shalt  }
0x48: {  	_ =	shalt  }
0x49: {  	_ =	shalt  }
0x4a: {  	_ =	shalt  }
0x4b: {  	_ =	shalt  }
0x4c: {  	_ =	shalt  }
0x4d: {  	_ =	shalt  }
0x4e: {  	_ =	shalt  }
0x4f: {  	_ =	shalt  }
0x50: {  	_ =	shalt  }
0x51: {  	_ =	shalt  }
0x52: {  	_ =	shalt  }
0x53: {  	_ =	shalt  }
0x54: {  	_ =	shalt  }
0x55: {  	_ =	shalt  }
0x56: {  	_ =	shalt  }
0x57: {  	_ =	shalt  }
0x58: {  	_ =	shalt  }
0x59: {  	_ =	shalt  }
0x5a: {  	_ =	shalt  }
0x5b: {  	_ =	shalt  }
0x5c: {  	_ =	shalt  }
0x5d: {  	_ =	shalt  }
0x5e: {  	_ =	shalt  }
0x5f: {  	_ =	shalt  }
0x60: {  	_ =	shalt  }
0x61: {  	_ =	shalt  }
0x62: {  	_ =	shalt  }
0x63: {  	_ =	shalt  }
0x64: {  	_ =	shalt  }
0x65: {  	_ =	shalt  }
0x66: {  	_ =	shalt  }
0x67: {  	_ =	shalt  }
0x68: {  	_ =	shalt  }
0x69: {  	_ =	shalt  }
0x6a: {  	_ =	shalt  }
0x6b: {  	_ =	shalt  }
0x6c: {  	_ =	shalt  }
0x6d: {  	_ =	shalt  }
0x6e: {  	_ =	shalt  }
0x6f: {  	_ =	shalt  }
0x70: {  	_ =	shalt  }
0x71: {  	_ =	shalt  }
0x72: {  	_ =	shalt  }
0x73: {  	_ =	shalt  }
0x74: {  	_ =	shalt  }
0x75: {  	_ =	shalt  }
0x76: {  	_ =	shalt  }
0x77: {  	_ =	shalt  }
0x78: {  	_ =	shalt  }
0x79: {  	_ =	shalt  }
0x7a: {  	_ =	shalt  }
0x7b: {  	_ =	shalt  }
0x7c: {  	_ =	shalt  }
0x7d: {  	_ =	shalt  }
0x7e: {  	_ =	shalt  }
0x7f: {  	_ =	shalt  }
0x80: {  	_ =	shalt  }
0x81: {  	_ =	shalt  }
0x82: {  	_ =	shalt  }
0x83: {  	_ =	shalt  }
0x84: {  	_ =	shalt  }
0x85: {  	_ =	shalt  }
0x86: {  	_ =	shalt  }
0x87: {  	_ =	shalt  }
.Lfunc_end0:
.L_simem_size_0:
called_computation_lowered:
.L_overlay_start_0:
0x88: {  	s2 =	sld [smem:$0x3FD9]  }
0x89: {  	s3 =	sld [smem:$0x3FFE];
	_ =	sdelay $0x1  }
0x8a: {  	s1 =	srdreg.scid  }
0x8b: {  	s0 =	sand.u32 $0x1, s1  }
0x8c: {  	s17 =	sshll.u32 s0, $0xA;
	s2 =	sadd.s32 s3, s2  }
0x8d: {  	s2 =	sadd.s32 s2, s17  }
0x8e: {  	[smem:$0x3FB5] =	sst s2  }
0x8f: {  	_ = 	snop  }
0x90: {  	s2 =	sld [smem:$0x3FC6]  }
0x91: {  	s18 =	sld [smem:$0x3FD0];
	(tm) =	ssettm $0x1  }
0x92: {  	s4 =	sld [smem:$0x3FFB];
	_ =	sdelay $0x3  }
0x93: {  	_ =	strace s4  }
0x94: {  	s4 =	sld [smem:$0x3FFC];
	_ =	sdelay $0x3  }
0x95: {  	_ =	strace s4  }
0x96: {  	s4 =	sld [smem:$0x3FFD];
	_ =	sdelay $0x3  }
0x97: {  	_ =	strace s4  }
0x98: {  	_ =	strace $0x8FFFFFFF  }
0x99: {  	s19 =	sld [smem:$0x3FDB];
	_ =	sdelay $0x1  }
0x9a: {  	s5 =	simm.s32 $_scs_section_size  }
0x9b: {  	s6 =	simm.s32 $_size__tile_overlayer_lowered;
	s7 =	simm.s32 $_tile_overlayer_lowered  }
0x9c: {  	s22 =	simm.s32 $0x1BFF;
	s21 =	sshll.u32 s7, $0x1;
	s4 =	sadd.s32 s5, s19  }
0x9d: {  	s8 =	simm.s32 $0x0;
	s20 =	sshll.u32 s6, $0x1;
	s6 =	sadd.s32 s21, s4  }
0x9e: {  	[timem:s8], [sflag:s22] =	dma.local [hbm:s6], s20  }
0x9f: {  	_ =	swait.ge [sflag:s22], s20  }
0xa0: {  	s5 =	ssub.s32 $0x0, s20;
	[sflag:s22] =	ssyncset.done $0x0  }
0xa1: {  	[sflag:s22] =	ssyncadd.s32 s5;
	_ =	sdelay $0x1  }
0xa2: {  	s23 =	simm.s32 $0x1B8B  }
0xa3: {  	_ =	swait.ge [sflag:s23], $0x1  }
0xa4: {  	[sflag:s23] =	ssyncset.done $0x0  }
0xa5: {  	s25 =	simm.s32 $0x1B8E;
	s24 =	sld [smem:$0x3FFE];
	[sflag:s23] =	ssyncadd.s32 $0xFFFFFFFF  }
0xa6: {  	s26 =	simm.s32 $execute0_lowered;
	[smem:$0x3FD2] =	sst s25  }
0xa7: {  	s6 =	sshll.u32 s26, $0x1;
	_ =	strace $0x80000046;
	[dreg:$0x1] =	wrdreg $0xFFFFFFFF  }
0xa8: {  	s28 =	simm.s32 $_size_execute0_lowered;
	s4 =	sadd.s32 s4, s6;
	[dreg:$0x0] =	wrdreg $0x0  }
0xa9: {  	s6 =	sshll.u32 s28, $0x1;
	[dreg:$0x2] =	wrdreg s4  }
0xaa: {  	[dreg:$0x3] =	wrdreg s6  }
0xab: {  	[dreg:$0x4] =	wrdreg $0xC0  }
0xac: {  	_ =	task [dreg:s8], $0x5FFFF  }
0xad: {  	[dreg:$0x1] =	wrdreg $0xFFFFFFFF  }
0xae: {  	[dreg:$0x0] =	wrdreg $0x60  }
0xaf: {  	[dreg:$0x2] =	wrdreg s2  }
0xb0: {  	[dreg:$0x3] =	wrdreg s24  }
0xb1: {  	[dreg:$0x4] =	wrdreg s18  }
0xb2: {  	[dreg:$0x5] =	wrdreg $0x12D000  }
0xb3: {  	[dreg:$0x6] =	wrdreg $0x12F780  }
0xb4: {  	[dreg:$0x7] =	wrdreg $0x9  }
0xb5: {  	_ =	task.clear_ibuf [dreg:s8], $0x8FFFF;
	_ =	strace $0x90000046  }
0xb6: {  	s29 =	simm.s32 $0x9;
	_ =	strace $0x80000048  }
0xb7: {  	_ =	swait.ge [sflag:s29], $0x1  }
0xb8: {  	[sflag:s29] =	ssyncadd.s32 $0xFFFFFFFF  }
0xb9: {  	_ =	strace $0x90000048  }
0xba: {  	_ =	sfence  }
0xbb: {  	s30 =	sld [smem:$0x0];
	_ =	sdelay $0x2  }
0xbc: {  	s31 =	sshll.u32 s1, $0xD;
	s1 =	sshrl.u32 s1, $0x2  }
0xbd: {  	s3 =	sand.u32 $0x4000, s31;
	s1 =	sadd.s32 s1, s30  }
0xbe: {  	s0 =	sor.u32 s3, s0;
	s1 =	sshll.u32 s1, $0x11  }
0xbf: {  	s0 =	sor.u32 s1, s0  }
0xc0: {  	s0 =	sadd.s32 $0x8F2B, s0  }
0xc1: {  	[sflag:s0] =	ssyncadd.remote.s32 $0x1  }
0xc2: {  	_ =	sfence.sel $0xFFFF  }
0xc3: {  	[dreg:$0x0] =	wrdreg $0xFFFFFFFF;
	(pc) =	sbr.abs _section_cstart, $3  }
0xc4: {  	[dreg:$0x1] =	wrdreg $0xFFFFFFFF  }
0xc5: {  	_ =	task.clear_ibuf [dreg:s8], $0x2FFFF;
	_ =	strace $0x9FFFFFFF  }
0xc6: {  	(tm) =	ssettm $0x7FFFFFFF  }
0xc7: {  	_ =	shalt  }
tec
execute0_lowered:
.L_overlay_start_1:
0x0: {  	(tag) =	ssettag $0x1  }
0x1: {  	s1 =	rddreg [dreg:$0x0]  }
0x2: {  	s0 =	rddreg [dreg:$0x1]  }
0x3: {  	s2 =	rddreg [dreg:$0x2];
	s4 =	srdreg.scid  }
0x4: {  	s24 =	stileid.u32;
	s3 =	rddreg [dreg:$0x3]  }
0x5: {  	s28 =	simm.s32 $0x2A00;
	s29 =	simm.s32 $0x6A00;
	s30 =	simm.s32 $0x200  }
0x6: {  	s31 =	simm.s32 $0x1600;
	s6 =	sand.u32 $0x1, s4;
	s5 =	sshll.u32 s24, $0x1  }
0x7: {  	s4 =	rddreg [dreg:$0x4];
	s8 =	smul.u32 $0x280, s24;
	s11 =	sadd.s32 $0x8A00, s0  }
0x8: {  	s25 =	sadd.s32 $0x9200, s0;
	s26 =	sadd.s32 $0x9000, s0;
	s20 =	sadd.s32 $0x8EE0, s0  }
0x9: {  	s7 =	sor.u32 s6, s5;
	s5 =	simm.s32 $0x0;
	s10 =	smul.u32 $0x2710, s6  }
0xa: {  	s6 =	ssub.s32 $0x2, s6;
	s9 =	smul.u32 $0x280, s7;
	[smem:$0x7FF] =	sst s5  }
0xb: {  	s16 =	smin.u32 s8, $0x2490;
	s14 =	sshrl.u32 s6, $0x1;
	p0 =	seq.s32 s7, $0x1F  }
0xc: {  	s8 =	simm.s32 $0xA;
	s17 =	sor.u32 $0x20, s7;
	s19 =	sor.u32 $0x40, s7  }
0xd: {  	s23 =	sshll.u32 s7, $0xB;
	_ =	strace $0x80000047;
	[dreg:$0x6] =	wrdreg s25  }
0xe: {  	p1 =	sne.s32 s7, $0x0;
	[dreg:$0x7] =	wrdreg s26;
	s13 =	sadd.s32 s10, s16  }
0xf: {  	s10 =	sadd.s32 $0xA800, s0;
	s6 =	ssub.s32 s6, s14;
	s8 =	simm.s32 @!p0 $0x28  }
0x10: {  	s14 =	sshll.u32 s7, $0x4;
	s15 =	sshll.u32 s17, $0x4;
	s18 =	sshll.u32 s19, $0x4  }
0x11: {  	[dreg:$0xb] =	wrdreg s20;
	s25 =	sshll.u32 s17, $0xB;
	s26 =	sshll.u32 s19, $0xB  }
0x12: {  	s20 =	sadd.s32 $0x31800, s0;
	p0 =	sgt.u32 s24, $0x6;
	s24 =	simm.s32 $0x2  }
0x13: {  	s12 =	sadd.s32 s9, s0;
	s13 =	sshrl.u32 s13, $0x3;
	s2 =	sadd.s32 s2, s9  }
0x14: {  	s19 =	sadd.s32 s10, s26;
	s26 =	simm.s32 $0x80;
	s22 =	sadd.s32 s13, s0  }
0x15: {  	s13 =	sadd.s32 s11, s14;
	[dreg:$0xc] =	wrdreg s2;
	s21 =	sadd.s32 $0x3A00, s12  }
0x16: {  	s2 =	sadd.s32 s10, s23;
	s23 =	smax.u32 s6, $0x1;
	s0 =	simm.s32 $0x1  }
0x17: {  	s6 =	simm.s32 $0x0;
	[dreg:$0x8] =	wrdreg s13;
	s13 =	sadd.s32 s11, s15  }
0x18: {  	s11 =	sadd.s32 s11, s18;
	[dreg:$0xd] =	wrdreg s21;
	s15 =	sadd.s32 s16, s3  }
0x19: {  	s16 =	sadd.s32 s16, s4;
	[dreg:$0xe] =	wrdreg s2;
	s18 =	sadd.s32 s10, s25  }
0x1a: {  	s21 =	sadd.s32 $0x9400, s22;
	s22 =	sadd.s32 $0x9E00, s22;
	[dreg:$0x9] =	wrdreg s13  }
0x1b: {  	s25 =	simm.s32 $0x5;
	s2 =	simm.s32 $0x12A80;
	[dreg:$0xa] =	wrdreg s11  }
.LBB2_1:
0x1c: {  	s7 =	rddreg [dreg:$0x6];
	s9 =	simm.s32 $0x12A00  }
0x1d: {  	[tilespmem:s9], [sflag:$0x5] =	stream.linear.gather [hbm4b:s7+s5], $0x80, $0x38;
	[tilespmem:$0x131F0] =	vst v63  }
0x1e: {  	_ =	swait.ge [sflag:s25], $0x80  }
0x1f: {  	[sflag:s25] =	ssyncset.done $0x0  }
0x20: {  	s12 =	rddreg [dreg:$0x8];
	[sflag:s25] =	ssyncadd.s32 $0xFFFFFF80  }
0x21: {  	[tilespmem:s5], [sflag:$0x5] =	stream.linear.gather [hbm4b:s12+s5], $0x80, $0x38;
	[tilespmem:$0x131F0] =	vst v63  }
0x22: {  	_ =	swait.ge [sflag:s25], $0x80  }
0x23: {  	[sflag:s25] =	ssyncset.done $0x0  }
0x24: {  	[sflag:s25] =	ssyncadd.s32 $0xFFFFFF80  }
0x25: {  	[tilespmem:s28], [sflag:$0x1] =	stream.indirect.gather [hbm4b:s1+s26], $0x80, s5, s26, $0xb8;
	[tilespmem:$0x131F0] =	vst v63  }
0x26: {  	s13 =	rddreg [dreg:$0x9]  }
0x27: {  	[tilespmem:s26], [sflag:$0x5] =	stream.linear.gather [hbm4b:s13+s5], $0x80, $0x38;
	[tilespmem:$0x131F0] =	vst v63  }
0x28: {  	_ =	swait.ge [sflag:s25], $0x80  }
0x29: {  	[sflag:s25] =	ssyncset.done $0x0  }
0x2a: {  	[sflag:s25] =	ssyncadd.s32 $0xFFFFFF80  }
0x2b: {  	[tilespmem:s29], [sflag:$0x2] =	stream.indirect.gather [hbm4b:s1+s26], $0x80, s26, s26, $0xb8;
	[tilespmem:$0x131F0] =	vst v63  }
0x2c: {  	s7 =	simm.s32 @!p0 $0x0;
	s9 =	simm.s32 @!p0 $0x100;
	s10 =	rddreg [dreg:$0xa]  }
0x2d: {  	[tilespmem:s9], [sflag:$0x5] =	stream.linear.gather @!p0 [hbm4b:s10+s7], $0x80, $0x38;
	[tilespmem:$0x131F0] =	vst v63  }
0x2e: {  	s10 =	simm.s32 @!p0 $0x5  }
0x2f: {  	_ =	swait.ge @!p0 [sflag:s10], $0x80  }
0x30: {  	[sflag:s10] =	ssyncset.done @!p0 $0x0  }
0x31: {  	s11 =	simm.s32 @!p0 $0x80;
	s12 =	simm.s32 @!p0 $0xAA00;
	[sflag:s10] =	ssyncadd.s32 @!p0 $0xFFFFFF80  }
0x32: {  	[tilespmem:s12], [sflag:$0x3] =	stream.indirect.gather @!p0 [hbm4b:s1+s11], $0x80, s9, s11, $0xb8;
	[tilespmem:$0x131F0] =	vst v63  }
0x33: {  	s13 =	rddreg [dreg:$0xb];
	s9 =	simm.s32 @!p1 $0x0;
	s11 =	simm.s32 @!p1 $0x180  }
0x34: {  	[tilespmem:s11], [sflag:$0x5] =	stream.linear.gather @!p1 [hbm4b:s13+s9], $0x10, $0x38;
	[tilespmem:$0x131F0] =	vst v63  }
0x35: {  	s13 =	simm.s32 @!p1 $0x5  }
0x36: {  	_ =	swait.ge @!p1 [sflag:s13], $0x10  }
0x37: {  	[sflag:s13] =	ssyncset.done @!p1 $0x0  }
0x38: {  	s14 =	simm.s32 @!p1 $0x10;
	s17 =	simm.s32 @!p1 $0xEA00;
	[sflag:s13] =	ssyncadd.s32 @!p1 $0xFFFFFFF0  }
0x39: {  	[tilespmem:s17], [sflag:$0x4] =	stream.indirect.gather @!p1 [hbm4b:s1+s14], $0x80, s11, s14, $0xb8;
	[tilespmem:$0x131F0] =	vst v63  }
0x3a: {  	s14 =	rddreg [dreg:$0xc]  }
0x3b: {  	[tilespmem:s30], [sflag:$0x5] =	stream.linear.gather [hbm4b:s14+s5], $0x1400, $0x38;
	[tilespmem:$0x131F0] =	vst v63  }
0x3c: {  	_ =	swait.ge [sflag:s25], $0x1400  }
0x3d: {  	[sflag:s25] =	ssyncset.done $0x0  }
0x3e: {  	s14 =	rddreg [dreg:$0xd];
	[sflag:s25] =	ssyncadd.s32 $0xFFFFEC00  }
0x3f: {  	[tilespmem:s31], [sflag:$0x5] =	stream.linear.gather [hbm4b:s14+s5], $0x1400, $0x38;
	[tilespmem:$0x131F0] =	vst v63  }
0x40: {  	_ =	swait.ge [sflag:s25], $0x1400  }
0x41: {  	[sflag:s25] =	ssyncset.done $0x0  }
0x42: {  	s14 =	rddreg [dreg:$0x7];
	[sflag:s25] =	ssyncadd.s32 $0xFFFFEC00  }
0x43: {  	[tilespmem:s2], [sflag:$0x5] =	stream.linear.gather [hbm4b:s14+s5], $0x280, $0x38;
	[tilespmem:$0x131F0] =	vst v63  }
0x44: {  	_ =	swait.ge [sflag:s25], $0x280  }
0x45: {  	[sflag:s25] =	ssyncset.done $0x0  }
0x46: {  	[sflag:s25] =	ssyncadd.s32 $0xFFFFFD80  }
0x47: {  	[spmem:s15] =	stream.linear.scatter [tilespmem:s2], [sflag:$0x5], $0x280, $0x38;
	[tilespmem:$0x131F0] =	vst v63  }
0x48: {  	_ =	swait.ge [sflag:s25], $0x280  }
0x49: {  	[sflag:s25] =	ssyncset.done $0x0  }
0x4a: {  	[sflag:s25] =	ssyncadd.s32 $0xFFFFFD80  }
0x4b: {  	[spmem:s16] =	stream.linear.scatter [tilespmem:s2], [sflag:$0x5], $0x280, $0x38;
	[tilespmem:$0x131F0] =	vst v63  }
0x4c: {  	_ =	swait.ge [sflag:s25], $0x280  }
0x4d: {  	[sflag:s25] =	ssyncset.done $0x0  }
0x4e: {  	[sflag:s25] =	ssyncadd.s32 $0xFFFFFD80  }
0x4f: {  	_ =	swait.ge [sflag:s0], $0x4000  }
0x50: {  	[sflag:s0] =	ssyncset.done $0x0  }
0x51: {  	s14 =	rddreg [dreg:$0xe];
	[sflag:s0] =	ssyncadd.s32 $0xFFFFC000  }
0x52: {  	[hbm4b:s14+s5] =	stream.linear.scatter [tilespmem:s28], [sflag:$0x5], $0x4000, $0x38;
	[tilespmem:$0x131F0] =	vst v63  }
0x53: {  	_ =	swait.ge [sflag:s25], $0x4000  }
0x54: {  	[sflag:s25] =	ssyncset.done $0x0  }
0x55: {  	[sflag:s25] =	ssyncadd.s32 $0xFFFFC000  }
0x56: {  	_ =	swait.ge [sflag:s24], $0x4000  }
0x57: {  	[sflag:s24] =	ssyncset.done $0x0  }
0x58: {  	[sflag:s24] =	ssyncadd.s32 $0xFFFFC000  }
0x59: {  	[hbm4b:s18+s5] =	stream.linear.scatter [tilespmem:s29], [sflag:$0x5], $0x4000, $0x38;
	[tilespmem:$0x131F0] =	vst v63  }
0x5a: {  	_ =	swait.ge [sflag:s25], $0x4000  }
0x5b: {  	[sflag:s25] =	ssyncset.done $0x0  }
0x5c: {  	s11 =	simm.s32 @!p0 $0x3;
	[sflag:s25] =	ssyncadd.s32 $0xFFFFC000  }
0x5d: {  	_ =	swait.ge @!p0 [sflag:s11], $0x4000  }
0x5e: {  	[sflag:s11] =	ssyncset.done @!p0 $0x0  }
0x5f: {  	[sflag:s11] =	ssyncadd.s32 @!p0 $0xFFFFC000  }
0x60: {  	[hbm4b:s19+s7] =	stream.linear.scatter @!p0 [tilespmem:s12], [sflag:$0x5], $0x4000, $0x38;
	[tilespmem:$0x131F0] =	vst v63  }
0x61: {  	_ =	swait.ge @!p0 [sflag:s10], $0x4000  }
0x62: {  	[sflag:s10] =	ssyncset.done @!p0 $0x0  }
0x63: {  	s7 =	simm.s32 @!p1 $0x4;
	[sflag:s10] =	ssyncadd.s32 @!p0 $0xFFFFC000  }
0x64: {  	_ =	swait.ge @!p1 [sflag:s7], $0x800  }
0x65: {  	[sflag:s7] =	ssyncset.done @!p1 $0x0  }
0x66: {  	[sflag:s7] =	ssyncadd.s32 @!p1 $0xFFFFF800  }
0x67: {  	[hbm4b:s20+s9] =	stream.linear.scatter @!p1 [tilespmem:s17], [sflag:$0x5], $0x800, $0x38;
	[tilespmem:$0x131F0] =	vst v63  }
0x68: {  	_ =	swait.ge @!p1 [sflag:s13], $0x800  }
0x69: {  	[sflag:s13] =	ssyncset.done @!p1 $0x0  }
0x6a: {  	p3 =	sle.u32 s8, $0x0;
	[sflag:s13] =	ssyncadd.s32 @!p1 $0xFFFFF800  }
0x6b: {  	s7 =	simm.s32 @!p3 $0x80;
	s9 =	simm.s32 @!p3 $0x12A00;
	[bflag:$0x0] =	sbarrier.arrive $0xFFFF  }
0x6c: {  	[spmem:s3] =	stream.indirect.scatter.add.f32 @!p3 [tilespmem:s9], [sflag:$0x1], $0x1, s30, s7, $0xb8;
	[tilespmem:$0x131F0] =	vst v63  }
0x6d: {  	p2 =	sle.u32 s8, $0x1  }
0x6e: {  	[spmem:s4] =	stream.indirect.scatter.add.f32 @!p3 [tilespmem:s9], [sflag:$0x2], $0x1, s31, s7, $0xb8;
	[tilespmem:$0x131F0] =	vst v63  }
0x6f: {  	s10 =	simm.s32 @!p2 $0x12A00;
	s7 =	simm.s32 @!p2 $0x280;
	s9 =	simm.s32 @!p2 $0x80  }
0x70: {  	[spmem:s3] =	stream.indirect.scatter.add.f32 @!p2 [tilespmem:s10], [sflag:$0x3], $0x1, s7, s9, $0xb8;
	[tilespmem:$0x131F0] =	vst v63  }
0x71: {  	s11 =	simm.s32 @!p3 $0x1;
	s7 =	simm.s32 @!p2 $0x1680  }
0x72: {  	[spmem:s4] =	stream.indirect.scatter.add.f32 @!p2 [tilespmem:s10], [sflag:$0x4], $0x1, s7, s9, $0xb8;
	[tilespmem:$0x131F0] =	vst v63  }
0x73: {  	_ =	swait.ge @!p3 [sflag:s11], $0x80  }
0x74: {  	[sflag:s11] =	ssyncset.done @!p3 $0x0  }
0x75: {  	s7 =	simm.s32 @!p3 $0x2;
	[sflag:s11] =	ssyncadd.s32 @!p3 $0xFFFFFF80  }
0x76: {  	_ =	swait.ge @!p3 [sflag:s7], $0x80  }
0x77: {  	[sflag:s7] =	ssyncset.done @!p3 $0x0  }
0x78: {  	s9 =	simm.s32 @!p2 $0x3;
	[sflag:s7] =	ssyncadd.s32 @!p3 $0xFFFFFF80  }
0x79: {  	_ =	swait.ge @!p2 [sflag:s9], $0x80  }
0x7a: {  	[sflag:s9] =	ssyncset.done @!p2 $0x0  }
0x7b: {  	s12 =	simm.s32 @!p2 $0x4;
	s10 =	simm.s32 $0x300;
	[sflag:s9] =	ssyncadd.s32 @!p2 $0xFFFFFF80  }
0x7c: {  	s11 =	simm.s32 $0x5;
	s7 =	simm.s32 $0x3;
	_ =	swait.ge @!p2 [sflag:s12], $0x80  }
0x7d: {  	p3 =	sle.u32 s8, $0x2;
	s9 =	simm.s32 $0x1700;
	[sflag:s12] =	ssyncset.done @!p2 $0x0  }
.LBB2_2:
0x7e: {  	s13 =	simm.s32 @!p3 $0x80;
	s14 =	simm.s32 @!p3 $0x12A00;
	[sflag:s12] =	ssyncadd.s32 @!p2 $0xFFFFFF80  }
0x7f: {  	[spmem:s3] =	stream.indirect.scatter.add.f32 @!p3 [tilespmem:s14], [sflag:$0x1], $0x1, s10, s13, $0xb8;
	[tilespmem:$0x131F0] =	vst v63  }
0x80: {  	p2 =	sge.u32 s7, s8;
	s7 =	smov.u32 s11;
	s11 =	sadd.s32 $0x2, s11  }
0x81: {  	[spmem:s4] =	stream.indirect.scatter.add.f32 @!p3 [tilespmem:s14], [sflag:$0x2], $0x1, s9, s13, $0xb8;
	[tilespmem:$0x131F0] =	vst v63  }
0x82: {  	s12 =	sadd.s32 @!p2 $0x80, s10;
	s13 =	simm.s32 @!p2 $0x80;
	s14 =	simm.s32 @!p2 $0x12A00  }
0x83: {  	[spmem:s3] =	stream.indirect.scatter.add.f32 @!p2 [tilespmem:s14], [sflag:$0x3], $0x1, s12, s13, $0xb8;
	[tilespmem:$0x131F0] =	vst v63  }
0x84: {  	s17 =	simm.s32 @!p3 $0x1;
	p4 =	sne.s32 s11, $0x29;
	s12 =	sadd.s32 @!p2 $0x80, s9  }
0x85: {  	[spmem:s4] =	stream.indirect.scatter.add.f32 @!p2 [tilespmem:s14], [sflag:$0x4], $0x1, s12, s13, $0xb8;
	[tilespmem:$0x131F0] =	vst v63  }
0x86: {  	_ =	swait.ge @!p3 [sflag:s17], $0x80  }
0x87: {  	[sflag:s17] =	ssyncset.done @!p3 $0x0  }
0x88: {  	s12 =	simm.s32 @!p3 $0x2;
	[sflag:s17] =	ssyncadd.s32 @!p3 $0xFFFFFF80  }
0x89: {  	_ =	swait.ge @!p3 [sflag:s12], $0x80  }
0x8a: {  	[sflag:s12] =	ssyncset.done @!p3 $0x0  }
0x8b: {  	[sflag:s12] =	ssyncadd.s32 @!p3 $0xFFFFFF80;
	s12 =	simm.s32 @!p2 $0x3  }
.Ltmp0:
0x8c: {  	_ =	swait.ge @!p2 [sflag:s12], $0x80;
	(pc) =	sbr.rel @p4 .LBB2_2-.Ltmp0, $4  }
0x8d: {  	[sflag:s12] =	ssyncset.done @!p2 $0x0  }
0x8e: {  	[sflag:s12] =	ssyncadd.s32 @!p2 $0xFFFFFF80;
	s12 =	simm.s32 @!p2 $0x4  }
0x8f: {  	s10 =	sadd.s32 $0x100, s10;
	s13 =	sadd.s32 $0xFFFFFFFF, s7;
	_ =	swait.ge @!p2 [sflag:s12], $0x80  }
0x90: {  	s9 =	sadd.s32 $0x100, s9;
	p3 =	sge.u32 s13, s8;
	[sflag:s12] =	ssyncset.done @!p2 $0x0  }
0x91: {  	s11 =	simm.s32 @!p3 $0x80;
	s13 =	simm.s32 @!p3 $0x12A00;
	[sflag:s12] =	ssyncadd.s32 @!p2 $0xFFFFFF80  }
0x92: {  	[spmem:s3] =	stream.indirect.scatter.add.f32 @!p3 [tilespmem:s13], [sflag:$0x1], $0x1, s10, s11, $0xb8;
	[tilespmem:$0x131F0] =	vst v63  }
0x93: {  	p2 =	sge.u32 s7, s8  }
0x94: {  	[spmem:s4] =	stream.indirect.scatter.add.f32 @!p3 [tilespmem:s13], [sflag:$0x2], $0x1, s9, s11, $0xb8;
	[tilespmem:$0x131F0] =	vst v63  }
0x95: {  	s7 =	sadd.s32 @!p2 $0x80, s10;
	s10 =	simm.s32 @!p2 $0x80;
	s11 =	simm.s32 @!p2 $0x12A00  }
0x96: {  	[spmem:s3] =	stream.indirect.scatter.add.f32 @!p2 [tilespmem:s11], [sflag:$0x3], $0x1, s7, s10, $0xb8;
	[tilespmem:$0x131F0] =	vst v63  }
0x97: {  	s7 =	sadd.s32 @!p2 $0x80, s9;
	s9 =	simm.s32 @!p3 $0x1  }
0x98: {  	[spmem:s4] =	stream.indirect.scatter.add.f32 @!p2 [tilespmem:s11], [sflag:$0x4], $0x1, s7, s10, $0xb8;
	[tilespmem:$0x131F0] =	vst v63  }
0x99: {  	_ =	swait.ge @!p3 [sflag:s9], $0x80  }
0x9a: {  	[sflag:s9] =	ssyncset.done @!p3 $0x0  }
0x9b: {  	s7 =	simm.s32 @!p3 $0x2;
	[sflag:s9] =	ssyncadd.s32 @!p3 $0xFFFFFF80  }
0x9c: {  	_ =	swait.ge @!p3 [sflag:s7], $0x80  }
0x9d: {  	[sflag:s7] =	ssyncset.done @!p3 $0x0  }
0x9e: {  	[sflag:s7] =	ssyncadd.s32 @!p3 $0xFFFFFF80;
	s7 =	simm.s32 @!p2 $0x3  }
0x9f: {  	_ =	swait.ge @!p2 [sflag:s7], $0x80  }
0xa0: {  	[sflag:s7] =	ssyncset.done @!p2 $0x0  }
0xa1: {  	[sflag:s7] =	ssyncadd.s32 @!p2 $0xFFFFFF80;
	s7 =	simm.s32 @!p2 $0x4  }
0xa2: {  	_ =	swait.ge @!p2 [sflag:s7], $0x80  }
0xa3: {  	[sflag:s7] =	ssyncset.done @!p2 $0x0  }
0xa4: {  	[sflag:s7] =	ssyncadd.s32 @!p2 $0xFFFFFF80  }
0xa5: {  	[bflag:$0x0] =	sbarrier.arrive $0xFFFF  }
0xa6: {  	[tilespmem:s2], [sflag:$0x5] =	stream.linear.gather [spmem:s15], $0x280, $0x38;
	[tilespmem:$0x131F0] =	vst v63  }
0xa7: {  	_ =	swait.ge [sflag:s25], $0x280  }
0xa8: {  	[sflag:s25] =	ssyncset.done $0x0  }
0xa9: {  	[sflag:s25] =	ssyncadd.s32 $0xFFFFFD80  }
0xaa: {  	[hbm4b:s21+s5] =	stream.linear.scatter [tilespmem:s2], [sflag:$0x5], $0x280, $0x38;
	[tilespmem:$0x131F0] =	vst v63  }
0xab: {  	_ =	swait.ge [sflag:s25], $0x280  }
0xac: {  	[sflag:s25] =	ssyncset.done $0x0  }
0xad: {  	[sflag:s25] =	ssyncadd.s32 $0xFFFFFD80  }
0xae: {  	[tilespmem:s2], [sflag:$0x5] =	stream.linear.gather [spmem:s16], $0x280, $0x38;
	[tilespmem:$0x131F0] =	vst v63  }
0xaf: {  	s6 =	sadd.s32 $0x1, s6;
	_ =	swait.ge [sflag:s25], $0x280  }
0xb0: {  	p2 =	sne.s32 s6, s23;
	[sflag:s25] =	ssyncset.done $0x0  }
.Ltmp1:
0xb1: {  	[sflag:s25] =	ssyncadd.s32 $0xFFFFFD80;
	(pc) =	sbr.rel @p2 .LBB2_1-.Ltmp1, $4  }
0xb2: {  	[hbm4b:s22+s5] =	stream.linear.scatter [tilespmem:s2], [sflag:$0x5], $0x280, $0x38;
	[tilespmem:$0x131F0] =	vst v63  }
0xb3: {  	_ =	swait.ge [sflag:s25], $0x280  }
0xb4: {  	[sflag:s25] =	ssyncset.done $0x0  }
0xb5: {  	[sflag:s25] =	ssyncadd.s32 $0xFFFFFD80  }
0xb6: {  	_ =	sfence.sel $0x180000  }
0xb7: {  	[bflag:$0x0] =	sbarrier.arrive $0xFFFF  }
0xb8: {  	_ =	strace $0x90000047  }
0xb9: {  	s0 =	stileid.u32;
	[bflag:$0x2] =	sbarrier.arrive $0xFFFF  }
0xba: {  	p0 =	sne.s32 s0, $0x0;
	s0 =	rddreg [dreg:$0x5]  }
0xbb: {  	s0 =	sadd.s32 @!p0 $0x100000, s0  }
0xbc: {  	[sflag:s0] =	ssyncadd.tile.s32 @!p0 $0x1;
	_ =	shalt  }
.Lfunc_end2:
_tile_overlayer_lowered:
.L_overlay_start_2:
0xbd: {  	(tag) =	ssettag $0x2  }
0xbe: {  	s0 =	rddreg [dreg:$0x0];
	s2 =	stileid.u32  }
0xbf: {  	s1 =	rddreg [dreg:$0x1];
	p0 =	sne.s32 s2, $0x0  }
0xc0: {  	s3 =	rddreg [dreg:$0x2];
	[bflag:$0x3] =	sbarrier.arrive $0xFFFF;
	s2 =	simm.s32 @!p0 $0x1C05  }
0xc1: {  	[timem:s3], [sflag:s2] =	dma.local @!p0 [hbm:s0], s1  }
0xc2: {  	s0 =	simm.s32 @!p0 $0x5  }
0xc3: {  	_ =	swait.ge @!p0 [sflag:s0], s1  }
0xc4: {  	s1 =	ssub.s32 @!p0 $0x0, s1;
	[sflag:s0] =	ssyncset.done @!p0 $0x0  }
0xc5: {  	[sflag:s0] =	ssyncadd.s32 @!p0 s1  }
0xc6: {  	[bflag:$0x3] =	sbarrier.arrive $0xFFFF  }
0xc7: {  	_ =	shalt  }

</sc_bundles>
